<compile_context>
chip_gen: v7x
topology: tpu7x:2x2x1
jax: 0.10.2.dev20260603
libtpu: 0.0.44.dev20260713+nightly
codegen_flags: <defaults>
</compile_context>

<pallas_src>
import functools

import jax
import jax.numpy as jnp
from jax import lax
from jax.experimental import pallas as pl
from jax.experimental.pallas import tpu as pltpu
from jax.experimental.pallas import tpu_sc as plsc

_B, _L, _M, _D = 4096, 256, 64, 2

_SC_B = 512
_TC_B = _B - _SC_B

_NC, _NS = 2, 16
_NW = _NC * _NS
_SPW = _SC_B // _NW
_SBLK = 8
_MC = _M // 16



def _prep_body(eps_ref, dlt_ref, c_ref):
    eps = eps_ref[...]
    le0 = jnp.log(eps[0])
    le1 = jnp.log(eps[1])
    dlt_ref[...] = (le1 - le0).T
    c_ref[...] = jnp.sum(le0, axis=1)


def _prep(epsilon):
    return pl.pallas_call(
        _prep_body,
        out_shape=(
            jax.ShapeDtypeStruct((_L, _M), jnp.float32),
            jax.ShapeDtypeStruct((_M,), jnp.float32),
        ),
    )(epsilon)



def _sc_body(s_hbm, dlt_hbm, c_hbm, out_hbm, s_v, dl_v, c_v, t_v, o_v):
    wid = lax.axis_index("s") * _NC + lax.axis_index("c")
    base = wid * _SPW
    pltpu.sync_copy(s_hbm.at[pl.ds(base * _L, _SPW * _L)], s_v)
    pltpu.sync_copy(dlt_hbm, dl_v)
    pltpu.sync_copy(c_hbm, c_v)

    cvecs = [c_v[pl.ds(16 * k, 16)] for k in range(_MC)]
    lane = lax.iota(jnp.int32, 16)

    def bblk(i, _):
        b0 = i * _SBLK

        def site_grp(g, accs):
            l0 = g * 16
            svecs = [
                s_v[pl.ds((b0 + j) * _L + l0, 16)].astype(jnp.float32)
                for j in range(_SBLK)
            ]
            accs = list(accs)
            for jj in range(16):
                l = l0 + jj
                rows = [dl_v[pl.ds(l * _M + 16 * k, 16)] for k in range(_MC)]
                for j in range(_SBLK):
                    sj = lax.broadcast_in_dim(svecs[j][jj], (16,), ())
                    for k in range(_MC):
                        accs[j * _MC + k] = accs[j * _MC + k] + sj * rows[k]
            return tuple(accs)

        init = tuple(cvecs[k] for j in range(_SBLK) for k in range(_MC))
        accs = lax.fori_loop(0, _L // 16, site_grp, init)
        for j in range(_SBLK):
            for k in range(_MC):
                t_v[pl.ds((b0 + j) * _M + 16 * k, 16)] = accs[j * _MC + k]
        return 0

    lax.fori_loop(0, _SPW // _SBLK, bblk, 0)

    def mred(m, oaccs):
        return tuple(
            oaccs[g]
            + jnp.exp(plsc.load_gather(t_v, [(16 * g + lane) * _M + m]))
            for g in range(_SPW // 16)
        )

    zeros = tuple(jnp.zeros((16,), jnp.float32) for _ in range(_SPW // 16))
    oaccs = lax.fori_loop(0, _M, mred, zeros)
    for g in range(_SPW // 16):
        o_v[pl.ds(16 * g, 16)] = oaccs[g]
    pltpu.sync_copy(o_v, out_hbm.at[pl.ds(base, _SPW)])


def _sc_call(s_flat, dlt_flat, c):
    mesh = plsc.VectorSubcoreMesh(core_axis_name="c", subcore_axis_name="s")
    f = functools.partial(
        pl.kernel,
        mesh=mesh,
        compiler_params=pltpu.CompilerParams(needs_layout_passes=False),
        out_type=jax.ShapeDtypeStruct((_SC_B,), jnp.float32),
        scratch_types=[
            pltpu.VMEM((_SPW * _L,), jnp.int32),
            pltpu.VMEM((_L * _M,), jnp.float32),
            pltpu.VMEM((_M,), jnp.float32),
            pltpu.VMEM((_M * _SPW,), jnp.float32),
            pltpu.VMEM((_SPW,), jnp.float32),
        ],
    )(_sc_body)
    return f(s_flat, dlt_flat, c)



_TC_BLK = 3584


def _tc_body(s_ref, dlt_ref, c_ref, out_ref):
    s = s_ref[...].astype(jnp.float32)
    t = lax.dot_general(
        dlt_ref[...], s, (((0,), (1,)), ((), ())),
        preferred_element_type=jnp.float32)
    out_ref[...] = jnp.sum(jnp.exp(t + c_ref[...]), axis=0)


def _tc_call(s_head, dlt, c):
    blk = min(_TC_BLK, _TC_B)
    while _TC_B % blk:
        blk //= 2
    grid = _TC_B // blk
    return pl.pallas_call(
        _tc_body,
        grid=(grid,),
        in_specs=[
            pl.BlockSpec((blk, _L), lambda i: (i, 0)),
            pl.BlockSpec((_L, _M), lambda i: (0, 0)),
            pl.BlockSpec((_M, 1), lambda i: (0, 0)),
        ],
        out_specs=pl.BlockSpec((blk,), lambda i: (i,)),
        out_shape=jax.ShapeDtypeStruct((_TC_B,), jnp.float32),
    )(s_head, dlt, c[:, None])


def kernel(inputs, epsilon):
    dlt, c = _prep(epsilon)
    out_sc = _sc_call(inputs[_TC_B:].reshape(-1), dlt.reshape(-1), c)
    if _TC_B == 0:
        return out_sc
    out_tc = _tc_call(inputs[:_TC_B], dlt, c)
    return jnp.concatenate([out_tc, out_sc])

# --- scband reference (transcript-rebuilt; emitter-appended) ---
"""Pipeline reference for scband-q-gps-29532195127695 (READ-ONLY COPY).

The authoritative reference and input builder live on the scoring server;
editing this copy changes nothing except your own understanding.
"""

import jax, jax.numpy as jnp
import numpy as np

B, L, M, D = 4096, 256, 64, 2

def setup_inputs(seed: int = 0) -> dict:
    key = jax.random.key(seed)
    k1, k2 = jax.random.split(key)
    # spin configurations: values in {0, 1} (local_dim = 2)
    inputs = jax.random.randint(k1, (B, L), 0, D, dtype=jnp.int32)
    # learned epsilon tensor, shape (local_dim, M, L).
    # init near 1.0 so the product over L=256 sites stays numerically sane
    epsilon = 1.0 + 0.01 * jax.random.normal(k2, (D, M, L), dtype=jnp.float32)
    return {"inputs": inputs, "epsilon": epsilon}

def reference(inputs, epsilon):
    # qGPS forward with default no_syms(), save_site_prod=False, update_sites=None
    # indices = to_indices(inputs)
    idx = inputs.astype(jnp.int32)

    def evaluate_site_product(sample):
        # sample: (1, 1, L); gather epsilon[sample[l], m, l] then prod over sites
        return jnp.take_along_axis(epsilon, sample, axis=0).prod(axis=-1).reshape(-1)  # (M,)

    def get_val(sample):
        # sample: (L,) -> transformed_samples element (1, 1, L)
        # symmetries (no_syms) appends a trailing symmetry axis of size 1
        symmetrically_equivalent = sample[None, None, :, None]  # (1, 1, L, 1)
        site_prod = jax.vmap(evaluate_site_product, -1, -1)(symmetrically_equivalent)  # (M, 1)
        # outer_sym_batching: sum(before_sym_op(site_prod)) with identity before_sym_op
        return jnp.sum(site_prod)

    # lax.scan over the batch in the original; vmap is mathematically identical
    out = jax.vmap(get_val)(idx)  # (B,)
    # final_op is identity
    return out

if __name__ == "__main__":
    import jax
    _d = setup_inputs()
    print(jax.jit(kernel)(*tuple(_d.values())))

</pallas_src>

<mosaic_0001>
#map = affine_map<(d0, d1) -> (0)>
module attributes {stable_mosaic.version = 14 : i64} {
  func.func @_sc_body(%arg0: i32, %arg1: i32, %arg2: memref<131072xi32, #tpu.memory_space<hbm>>, %arg3: memref<16384xf32, #tpu.memory_space<hbm>>, %arg4: memref<64xf32, #tpu.memory_space<hbm>>, %arg5: memref<512xf32, #tpu.memory_space<hbm>>, %arg6: memref<4096xi32, #tpu.memory_space<vmem>>, %arg7: memref<16384xf32, #tpu.memory_space<vmem>>, %arg8: memref<64xf32, #tpu.memory_space<vmem>>, %arg9: memref<1024xf32, #tpu.memory_space<vmem>>, %arg10: memref<16xf32, #tpu.memory_space<vmem>>) attributes {dimension_semantics = [#tpu.dimension_semantics<core_parallel>, #tpu.dimension_semantics<subcore_parallel>], iteration_bounds = array<i64: 2, 16>, scalar_prefetch = 0 : i64, scratch_operands = 5 : i64, tpu.core_type = #tpu.core_type<sc_vector_subcore>, window_params = [{transform_indices = #map}, {transform_indices = #map}, {transform_indices = #map}, {transform_indices = #map}]} {
    %mul3A = arith.constant 2 : i32
    %mul3A_0 = arith.muli %arg1, %mul3A : i32
    %add3A = arith.addi %mul3A_0, %arg0 : i32
    %mul3A_1 = arith.constant 16 : i32
    %mul3A_2 = arith.muli %add3A, %mul3A_1 : i32
    %mul3A_3 = arith.constant 256 : i32
    %mul3A_4 = arith.muli %mul3A_2, %mul3A_3 : i32
    "tpu.region"() ({
      %run_scoped3A = tpu.sem_alloc : memref<!tpu.dma_semaphore, #tpu.memory_space<semaphore_mem>>
      %dma_start3A = tpu.memref_slice %arg2[%mul3A_4] : memref<131072xi32, #tpu.memory_space<hbm>> -> memref<4096xi32, #tpu.memory_space<hbm>>
      %dma_start3A_26 = tpu.memref_slice %arg2[%mul3A_4] : memref<131072xi32, #tpu.memory_space<hbm>> -> memref<4096xi32, #tpu.memory_space<hbm>>
      tpu.enqueue_dma source(%dma_start3A_26 : memref<4096xi32, #tpu.memory_space<hbm>>) target(%arg6 : memref<4096xi32, #tpu.memory_space<vmem>>) target_semaphore(%run_scoped3A : memref<!tpu.dma_semaphore, #tpu.memory_space<semaphore_mem>>)
      %dma_wait3A = tpu.memref_slice %arg2[%mul3A_4] : memref<131072xi32, #tpu.memory_space<hbm>> -> memref<4096xi32, #tpu.memory_space<hbm>>
      %dma_wait3A_27 = tpu.memref_slice %arg2[%mul3A_4] : memref<131072xi32, #tpu.memory_space<hbm>> -> memref<4096xi32, #tpu.memory_space<hbm>>
      tpu.wait_dma2 semaphore(%run_scoped3A : memref<!tpu.dma_semaphore, #tpu.memory_space<semaphore_mem>>) src(%dma_wait3A_27 : memref<4096xi32, #tpu.memory_space<hbm>>) dst(%arg6 : memref<4096xi32, #tpu.memory_space<vmem>>)
      tpu.yield
    }) : () -> ()
    "tpu.region"() ({
      %run_scoped3A = tpu.sem_alloc : memref<!tpu.dma_semaphore, #tpu.memory_space<semaphore_mem>>
      tpu.enqueue_dma source(%arg3 : memref<16384xf32, #tpu.memory_space<hbm>>) target(%arg7 : memref<16384xf32, #tpu.memory_space<vmem>>) target_semaphore(%run_scoped3A : memref<!tpu.dma_semaphore, #tpu.memory_space<semaphore_mem>>)
      tpu.wait_dma2 semaphore(%run_scoped3A : memref<!tpu.dma_semaphore, #tpu.memory_space<semaphore_mem>>) src(%arg3 : memref<16384xf32, #tpu.memory_space<hbm>>) dst(%arg7 : memref<16384xf32, #tpu.memory_space<vmem>>)
      tpu.yield
    }) : () -> ()
    "tpu.region"() ({
      %run_scoped3A = tpu.sem_alloc : memref<!tpu.dma_semaphore, #tpu.memory_space<semaphore_mem>>
      tpu.enqueue_dma source(%arg4 : memref<64xf32, #tpu.memory_space<hbm>>) target(%arg8 : memref<64xf32, #tpu.memory_space<vmem>>) target_semaphore(%run_scoped3A : memref<!tpu.dma_semaphore, #tpu.memory_space<semaphore_mem>>)
      tpu.wait_dma2 semaphore(%run_scoped3A : memref<!tpu.dma_semaphore, #tpu.memory_space<semaphore_mem>>) src(%arg4 : memref<64xf32, #tpu.memory_space<hbm>>) dst(%arg8 : memref<64xf32, #tpu.memory_space<vmem>>)
      tpu.yield
    }) : () -> ()
    %get3A = arith.constant 0 : index
    %get3A_5 = tpu.vector_load %arg8[%get3A] {strides = array<i32>} : memref<64xf32, #tpu.memory_space<vmem>>, vector<16xf32>,
    %get3A_6 = arith.constant 16 : index
    %get3A_7 = tpu.vector_load %arg8[%get3A_6] {strides = array<i32>} : memref<64xf32, #tpu.memory_space<vmem>>, vector<16xf32>,
    %get3A_8 = arith.constant 32 : index
    %get3A_9 = tpu.vector_load %arg8[%get3A_8] {strides = array<i32>} : memref<64xf32, #tpu.memory_space<vmem>>, vector<16xf32>,
    %get3A_10 = arith.constant 48 : index
    %get3A_11 = tpu.vector_load %arg8[%get3A_10] {strides = array<i32>} : memref<64xf32, #tpu.memory_space<vmem>>, vector<16xf32>,
    %iota3A = tpu.iota {dimensions = array<i32: 0>} : vector<16xi32>
    %scan3A = arith.constant 0 : i32
    %scan3A_12 = arith.constant 0 : i32
    %scan3A_13 = arith.constant 2 : i32
    %scan3A_14 = arith.addi %scan3A_12, %scan3A_13 : i32
    %scan3A_15 = arith.constant 1 : i32
    %scan3A_16 = scf.for %scan3A_26 = %scan3A_12 to %scan3A_14 step %scan3A_15 iter_args(%scan3A_27 = %scan3A) -> (i32)  : i32 {
      %mul3A_28 = arith.constant 8 : i32
      %mul3A_29 = arith.muli %scan3A_26, %mul3A_28 : i32
      %scan3A_30 = arith.constant 0 : i32
      %scan3A_31 = arith.constant 16 : i32
      %scan3A_32 = arith.addi %scan3A_30, %scan3A_31 : i32
      %scan3A_33 = arith.constant 1 : i32
      %scan3A_34:32 = scf.for %scan3A_293 = %scan3A_30 to %scan3A_32 step %scan3A_33 iter_args(%scan3A_294 = %get3A_5, %scan3A_295 = %get3A_7, %scan3A_296 = %get3A_9, %scan3A_297 = %get3A_11, %scan3A_298 = %get3A_5, %scan3A_299 = %get3A_7, %scan3A_300 = %get3A_9, %scan3A_301 = %get3A_11, %scan3A_302 = %get3A_5, %scan3A_303 = %get3A_7, %scan3A_304 = %get3A_9, %scan3A_305 = %get3A_11, %scan3A_306 = %get3A_5, %scan3A_307 = %get3A_7, %scan3A_308 = %get3A_9, %scan3A_309 = %get3A_11, %scan3A_310 = %get3A_5, %scan3A_311 = %get3A_7, %scan3A_312 = %get3A_9, %scan3A_313 = %get3A_11, %scan3A_314 = %get3A_5, %scan3A_315 = %get3A_7, %scan3A_316 = %get3A_9, %scan3A_317 = %get3A_11, %scan3A_318 = %get3A_5, %scan3A_319 = %get3A_7, %scan3A_320 = %get3A_9, %scan3A_321 = %get3A_11, %scan3A_322 = %get3A_5, %scan3A_323 = %get3A_7, %scan3A_324 = %get3A_9, %scan3A_325 = %get3A_11) -> (vector<16xf32>, vector<16xf32>, vector<16xf32>, vector<16xf32>, vector<16xf32>, vector<16xf32>, vector<16xf32>, vector<16xf32>, vector<16xf32>, vector<16xf32>, vector<16xf32>, vector<16xf32>, vector<16xf32>, vector<16xf32>, vector<16xf32>, vector<16xf32>, vector<16xf32>, vector<16xf32>, vector<16xf32>, vector<16xf32>, vector<16xf32>, vector<16xf32>, vector<16xf32>, vector<16xf32>, vector<16xf32>, vector<16xf32>, vector<16xf32>, vector<16xf32>, vector<16xf32>, vector<16xf32>, vector<16xf32>, vector<16xf32>)  : i32 {
        %mul3A_326 = arith.constant 16 : i32
        %mul3A_327 = arith.muli %scan3A_293, %mul3A_326 : i32
        %add3A_328 = arith.constant 0 : i32
        %add3A_329 = arith.addi %mul3A_29, %add3A_328 : i32
        %mul3A_330 = arith.constant 256 : i32
        %mul3A_331 = arith.muli %add3A_329, %mul3A_330 : i32
        %add3A_332 = arith.addi %mul3A_331, %mul3A_327 : i32
        %get3A_333 = arith.index_cast %add3A_332 : i32 to index
        %get3A_334 = tpu.vector_load %arg6[%get3A_333] {strides = array<i32>} : memref<4096xi32, #tpu.memory_space<vmem>>, vector<16xi32>,
        %convert_element_type3A = arith.sitofp %get3A_334 : vector<16xi32> to vector<16xf32>
        %add3A_335 = arith.constant 1 : i32
        %add3A_336 = arith.addi %mul3A_29, %add3A_335 : i32
        %mul3A_337 = arith.constant 256 : i32
        %mul3A_338 = arith.muli %add3A_336, %mul3A_337 : i32
        %add3A_339 = arith.addi %mul3A_338, %mul3A_327 : i32
        %get3A_340 = arith.index_cast %add3A_339 : i32 to index
        %get3A_341 = tpu.vector_load %arg6[%get3A_340] {strides = array<i32>} : memref<4096xi32, #tpu.memory_space<vmem>>, vector<16xi32>,
        %convert_element_type3A_342 = arith.sitofp %get3A_341 : vector<16xi32> to vector<16xf32>
        %add3A_343 = arith.constant 2 : i32
        %add3A_344 = arith.addi %mul3A_29, %add3A_343 : i32
        %mul3A_345 = arith.constant 256 : i32
        %mul3A_346 = arith.muli %add3A_344, %mul3A_345 : i32
        %add3A_347 = arith.addi %mul3A_346, %mul3A_327 : i32
        %get3A_348 = arith.index_cast %add3A_347 : i32 to index
        %get3A_349 = tpu.vector_load %arg6[%get3A_348] {strides = array<i32>} : memref<4096xi32, #tpu.memory_space<vmem>>, vector<16xi32>,
        %convert_element_type3A_350 = arith.sitofp %get3A_349 : vector<16xi32> to vector<16xf32>
        %add3A_351 = arith.constant 3 : i32
        %add3A_352 = arith.addi %mul3A_29, %add3A_351 : i32
        %mul3A_353 = arith.constant 256 : i32
        %mul3A_354 = arith.muli %add3A_352, %mul3A_353 : i32
        %add3A_355 = arith.addi %mul3A_354, %mul3A_327 : i32
        %get3A_356 = arith.index_cast %add3A_355 : i32 to index
        %get3A_357 = tpu.vector_load %arg6[%get3A_356] {strides = array<i32>} : memref<4096xi32, #tpu.memory_space<vmem>>, vector<16xi32>,
        %convert_element_type3A_358 = arith.sitofp %get3A_357 : vector<16xi32> to vector<16xf32>
        %add3A_359 = arith.constant 4 : i32
        %add3A_360 = arith.addi %mul3A_29, %add3A_359 : i32
        %mul3A_361 = arith.constant 256 : i32
        %mul3A_362 = arith.muli %add3A_360, %mul3A_361 : i32
        %add3A_363 = arith.addi %mul3A_362, %mul3A_327 : i32
        %get3A_364 = arith.index_cast %add3A_363 : i32 to index
        %get3A_365 = tpu.vector_load %arg6[%get3A_364] {strides = array<i32>} : memref<4096xi32, #tpu.memory_space<vmem>>, vector<16xi32>,
        %convert_element_type3A_366 = arith.sitofp %get3A_365 : vector<16xi32> to vector<16xf32>
        %add3A_367 = arith.constant 5 : i32
        %add3A_368 = arith.addi %mul3A_29, %add3A_367 : i32
        %mul3A_369 = arith.constant 256 : i32
        %mul3A_370 = arith.muli %add3A_368, %mul3A_369 : i32
        %add3A_371 = arith.addi %mul3A_370, %mul3A_327 : i32
        %get3A_372 = arith.index_cast %add3A_371 : i32 to index
        %get3A_373 = tpu.vector_load %arg6[%get3A_372] {strides = array<i32>} : memref<4096xi32, #tpu.memory_space<vmem>>, vector<16xi32>,
        %convert_element_type3A_374 = arith.sitofp %get3A_373 : vector<16xi32> to vector<16xf32>
        %add3A_375 = arith.constant 6 : i32
        %add3A_376 = arith.addi %mul3A_29, %add3A_375 : i32
        %mul3A_377 = arith.constant 256 : i32
        %mul3A_378 = arith.muli %add3A_376, %mul3A_377 : i32
        %add3A_379 = arith.addi %mul3A_378, %mul3A_327 : i32
        %get3A_380 = arith.index_cast %add3A_379 : i32 to index
        %get3A_381 = tpu.vector_load %arg6[%get3A_380] {strides = array<i32>} : memref<4096xi32, #tpu.memory_space<vmem>>, vector<16xi32>,
        %convert_element_type3A_382 = arith.sitofp %get3A_381 : vector<16xi32> to vector<16xf32>
        %add3A_383 = arith.constant 7 : i32
        %add3A_384 = arith.addi %mul3A_29, %add3A_383 : i32
        %mul3A_385 = arith.constant 256 : i32
        %mul3A_386 = arith.muli %add3A_384, %mul3A_385 : i32
        %add3A_387 = arith.addi %mul3A_386, %mul3A_327 : i32
        %get3A_388 = arith.index_cast %add3A_387 : i32 to index
        %get3A_389 = tpu.vector_load %arg6[%get3A_388] {strides = array<i32>} : memref<4096xi32, #tpu.memory_space<vmem>>, vector<16xi32>,
        %convert_element_type3A_390 = arith.sitofp %get3A_389 : vector<16xi32> to vector<16xf32>
        %add3A_391 = arith.constant 0 : i32
        %add3A_392 = arith.addi %mul3A_327, %add3A_391 : i32
        %mul3A_393 = arith.constant 64 : i32
        %mul3A_394 = arith.muli %add3A_392, %mul3A_393 : i32
        %add3A_395 = arith.constant 0 : i32
        %add3A_396 = arith.addi %mul3A_394, %add3A_395 : i32
        %get3A_397 = arith.index_cast %add3A_396 : i32 to index
        %get3A_398 = tpu.vector_load %arg7[%get3A_397] {strides = array<i32>} : memref<16384xf32, #tpu.memory_space<vmem>>, vector<16xf32>,
        %mul3A_399 = arith.constant 64 : i32
        %mul3A_400 = arith.muli %add3A_392, %mul3A_399 : i32
        %add3A_401 = arith.constant 16 : i32
        %add3A_402 = arith.addi %mul3A_400, %add3A_401 : i32
        %get3A_403 = arith.index_cast %add3A_402 : i32 to index
        %get3A_404 = tpu.vector_load %arg7[%get3A_403] {strides = array<i32>} : memref<16384xf32, #tpu.memory_space<vmem>>, vector<16xf32>,
        %mul3A_405 = arith.constant 64 : i32
        %mul3A_406 = arith.muli %add3A_392, %mul3A_405 : i32
        %add3A_407 = arith.constant 32 : i32
        %add3A_408 = arith.addi %mul3A_406, %add3A_407 : i32
        %get3A_409 = arith.index_cast %add3A_408 : i32 to index
        %get3A_410 = tpu.vector_load %arg7[%get3A_409] {strides = array<i32>} : memref<16384xf32, #tpu.memory_space<vmem>>, vector<16xf32>,
        %mul3A_411 = arith.constant 64 : i32
        %mul3A_412 = arith.muli %add3A_392, %mul3A_411 : i32
        %add3A_413 = arith.constant 48 : i32
        %add3A_414 = arith.addi %mul3A_412, %add3A_413 : i32
        %get3A_415 = arith.index_cast %add3A_414 : i32 to index
        %get3A_416 = tpu.vector_load %arg7[%get3A_415] {strides = array<i32>} : memref<16384xf32, #tpu.memory_space<vmem>>, vector<16xf32>,
        %slice3A = vector.extract_strided_slice %convert_element_type3A {offsets = [0], sizes = [1], strides = [1]} : vector<16xf32> to vector<1xf32>
        %squeeze3A = vector.extract %slice3A[0] : f32 from vector<1xf32>
        %broadcast_in_dim3A_417 = vector.broadcast %squeeze3A : f32 to vector<16xf32>
        %mul3A_418 = arith.mulf %broadcast_in_dim3A_417, %get3A_398 : vector<16xf32>
        %add3A_419 = arith.addf %scan3A_294, %mul3A_418 : vector<16xf32>
        %mul3A_420 = arith.mulf %broadcast_in_dim3A_417, %get3A_404 : vector<16xf32>
        %add3A_421 = arith.addf %scan3A_295, %mul3A_420 : vector<16xf32>
        %mul3A_422 = arith.mulf %broadcast_in_dim3A_417, %get3A_410 : vector<16xf32>
        %add3A_423 = arith.addf %scan3A_296, %mul3A_422 : vector<16xf32>
        %mul3A_424 = arith.mulf %broadcast_in_dim3A_417, %get3A_416 : vector<16xf32>
        %add3A_425 = arith.addf %scan3A_297, %mul3A_424 : vector<16xf32>
        %slice3A_426 = vector.extract_strided_slice %convert_element_type3A_342 {offsets = [0], sizes = [1], strides = [1]} : vector<16xf32> to vector<1xf32>
        %squeeze3A_427 = vector.extract %slice3A_426[0] : f32 from vector<1xf32>
        %broadcast_in_dim3A_428 = vector.broadcast %squeeze3A_427 : f32 to vector<16xf32>
        %mul3A_429 = arith.mulf %broadcast_in_dim3A_428, %get3A_398 : vector<16xf32>
        %add3A_430 = arith.addf %scan3A_298, %mul3A_429 : vector<16xf32>
        %mul3A_431 = arith.mulf %broadcast_in_dim3A_428, %get3A_404 : vector<16xf32>
        %add3A_432 = arith.addf %scan3A_299, %mul3A_431 : vector<16xf32>
        %mul3A_433 = arith.mulf %broadcast_in_dim3A_428, %get3A_410 : vector<16xf32>
        %add3A_434 = arith.addf %scan3A_300, %mul3A_433 : vector<16xf32>
        %mul3A_435 = arith.mulf %broadcast_in_dim3A_428, %get3A_416 : vector<16xf32>
        %add3A_436 = arith.addf %scan3A_301, %mul3A_435 : vector<16xf32>
        %slice3A_437 = vector.extract_strided_slice %convert_element_type3A_350 {offsets = [0], sizes = [1], strides = [1]} : vector<16xf32> to vector<1xf32>
        %squeeze3A_438 = vector.extract %slice3A_437[0] : f32 from vector<1xf32>
        %broadcast_in_dim3A_439 = vector.broadcast %squeeze3A_438 : f32 to vector<16xf32>
        %mul3A_440 = arith.mulf %broadcast_in_dim3A_439, %get3A_398 : vector<16xf32>
        %add3A_441 = arith.addf %scan3A_302, %mul3A_440 : vector<16xf32>
        %mul3A_442 = arith.mulf %broadcast_in_dim3A_439, %get3A_404 : vector<16xf32>
        %add3A_443 = arith.addf %scan3A_303, %mul3A_442 : vector<16xf32>
        %mul3A_444 = arith.mulf %broadcast_in_dim3A_439, %get3A_410 : vector<16xf32>
        %add3A_445 = arith.addf %scan3A_304, %mul3A_444 : vector<16xf32>
        %mul3A_446 = arith.mulf %broadcast_in_dim3A_439, %get3A_416 : vector<16xf32>
        %add3A_447 = arith.addf %scan3A_305, %mul3A_446 : vector<16xf32>
        %slice3A_448 = vector.extract_strided_slice %convert_element_type3A_358 {offsets = [0], sizes = [1], strides = [1]} : vector<16xf32> to vector<1xf32>
        %squeeze3A_449 = vector.extract %slice3A_448[0] : f32 from vector<1xf32>
        %broadcast_in_dim3A_450 = vector.broadcast %squeeze3A_449 : f32 to vector<16xf32>
        %mul3A_451 = arith.mulf %broadcast_in_dim3A_450, %get3A_398 : vector<16xf32>
        %add3A_452 = arith.addf %scan3A_306, %mul3A_451 : vector<16xf32>
        %mul3A_453 = arith.mulf %broadcast_in_dim3A_450, %get3A_404 : vector<16xf32>
        %add3A_454 = arith.addf %scan3A_307, %mul3A_453 : vector<16xf32>
        %mul3A_455 = arith.mulf %broadcast_in_dim3A_450, %get3A_410 : vector<16xf32>
        %add3A_456 = arith.addf %scan3A_308, %mul3A_455 : vector<16xf32>
        %mul3A_457 = arith.mulf %broadcast_in_dim3A_450, %get3A_416 : vector<16xf32>
        %add3A_458 = arith.addf %scan3A_309, %mul3A_457 : vector<16xf32>
        %slice3A_459 = vector.extract_strided_slice %convert_element_type3A_366 {offsets = [0], sizes = [1], strides = [1]} : vector<16xf32> to vector<1xf32>
        %squeeze3A_460 = vector.extract %slice3A_459[0] : f32 from vector<1xf32>
        %broadcast_in_dim3A_461 = vector.broadcast %squeeze3A_460 : f32 to vector<16xf32>
        %mul3A_462 = arith.mulf %broadcast_in_dim3A_461, %get3A_398 : vector<16xf32>
        %add3A_463 = arith.addf %scan3A_310, %mul3A_462 : vector<16xf32>
        %mul3A_464 = arith.mulf %broadcast_in_dim3A_461, %get3A_404 : vector<16xf32>
        %add3A_465 = arith.addf %scan3A_311, %mul3A_464 : vector<16xf32>
        %mul3A_466 = arith.mulf %broadcast_in_dim3A_461, %get3A_410 : vector<16xf32>
        %add3A_467 = arith.addf %scan3A_312, %mul3A_466 : vector<16xf32>
        %mul3A_468 = arith.mulf %broadcast_in_dim3A_461, %get3A_416 : vector<16xf32>
        %add3A_469 = arith.addf %scan3A_313, %mul3A_468 : vector<16xf32>
        %slice3A_470 = vector.extract_strided_slice %convert_element_type3A_374 {offsets = [0], sizes = [1], strides = [1]} : vector<16xf32> to vector<1xf32>
        %squeeze3A_471 = vector.extract %slice3A_470[0] : f32 from vector<1xf32>
        %broadcast_in_dim3A_472 = vector.broadcast %squeeze3A_471 : f32 to vector<16xf32>
        %mul3A_473 = arith.mulf %broadcast_in_dim3A_472, %get3A_398 : vector<16xf32>
        %add3A_474 = arith.addf %scan3A_314, %mul3A_473 : vector<16xf32>
        %mul3A_475 = arith.mulf %broadcast_in_dim3A_472, %get3A_404 : vector<16xf32>
        %add3A_476 = arith.addf %scan3A_315, %mul3A_475 : vector<16xf32>
        %mul3A_477 = arith.mulf %broadcast_in_dim3A_472, %get3A_410 : vector<16xf32>
        %add3A_478 = arith.addf %scan3A_316, %mul3A_477 : vector<16xf32>
        %mul3A_479 = arith.mulf %broadcast_in_dim3A_472, %get3A_416 : vector<16xf32>
        %add3A_480 = arith.addf %scan3A_317, %mul3A_479 : vector<16xf32>
        %slice3A_481 = vector.extract_strided_slice %convert_element_type3A_382 {offsets = [0], sizes = [1], strides = [1]} : vector<16xf32> to vector<1xf32>
        %squeeze3A_482 = vector.extract %slice3A_481[0] : f32 from vector<1xf32>
        %broadcast_in_dim3A_483 = vector.broadcast %squeeze3A_482 : f32 to vector<16xf32>
        %mul3A_484 = arith.mulf %broadcast_in_dim3A_483, %get3A_398 : vector<16xf32>
        %add3A_485 = arith.addf %scan3A_318, %mul3A_484 : vector<16xf32>
        %mul3A_486 = arith.mulf %broadcast_in_dim3A_483, %get3A_404 : vector<16xf32>
        %add3A_487 = arith.addf %scan3A_319, %mul3A_486 : vector<16xf32>
        %mul3A_488 = arith.mulf %broadcast_in_dim3A_483, %get3A_410 : vector<16xf32>
        %add3A_489 = arith.addf %scan3A_320, %mul3A_488 : vector<16xf32>
        %mul3A_490 = arith.mulf %broadcast_in_dim3A_483, %get3A_416 : vector<16xf32>
        %add3A_491 = arith.addf %scan3A_321, %mul3A_490 : vector<16xf32>
        %slice3A_492 = vector.extract_strided_slice %convert_element_type3A_390 {offsets = [0], sizes = [1], strides = [1]} : vector<16xf32> to vector<1xf32>
        %squeeze3A_493 = vector.extract %slice3A_492[0] : f32 from vector<1xf32>
        %broadcast_in_dim3A_494 = vector.broadcast %squeeze3A_493 : f32 to vector<16xf32>
        %mul3A_495 = arith.mulf %broadcast_in_dim3A_494, %get3A_398 : vector<16xf32>
        %add3A_496 = arith.addf %scan3A_322, %mul3A_495 : vector<16xf32>
        %mul3A_497 = arith.mulf %broadcast_in_dim3A_494, %get3A_404 : vector<16xf32>
        %add3A_498 = arith.addf %scan3A_323, %mul3A_497 : vector<16xf32>
        %mul3A_499 = arith.mulf %broadcast_in_dim3A_494, %get3A_410 : vector<16xf32>
        %add3A_500 = arith.addf %scan3A_324, %mul3A_499 : vector<16xf32>
        %mul3A_501 = arith.mulf %broadcast_in_dim3A_494, %get3A_416 : vector<16xf32>
        %add3A_502 = arith.addf %scan3A_325, %mul3A_501 : vector<16xf32>
        %add3A_503 = arith.constant 1 : i32
        %add3A_504 = arith.addi %mul3A_327, %add3A_503 : i32
        %mul3A_505 = arith.constant 64 : i32
        %mul3A_506 = arith.muli %add3A_504, %mul3A_505 : i32
        %add3A_507 = arith.constant 0 : i32
        %add3A_508 = arith.addi %mul3A_506, %add3A_507 : i32
        %get3A_509 = arith.index_cast %add3A_508 : i32 to index
        %get3A_510 = tpu.vector_load %arg7[%get3A_509] {strides = array<i32>} : memref<16384xf32, #tpu.memory_space<vmem>>, vector<16xf32>,
        %mul3A_511 = arith.constant 64 : i32
        %mul3A_512 = arith.muli %add3A_504, %mul3A_511 : i32
        %add3A_513 = arith.constant 16 : i32
        %add3A_514 = arith.addi %mul3A_512, %add3A_513 : i32
        %get3A_515 = arith.index_cast %add3A_514 : i32 to index
        %get3A_516 = tpu.vector_load %arg7[%get3A_515] {strides = array<i32>} : memref<16384xf32, #tpu.memory_space<vmem>>, vector<16xf32>,
        %mul3A_517 = arith.constant 64 : i32
        %mul3A_518 = arith.muli %add3A_504, %mul3A_517 : i32
        %add3A_519 = arith.constant 32 : i32
        %add3A_520 = arith.addi %mul3A_518, %add3A_519 : i32
        %get3A_521 = arith.index_cast %add3A_520 : i32 to index
        %get3A_522 = tpu.vector_load %arg7[%get3A_521] {strides = array<i32>} : memref<16384xf32, #tpu.memory_space<vmem>>, vector<16xf32>,
        %mul3A_523 = arith.constant 64 : i32
        %mul3A_524 = arith.muli %add3A_504, %mul3A_523 : i32
        %add3A_525 = arith.constant 48 : i32
        %add3A_526 = arith.addi %mul3A_524, %add3A_525 : i32
        %get3A_527 = arith.index_cast %add3A_526 : i32 to index
        %get3A_528 = tpu.vector_load %arg7[%get3A_527] {strides = array<i32>} : memref<16384xf32, #tpu.memory_space<vmem>>, vector<16xf32>,
        %slice3A_529 = vector.extract_strided_slice %convert_element_type3A {offsets = [1], sizes = [1], strides = [1]} : vector<16xf32> to vector<1xf32>
        %squeeze3A_530 = vector.extract %slice3A_529[0] : f32 from vector<1xf32>
        %broadcast_in_dim3A_531 = vector.broadcast %squeeze3A_530 : f32 to vector<16xf32>
        %mul3A_532 = arith.mulf %broadcast_in_dim3A_531, %get3A_510 : vector<16xf32>
        %add3A_533 = arith.addf %add3A_419, %mul3A_532 : vector<16xf32>
        %mul3A_534 = arith.mulf %broadcast_in_dim3A_531, %get3A_516 : vector<16xf32>
        %add3A_535 = arith.addf %add3A_421, %mul3A_534 : vector<16xf32>
        %mul3A_536 = arith.mulf %broadcast_in_dim3A_531, %get3A_522 : vector<16xf32>
        %add3A_537 = arith.addf %add3A_423, %mul3A_536 : vector<16xf32>
        %mul3A_538 = arith.mulf %broadcast_in_dim3A_531, %get3A_528 : vector<16xf32>
        %add3A_539 = arith.addf %add3A_425, %mul3A_538 : vector<16xf32>
        %slice3A_540 = vector.extract_strided_slice %convert_element_type3A_342 {offsets = [1], sizes = [1], strides = [1]} : vector<16xf32> to vector<1xf32>
        %squeeze3A_541 = vector.extract %slice3A_540[0] : f32 from vector<1xf32>
        %broadcast_in_dim3A_542 = vector.broadcast %squeeze3A_541 : f32 to vector<16xf32>
        %mul3A_543 = arith.mulf %broadcast_in_dim3A_542, %get3A_510 : vector<16xf32>
        %add3A_544 = arith.addf %add3A_430, %mul3A_543 : vector<16xf32>
        %mul3A_545 = arith.mulf %broadcast_in_dim3A_542, %get3A_516 : vector<16xf32>
        %add3A_546 = arith.addf %add3A_432, %mul3A_545 : vector<16xf32>
        %mul3A_547 = arith.mulf %broadcast_in_dim3A_542, %get3A_522 : vector<16xf32>
        %add3A_548 = arith.addf %add3A_434, %mul3A_547 : vector<16xf32>
        %mul3A_549 = arith.mulf %broadcast_in_dim3A_542, %get3A_528 : vector<16xf32>
        %add3A_550 = arith.addf %add3A_436, %mul3A_549 : vector<16xf32>
        %slice3A_551 = vector.extract_strided_slice %convert_element_type3A_350 {offsets = [1], sizes = [1], strides = [1]} : vector<16xf32> to vector<1xf32>
        %squeeze3A_552 = vector.extract %slice3A_551[0] : f32 from vector<1xf32>
        %broadcast_in_dim3A_553 = vector.broadcast %squeeze3A_552 : f32 to vector<16xf32>
        %mul3A_554 = arith.mulf %broadcast_in_dim3A_553, %get3A_510 : vector<16xf32>
        %add3A_555 = arith.addf %add3A_441, %mul3A_554 : vector<16xf32>
        %mul3A_556 = arith.mulf %broadcast_in_dim3A_553, %get3A_516 : vector<16xf32>
        %add3A_557 = arith.addf %add3A_443, %mul3A_556 : vector<16xf32>
        %mul3A_558 = arith.mulf %broadcast_in_dim3A_553, %get3A_522 : vector<16xf32>
        %add3A_559 = arith.addf %add3A_445, %mul3A_558 : vector<16xf32>
        %mul3A_560 = arith.mulf %broadcast_in_dim3A_553, %get3A_528 : vector<16xf32>
        %add3A_561 = arith.addf %add3A_447, %mul3A_560 : vector<16xf32>
        %slice3A_562 = vector.extract_strided_slice %convert_element_type3A_358 {offsets = [1], sizes = [1], strides = [1]} : vector<16xf32> to vector<1xf32>
        %squeeze3A_563 = vector.extract %slice3A_562[0] : f32 from vector<1xf32>
        %broadcast_in_dim3A_564 = vector.broadcast %squeeze3A_563 : f32 to vector<16xf32>
        %mul3A_565 = arith.mulf %broadcast_in_dim3A_564, %get3A_510 : vector<16xf32>
        %add3A_566 = arith.addf %add3A_452, %mul3A_565 : vector<16xf32>
        %mul3A_567 = arith.mulf %broadcast_in_dim3A_564, %get3A_516 : vector<16xf32>
        %add3A_568 = arith.addf %add3A_454, %mul3A_567 : vector<16xf32>
        %mul3A_569 = arith.mulf %broadcast_in_dim3A_564, %get3A_522 : vector<16xf32>
        %add3A_570 = arith.addf %add3A_456, %mul3A_569 : vector<16xf32>
        %mul3A_571 = arith.mulf %broadcast_in_dim3A_564, %get3A_528 : vector<16xf32>
        %add3A_572 = arith.addf %add3A_458, %mul3A_571 : vector<16xf32>
        %slice3A_573 = vector.extract_strided_slice %convert_element_type3A_366 {offsets = [1], sizes = [1], strides = [1]} : vector<16xf32> to vector<1xf32>
        %squeeze3A_574 = vector.extract %slice3A_573[0] : f32 from vector<1xf32>
        %broadcast_in_dim3A_575 = vector.broadcast %squeeze3A_574 : f32 to vector<16xf32>
        %mul3A_576 = arith.mulf %broadcast_in_dim3A_575, %get3A_510 : vector<16xf32>
        %add3A_577 = arith.addf %add3A_463, %mul3A_576 : vector<16xf32>
        %mul3A_578 = arith.mulf %broadcast_in_dim3A_575, %get3A_516 : vector<16xf32>
        %add3A_579 = arith.addf %add3A_465, %mul3A_578 : vector<16xf32>
        %mul3A_580 = arith.mulf %broadcast_in_dim3A_575, %get3A_522 : vector<16xf32>
        %add3A_581 = arith.addf %add3A_467, %mul3A_580 : vector<16xf32>
        %mul3A_582 = arith.mulf %broadcast_in_dim3A_575, %get3A_528 : vector<16xf32>
        %add3A_583 = arith.addf %add3A_469, %mul3A_582 : vector<16xf32>
        %slice3A_584 = vector.extract_strided_slice %convert_element_type3A_374 {offsets = [1], sizes = [1], strides = [1]} : vector<16xf32> to vector<1xf32>
        %squeeze3A_585 = vector.extract %slice3A_584[0] : f32 from vector<1xf32>
        %broadcast_in_dim3A_586 = vector.broadcast %squeeze3A_585 : f32 to vector<16xf32>
        %mul3A_587 = arith.mulf %broadcast_in_dim3A_586, %get3A_510 : vector<16xf32>
        %add3A_588 = arith.addf %add3A_474, %mul3A_587 : vector<16xf32>
        %mul3A_589 = arith.mulf %broadcast_in_dim3A_586, %get3A_516 : vector<16xf32>
        %add3A_590 = arith.addf %add3A_476, %mul3A_589 : vector<16xf32>
        %mul3A_591 = arith.mulf %broadcast_in_dim3A_586, %get3A_522 : vector<16xf32>
        %add3A_592 = arith.addf %add3A_478, %mul3A_591 : vector<16xf32>
        %mul3A_593 = arith.mulf %broadcast_in_dim3A_586, %get3A_528 : vector<16xf32>
        %add3A_594 = arith.addf %add3A_480, %mul3A_593 : vector<16xf32>
        %slice3A_595 = vector.extract_strided_slice %convert_element_type3A_382 {offsets = [1], sizes = [1], strides = [1]} : vector<16xf32> to vector<1xf32>
        %squeeze3A_596 = vector.extract %slice3A_595[0] : f32 from vector<1xf32>
        %broadcast_in_dim3A_597 = vector.broadcast %squeeze3A_596 : f32 to vector<16xf32>
        %mul3A_598 = arith.mulf %broadcast_in_dim3A_597, %get3A_510 : vector<16xf32>
        %add3A_599 = arith.addf %add3A_485, %mul3A_598 : vector<16xf32>
        %mul3A_600 = arith.mulf %broadcast_in_dim3A_597, %get3A_516 : vector<16xf32>
        %add3A_601 = arith.addf %add3A_487, %mul3A_600 : vector<16xf32>
        %mul3A_602 = arith.mulf %broadcast_in_dim3A_597, %get3A_522 : vector<16xf32>
        %add3A_603 = arith.addf %add3A_489, %mul3A_602 : vector<16xf32>
        %mul3A_604 = arith.mulf %broadcast_in_dim3A_597, %get3A_528 : vector<16xf32>
        %add3A_605 = arith.addf %add3A_491, %mul3A_604 : vector<16xf32>
        %slice3A_606 = vector.extract_strided_slice %convert_element_type3A_390 {offsets = [1], sizes = [1], strides = [1]} : vector<16xf32> to vector<1xf32>
        %squeeze3A_607 = vector.extract %slice3A_606[0] : f32 from vector<1xf32>
        %broadcast_in_dim3A_608 = vector.broadcast %squeeze3A_607 : f32 to vector<16xf32>
        %mul3A_609 = arith.mulf %broadcast_in_dim3A_608, %get3A_510 : vector<16xf32>
        %add3A_610 = arith.addf %add3A_496, %mul3A_609 : vector<16xf32>
        %mul3A_611 = arith.mulf %broadcast_in_dim3A_608, %get3A_516 : vector<16xf32>
        %add3A_612 = arith.addf %add3A_498, %mul3A_611 : vector<16xf32>
        %mul3A_613 = arith.mulf %broadcast_in_dim3A_608, %get3A_522 : vector<16xf32>
        %add3A_614 = arith.addf %add3A_500, %mul3A_613 : vector<16xf32>
        %mul3A_615 = arith.mulf %broadcast_in_dim3A_608, %get3A_528 : vector<16xf32>
        %add3A_616 = arith.addf %add3A_502, %mul3A_615 : vector<16xf32>
        %add3A_617 = arith.constant 2 : i32
        %add3A_618 = arith.addi %mul3A_327, %add3A_617 : i32
        %mul3A_619 = arith.constant 64 : i32
        %mul3A_620 = arith.muli %add3A_618, %mul3A_619 : i32
        %add3A_621 = arith.constant 0 : i32
        %add3A_622 = arith.addi %mul3A_620, %add3A_621 : i32
        %get3A_623 = arith.index_cast %add3A_622 : i32 to index
        %get3A_624 = tpu.vector_load %arg7[%get3A_623] {strides = array<i32>} : memref<16384xf32, #tpu.memory_space<vmem>>, vector<16xf32>,
        %mul3A_625 = arith.constant 64 : i32
        %mul3A_626 = arith.muli %add3A_618, %mul3A_625 : i32
        %add3A_627 = arith.constant 16 : i32
        %add3A_628 = arith.addi %mul3A_626, %add3A_627 : i32
        %get3A_629 = arith.index_cast %add3A_628 : i32 to index
        %get3A_630 = tpu.vector_load %arg7[%get3A_629] {strides = array<i32>} : memref<16384xf32, #tpu.memory_space<vmem>>, vector<16xf32>,
        %mul3A_631 = arith.constant 64 : i32
        %mul3A_632 = arith.muli %add3A_618, %mul3A_631 : i32
        %add3A_633 = arith.constant 32 : i32
        %add3A_634 = arith.addi %mul3A_632, %add3A_633 : i32
        %get3A_635 = arith.index_cast %add3A_634 : i32 to index
        %get3A_636 = tpu.vector_load %arg7[%get3A_635] {strides = array<i32>} : memref<16384xf32, #tpu.memory_space<vmem>>, vector<16xf32>,
        %mul3A_637 = arith.constant 64 : i32
        %mul3A_638 = arith.muli %add3A_618, %mul3A_637 : i32
        %add3A_639 = arith.constant 48 : i32
        %add3A_640 = arith.addi %mul3A_638, %add3A_639 : i32
        %get3A_641 = arith.index_cast %add3A_640 : i32 to index
        %get3A_642 = tpu.vector_load %arg7[%get3A_641] {strides = array<i32>} : memref<16384xf32, #tpu.memory_space<vmem>>, vector<16xf32>,
        %slice3A_643 = vector.extract_strided_slice %convert_element_type3A {offsets = [2], sizes = [1], strides = [1]} : vector<16xf32> to vector<1xf32>
        %squeeze3A_644 = vector.extract %slice3A_643[0] : f32 from vector<1xf32>
        %broadcast_in_dim3A_645 = vector.broadcast %squeeze3A_644 : f32 to vector<16xf32>
        %mul3A_646 = arith.mulf %broadcast_in_dim3A_645, %get3A_624 : vector<16xf32>
        %add3A_647 = arith.addf %add3A_533, %mul3A_646 : vector<16xf32>
        %mul3A_648 = arith.mulf %broadcast_in_dim3A_645, %get3A_630 : vector<16xf32>
        %add3A_649 = arith.addf %add3A_535, %mul3A_648 : vector<16xf32>
        %mul3A_650 = arith.mulf %broadcast_in_dim3A_645, %get3A_636 : vector<16xf32>
        %add3A_651 = arith.addf %add3A_537, %mul3A_650 : vector<16xf32>
        %mul3A_652 = arith.mulf %broadcast_in_dim3A_645, %get3A_642 : vector<16xf32>
        %add3A_653 = arith.addf %add3A_539, %mul3A_652 : vector<16xf32>
        %slice3A_654 = vector.extract_strided_slice %convert_element_type3A_342 {offsets = [2], sizes = [1], strides = [1]} : vector<16xf32> to vector<1xf32>
        %squeeze3A_655 = vector.extract %slice3A_654[0] : f32 from vector<1xf32>
        %broadcast_in_dim3A_656 = vector.broadcast %squeeze3A_655 : f32 to vector<16xf32>
        %mul3A_657 = arith.mulf %broadcast_in_dim3A_656, %get3A_624 : vector<16xf32>
        %add3A_658 = arith.addf %add3A_544, %mul3A_657 : vector<16xf32>
        %mul3A_659 = arith.mulf %broadcast_in_dim3A_656, %get3A_630 : vector<16xf32>
        %add3A_660 = arith.addf %add3A_546, %mul3A_659 : vector<16xf32>
        %mul3A_661 = arith.mulf %broadcast_in_dim3A_656, %get3A_636 : vector<16xf32>
        %add3A_662 = arith.addf %add3A_548, %mul3A_661 : vector<16xf32>
        %mul3A_663 = arith.mulf %broadcast_in_dim3A_656, %get3A_642 : vector<16xf32>
        %add3A_664 = arith.addf %add3A_550, %mul3A_663 : vector<16xf32>
        %slice3A_665 = vector.extract_strided_slice %convert_element_type3A_350 {offsets = [2], sizes = [1], strides = [1]} : vector<16xf32> to vector<1xf32>
        %squeeze3A_666 = vector.extract %slice3A_665[0] : f32 from vector<1xf32>
        %broadcast_in_dim3A_667 = vector.broadcast %squeeze3A_666 : f32 to vector<16xf32>
        %mul3A_668 = arith.mulf %broadcast_in_dim3A_667, %get3A_624 : vector<16xf32>
        %add3A_669 = arith.addf %add3A_555, %mul3A_668 : vector<16xf32>
        %mul3A_670 = arith.mulf %broadcast_in_dim3A_667, %get3A_630 : vector<16xf32>
        %add3A_671 = arith.addf %add3A_557, %mul3A_670 : vector<16xf32>
        %mul3A_672 = arith.mulf %broadcast_in_dim3A_667, %get3A_636 : vector<16xf32>
        %add3A_673 = arith.addf %add3A_559, %mul3A_672 : vector<16xf32>
        %mul3A_674 = arith.mulf %broadcast_in_dim3A_667, %get3A_642 : vector<16xf32>
        %add3A_675 = arith.addf %add3A_561, %mul3A_674 : vector<16xf32>
        %slice3A_676 = vector.extract_strided_slice %convert_element_type3A_358 {offsets = [2], sizes = [1], strides = [1]} : vector<16xf32> to vector<1xf32>
        %squeeze3A_677 = vector.extract %slice3A_676[0] : f32 from vector<1xf32>
        %broadcast_in_dim3A_678 = vector.broadcast %squeeze3A_677 : f32 to vector<16xf32>
        %mul3A_679 = arith.mulf %broadcast_in_dim3A_678, %get3A_624 : vector<16xf32>
        %add3A_680 = arith.addf %add3A_566, %mul3A_679 : vector<16xf32>
        %mul3A_681 = arith.mulf %broadcast_in_dim3A_678, %get3A_630 : vector<16xf32>
        %add3A_682 = arith.addf %add3A_568, %mul3A_681 : vector<16xf32>
        %mul3A_683 = arith.mulf %broadcast_in_dim3A_678, %get3A_636 : vector<16xf32>
        %add3A_684 = arith.addf %add3A_570, %mul3A_683 : vector<16xf32>
        %mul3A_685 = arith.mulf %broadcast_in_dim3A_678, %get3A_642 : vector<16xf32>
        %add3A_686 = arith.addf %add3A_572, %mul3A_685 : vector<16xf32>
        %slice3A_687 = vector.extract_strided_slice %convert_element_type3A_366 {offsets = [2], sizes = [1], strides = [1]} : vector<16xf32> to vector<1xf32>
        %squeeze3A_688 = vector.extract %slice3A_687[0] : f32 from vector<1xf32>
        %broadcast_in_dim3A_689 = vector.broadcast %squeeze3A_688 : f32 to vector<16xf32>
        %mul3A_690 = arith.mulf %broadcast_in_dim3A_689, %get3A_624 : vector<16xf32>
        %add3A_691 = arith.addf %add3A_577, %mul3A_690 : vector<16xf32>
        %mul3A_692 = arith.mulf %broadcast_in_dim3A_689, %get3A_630 : vector<16xf32>
        %add3A_693 = arith.addf %add3A_579, %mul3A_692 : vector<16xf32>
        %mul3A_694 = arith.mulf %broadcast_in_dim3A_689, %get3A_636 : vector<16xf32>
        %add3A_695 = arith.addf %add3A_581, %mul3A_694 : vector<16xf32>
        %mul3A_696 = arith.mulf %broadcast_in_dim3A_689, %get3A_642 : vector<16xf32>
        %add3A_697 = arith.addf %add3A_583, %mul3A_696 : vector<16xf32>
        %slice3A_698 = vector.extract_strided_slice %convert_element_type3A_374 {offsets = [2], sizes = [1], strides = [1]} : vector<16xf32> to vector<1xf32>
        %squeeze3A_699 = vector.extract %slice3A_698[0] : f32 from vector<1xf32>
        %broadcast_in_dim3A_700 = vector.broadcast %squeeze3A_699 : f32 to vector<16xf32>
        %mul3A_701 = arith.mulf %broadcast_in_dim3A_700, %get3A_624 : vector<16xf32>
        %add3A_702 = arith.addf %add3A_588, %mul3A_701 : vector<16xf32>
        %mul3A_703 = arith.mulf %broadcast_in_dim3A_700, %get3A_630 : vector<16xf32>
        %add3A_704 = arith.addf %add3A_590, %mul3A_703 : vector<16xf32>
        %mul3A_705 = arith.mulf %broadcast_in_dim3A_700, %get3A_636 : vector<16xf32>
        %add3A_706 = arith.addf %add3A_592, %mul3A_705 : vector<16xf32>
        %mul3A_707 = arith.mulf %broadcast_in_dim3A_700, %get3A_642 : vector<16xf32>
        %add3A_708 = arith.addf %add3A_594, %mul3A_707 : vector<16xf32>
        %slice3A_709 = vector.extract_strided_slice %convert_element_type3A_382 {offsets = [2], sizes = [1], strides = [1]} : vector<16xf32> to vector<1xf32>
        %squeeze3A_710 = vector.extract %slice3A_709[0] : f32 from vector<1xf32>
        %broadcast_in_dim3A_711 = vector.broadcast %squeeze3A_710 : f32 to vector<16xf32>
        %mul3A_712 = arith.mulf %broadcast_in_dim3A_711, %get3A_624 : vector<16xf32>
        %add3A_713 = arith.addf %add3A_599, %mul3A_712 : vector<16xf32>
        %mul3A_714 = arith.mulf %broadcast_in_dim3A_711, %get3A_630 : vector<16xf32>
        %add3A_715 = arith.addf %add3A_601, %mul3A_714 : vector<16xf32>
        %mul3A_716 = arith.mulf %broadcast_in_dim3A_711, %get3A_636 : vector<16xf32>
        %add3A_717 = arith.addf %add3A_603, %mul3A_716 : vector<16xf32>
        %mul3A_718 = arith.mulf %broadcast_in_dim3A_711, %get3A_642 : vector<16xf32>
        %add3A_719 = arith.addf %add3A_605, %mul3A_718 : vector<16xf32>
        %slice3A_720 = vector.extract_strided_slice %convert_element_type3A_390 {offsets = [2], sizes = [1], strides = [1]} : vector<16xf32> to vector<1xf32>
        %squeeze3A_721 = vector.extract %slice3A_720[0] : f32 from vector<1xf32>
        %broadcast_in_dim3A_722 = vector.broadcast %squeeze3A_721 : f32 to vector<16xf32>
        %mul3A_723 = arith.mulf %broadcast_in_dim3A_722, %get3A_624 : vector<16xf32>
        %add3A_724 = arith.addf %add3A_610, %mul3A_723 : vector<16xf32>
        %mul3A_725 = arith.mulf %broadcast_in_dim3A_722, %get3A_630 : vector<16xf32>
        %add3A_726 = arith.addf %add3A_612, %mul3A_725 : vector<16xf32>
        %mul3A_727 = arith.mulf %broadcast_in_dim3A_722, %get3A_636 : vector<16xf32>
        %add3A_728 = arith.addf %add3A_614, %mul3A_727 : vector<16xf32>
        %mul3A_729 = arith.mulf %broadcast_in_dim3A_722, %get3A_642 : vector<16xf32>
        %add3A_730 = arith.addf %add3A_616, %mul3A_729 : vector<16xf32>
        %add3A_731 = arith.constant 3 : i32
        %add3A_732 = arith.addi %mul3A_327, %add3A_731 : i32
        %mul3A_733 = arith.constant 64 : i32
        %mul3A_734 = arith.muli %add3A_732, %mul3A_733 : i32
        %add3A_735 = arith.constant 0 : i32
        %add3A_736 = arith.addi %mul3A_734, %add3A_735 : i32
        %get3A_737 = arith.index_cast %add3A_736 : i32 to index
        %get3A_738 = tpu.vector_load %arg7[%get3A_737] {strides = array<i32>} : memref<16384xf32, #tpu.memory_space<vmem>>, vector<16xf32>,
        %mul3A_739 = arith.constant 64 : i32
        %mul3A_740 = arith.muli %add3A_732, %mul3A_739 : i32
        %add3A_741 = arith.constant 16 : i32
        %add3A_742 = arith.addi %mul3A_740, %add3A_741 : i32
        %get3A_743 = arith.index_cast %add3A_742 : i32 to index
        %get3A_744 = tpu.vector_load %arg7[%get3A_743] {strides = array<i32>} : memref<16384xf32, #tpu.memory_space<vmem>>, vector<16xf32>,
        %mul3A_745 = arith.constant 64 : i32
        %mul3A_746 = arith.muli %add3A_732, %mul3A_745 : i32
        %add3A_747 = arith.constant 32 : i32
        %add3A_748 = arith.addi %mul3A_746, %add3A_747 : i32
        %get3A_749 = arith.index_cast %add3A_748 : i32 to index
        %get3A_750 = tpu.vector_load %arg7[%get3A_749] {strides = array<i32>} : memref<16384xf32, #tpu.memory_space<vmem>>, vector<16xf32>,
        %mul3A_751 = arith.constant 64 : i32
        %mul3A_752 = arith.muli %add3A_732, %mul3A_751 : i32
        %add3A_753 = arith.constant 48 : i32
        %add3A_754 = arith.addi %mul3A_752, %add3A_753 : i32
        %get3A_755 = arith.index_cast %add3A_754 : i32 to index
        %get3A_756 = tpu.vector_load %arg7[%get3A_755] {strides = array<i32>} : memref<16384xf32, #tpu.memory_space<vmem>>, vector<16xf32>,
        %slice3A_757 = vector.extract_strided_slice %convert_element_type3A {offsets = [3], sizes = [1], strides = [1]} : vector<16xf32> to vector<1xf32>
        %squeeze3A_758 = vector.extract %slice3A_757[0] : f32 from vector<1xf32>
        %broadcast_in_dim3A_759 = vector.broadcast %squeeze3A_758 : f32 to vector<16xf32>
        %mul3A_760 = arith.mulf %broadcast_in_dim3A_759, %get3A_738 : vector<16xf32>
        %add3A_761 = arith.addf %add3A_647, %mul3A_760 : vector<16xf32>
        %mul3A_762 = arith.mulf %broadcast_in_dim3A_759, %get3A_744 : vector<16xf32>
        %add3A_763 = arith.addf %add3A_649, %mul3A_762 : vector<16xf32>
        %mul3A_764 = arith.mulf %broadcast_in_dim3A_759, %get3A_750 : vector<16xf32>
        %add3A_765 = arith.addf %add3A_651, %mul3A_764 : vector<16xf32>
        %mul3A_766 = arith.mulf %broadcast_in_dim3A_759, %get3A_756 : vector<16xf32>
        %add3A_767 = arith.addf %add3A_653, %mul3A_766 : vector<16xf32>
        %slice3A_768 = vector.extract_strided_slice %convert_element_type3A_342 {offsets = [3], sizes = [1], strides = [1]} : vector<16xf32> to vector<1xf32>
        %squeeze3A_769 = vector.extract %slice3A_768[0] : f32 from vector<1xf32>
        %broadcast_in_dim3A_770 = vector.broadcast %squeeze3A_769 : f32 to vector<16xf32>
        %mul3A_771 = arith.mulf %broadcast_in_dim3A_770, %get3A_738 : vector<16xf32>
        %add3A_772 = arith.addf %add3A_658, %mul3A_771 : vector<16xf32>
        %mul3A_773 = arith.mulf %broadcast_in_dim3A_770, %get3A_744 : vector<16xf32>
        %add3A_774 = arith.addf %add3A_660, %mul3A_773 : vector<16xf32>
        %mul3A_775 = arith.mulf %broadcast_in_dim3A_770, %get3A_750 : vector<16xf32>
        %add3A_776 = arith.addf %add3A_662, %mul3A_775 : vector<16xf32>
        %mul3A_777 = arith.mulf %broadcast_in_dim3A_770, %get3A_756 : vector<16xf32>
        %add3A_778 = arith.addf %add3A_664, %mul3A_777 : vector<16xf32>
        %slice3A_779 = vector.extract_strided_slice %convert_element_type3A_350 {offsets = [3], sizes = [1], strides = [1]} : vector<16xf32> to vector<1xf32>
        %squeeze3A_780 = vector.extract %slice3A_779[0] : f32 from vector<1xf32>
        %broadcast_in_dim3A_781 = vector.broadcast %squeeze3A_780 : f32 to vector<16xf32>
        %mul3A_782 = arith.mulf %broadcast_in_dim3A_781, %get3A_738 : vector<16xf32>
        %add3A_783 = arith.addf %add3A_669, %mul3A_782 : vector<16xf32>
        %mul3A_784 = arith.mulf %broadcast_in_dim3A_781, %get3A_744 : vector<16xf32>
        %add3A_785 = arith.addf %add3A_671, %mul3A_784 : vector<16xf32>
        %mul3A_786 = arith.mulf %broadcast_in_dim3A_781, %get3A_750 : vector<16xf32>
        %add3A_787 = arith.addf %add3A_673, %mul3A_786 : vector<16xf32>
        %mul3A_788 = arith.mulf %broadcast_in_dim3A_781, %get3A_756 : vector<16xf32>
        %add3A_789 = arith.addf %add3A_675, %mul3A_788 : vector<16xf32>
        %slice3A_790 = vector.extract_strided_slice %convert_element_type3A_358 {offsets = [3], sizes = [1], strides = [1]} : vector<16xf32> to vector<1xf32>
        %squeeze3A_791 = vector.extract %slice3A_790[0] : f32 from vector<1xf32>
        %broadcast_in_dim3A_792 = vector.broadcast %squeeze3A_791 : f32 to vector<16xf32>
        %mul3A_793 = arith.mulf %broadcast_in_dim3A_792, %get3A_738 : vector<16xf32>
        %add3A_794 = arith.addf %add3A_680, %mul3A_793 : vector<16xf32>
        %mul3A_795 = arith.mulf %broadcast_in_dim3A_792, %get3A_744 : vector<16xf32>
        %add3A_796 = arith.addf %add3A_682, %mul3A_795 : vector<16xf32>
        %mul3A_797 = arith.mulf %broadcast_in_dim3A_792, %get3A_750 : vector<16xf32>
        %add3A_798 = arith.addf %add3A_684, %mul3A_797 : vector<16xf32>
        %mul3A_799 = arith.mulf %broadcast_in_dim3A_792, %get3A_756 : vector<16xf32>
        %add3A_800 = arith.addf %add3A_686, %mul3A_799 : vector<16xf32>
        %slice3A_801 = vector.extract_strided_slice %convert_element_type3A_366 {offsets = [3], sizes = [1], strides = [1]} : vector<16xf32> to vector<1xf32>
        %squeeze3A_802 = vector.extract %slice3A_801[0] : f32 from vector<1xf32>
        %broadcast_in_dim3A_803 = vector.broadcast %squeeze3A_802 : f32 to vector<16xf32>
        %mul3A_804 = arith.mulf %broadcast_in_dim3A_803, %get3A_738 : vector<16xf32>
        %add3A_805 = arith.addf %add3A_691, %mul3A_804 : vector<16xf32>
        %mul3A_806 = arith.mulf %broadcast_in_dim3A_803, %get3A_744 : vector<16xf32>
        %add3A_807 = arith.addf %add3A_693, %mul3A_806 : vector<16xf32>
        %mul3A_808 = arith.mulf %broadcast_in_dim3A_803, %get3A_750 : vector<16xf32>
        %add3A_809 = arith.addf %add3A_695, %mul3A_808 : vector<16xf32>
        %mul3A_810 = arith.mulf %broadcast_in_dim3A_803, %get3A_756 : vector<16xf32>
        %add3A_811 = arith.addf %add3A_697, %mul3A_810 : vector<16xf32>
        %slice3A_812 = vector.extract_strided_slice %convert_element_type3A_374 {offsets = [3], sizes = [1], strides = [1]} : vector<16xf32> to vector<1xf32>
        %squeeze3A_813 = vector.extract %slice3A_812[0] : f32 from vector<1xf32>
        %broadcast_in_dim3A_814 = vector.broadcast %squeeze3A_813 : f32 to vector<16xf32>
        %mul3A_815 = arith.mulf %broadcast_in_dim3A_814, %get3A_738 : vector<16xf32>
        %add3A_816 = arith.addf %add3A_702, %mul3A_815 : vector<16xf32>
        %mul3A_817 = arith.mulf %broadcast_in_dim3A_814, %get3A_744 : vector<16xf32>
        %add3A_818 = arith.addf %add3A_704, %mul3A_817 : vector<16xf32>
        %mul3A_819 = arith.mulf %broadcast_in_dim3A_814, %get3A_750 : vector<16xf32>
        %add3A_820 = arith.addf %add3A_706, %mul3A_819 : vector<16xf32>
        %mul3A_821 = arith.mulf %broadcast_in_dim3A_814, %get3A_756 : vector<16xf32>
        %add3A_822 = arith.addf %add3A_708, %mul3A_821 : vector<16xf32>
        %slice3A_823 = vector.extract_strided_slice %convert_element_type3A_382 {offsets = [3], sizes = [1], strides = [1]} : vector<16xf32> to vector<1xf32>
        %squeeze3A_824 = vector.extract %slice3A_823[0] : f32 from vector<1xf32>
        %broadcast_in_dim3A_825 = vector.broadcast %squeeze3A_824 : f32 to vector<16xf32>
        %mul3A_826 = arith.mulf %broadcast_in_dim3A_825, %get3A_738 : vector<16xf32>
        %add3A_827 = arith.addf %add3A_713, %mul3A_826 : vector<16xf32>
        %mul3A_828 = arith.mulf %broadcast_in_dim3A_825, %get3A_744 : vector<16xf32>
        %add3A_829 = arith.addf %add3A_715, %mul3A_828 : vector<16xf32>
        %mul3A_830 = arith.mulf %broadcast_in_dim3A_825, %get3A_750 : vector<16xf32>
        %add3A_831 = arith.addf %add3A_717, %mul3A_830 : vector<16xf32>
        %mul3A_832 = arith.mulf %broadcast_in_dim3A_825, %get3A_756 : vector<16xf32>
        %add3A_833 = arith.addf %add3A_719, %mul3A_832 : vector<16xf32>
        %slice3A_834 = vector.extract_strided_slice %convert_element_type3A_390 {offsets = [3], sizes = [1], strides = [1]} : vector<16xf32> to vector<1xf32>
        %squeeze3A_835 = vector.extract %slice3A_834[0] : f32 from vector<1xf32>
        %broadcast_in_dim3A_836 = vector.broadcast %squeeze3A_835 : f32 to vector<16xf32>
        %mul3A_837 = arith.mulf %broadcast_in_dim3A_836, %get3A_738 : vector<16xf32>
        %add3A_838 = arith.addf %add3A_724, %mul3A_837 : vector<16xf32>
        %mul3A_839 = arith.mulf %broadcast_in_dim3A_836, %get3A_744 : vector<16xf32>
        %add3A_840 = arith.addf %add3A_726, %mul3A_839 : vector<16xf32>
        %mul3A_841 = arith.mulf %broadcast_in_dim3A_836, %get3A_750 : vector<16xf32>
        %add3A_842 = arith.addf %add3A_728, %mul3A_841 : vector<16xf32>
        %mul3A_843 = arith.mulf %broadcast_in_dim3A_836, %get3A_756 : vector<16xf32>
        %add3A_844 = arith.addf %add3A_730, %mul3A_843 : vector<16xf32>
        %add3A_845 = arith.constant 4 : i32
        %add3A_846 = arith.addi %mul3A_327, %add3A_845 : i32
        %mul3A_847 = arith.constant 64 : i32
        %mul3A_848 = arith.muli %add3A_846, %mul3A_847 : i32
        %add3A_849 = arith.constant 0 : i32
        %add3A_850 = arith.addi %mul3A_848, %add3A_849 : i32
        %get3A_851 = arith.index_cast %add3A_850 : i32 to index
        %get3A_852 = tpu.vector_load %arg7[%get3A_851] {strides = array<i32>} : memref<16384xf32, #tpu.memory_space<vmem>>, vector<16xf32>,
        %mul3A_853 = arith.constant 64 : i32
        %mul3A_854 = arith.muli %add3A_846, %mul3A_853 : i32
        %add3A_855 = arith.constant 16 : i32
        %add3A_856 = arith.addi %mul3A_854, %add3A_855 : i32
        %get3A_857 = arith.index_cast %add3A_856 : i32 to index
        %get3A_858 = tpu.vector_load %arg7[%get3A_857] {strides = array<i32>} : memref<16384xf32, #tpu.memory_space<vmem>>, vector<16xf32>,
        %mul3A_859 = arith.constant 64 : i32
        %mul3A_860 = arith.muli %add3A_846, %mul3A_859 : i32
        %add3A_861 = arith.constant 32 : i32
        %add3A_862 = arith.addi %mul3A_860, %add3A_861 : i32
        %get3A_863 = arith.index_cast %add3A_862 : i32 to index
        %get3A_864 = tpu.vector_load %arg7[%get3A_863] {strides = array<i32>} : memref<16384xf32, #tpu.memory_space<vmem>>, vector<16xf32>,
        %mul3A_865 = arith.constant 64 : i32
        %mul3A_866 = arith.muli %add3A_846, %mul3A_865 : i32
        %add3A_867 = arith.constant 48 : i32
        %add3A_868 = arith.addi %mul3A_866, %add3A_867 : i32
        %get3A_869 = arith.index_cast %add3A_868 : i32 to index
        %get3A_870 = tpu.vector_load %arg7[%get3A_869] {strides = array<i32>} : memref<16384xf32, #tpu.memory_space<vmem>>, vector<16xf32>,
        %slice3A_871 = vector.extract_strided_slice %convert_element_type3A {offsets = [4], sizes = [1], strides = [1]} : vector<16xf32> to vector<1xf32>
        %squeeze3A_872 = vector.extract %slice3A_871[0] : f32 from vector<1xf32>
        %broadcast_in_dim3A_873 = vector.broadcast %squeeze3A_872 : f32 to vector<16xf32>
        %mul3A_874 = arith.mulf %broadcast_in_dim3A_873, %get3A_852 : vector<16xf32>
        %add3A_875 = arith.addf %add3A_761, %mul3A_874 : vector<16xf32>
        %mul3A_876 = arith.mulf %broadcast_in_dim3A_873, %get3A_858 : vector<16xf32>
        %add3A_877 = arith.addf %add3A_763, %mul3A_876 : vector<16xf32>
        %mul3A_878 = arith.mulf %broadcast_in_dim3A_873, %get3A_864 : vector<16xf32>
        %add3A_879 = arith.addf %add3A_765, %mul3A_878 : vector<16xf32>
        %mul3A_880 = arith.mulf %broadcast_in_dim3A_873, %get3A_870 : vector<16xf32>
        %add3A_881 = arith.addf %add3A_767, %mul3A_880 : vector<16xf32>
        %slice3A_882 = vector.extract_strided_slice %convert_element_type3A_342 {offsets = [4], sizes = [1], strides = [1]} : vector<16xf32> to vector<1xf32>
        %squeeze3A_883 = vector.extract %slice3A_882[0] : f32 from vector<1xf32>
        %broadcast_in_dim3A_884 = vector.broadcast %squeeze3A_883 : f32 to vector<16xf32>
        %mul3A_885 = arith.mulf %broadcast_in_dim3A_884, %get3A_852 : vector<16xf32>
        %add3A_886 = arith.addf %add3A_772, %mul3A_885 : vector<16xf32>
        %mul3A_887 = arith.mulf %broadcast_in_dim3A_884, %get3A_858 : vector<16xf32>
        %add3A_888 = arith.addf %add3A_774, %mul3A_887 : vector<16xf32>
        %mul3A_889 = arith.mulf %broadcast_in_dim3A_884, %get3A_864 : vector<16xf32>
        %add3A_890 = arith.addf %add3A_776, %mul3A_889 : vector<16xf32>
        %mul3A_891 = arith.mulf %broadcast_in_dim3A_884, %get3A_870 : vector<16xf32>
        %add3A_892 = arith.addf %add3A_778, %mul3A_891 : vector<16xf32>
        %slice3A_893 = vector.extract_strided_slice %convert_element_type3A_350 {offsets = [4], sizes = [1], strides = [1]} : vector<16xf32> to vector<1xf32>
        %squeeze3A_894 = vector.extract %slice3A_893[0] : f32 from vector<1xf32>
        %broadcast_in_dim3A_895 = vector.broadcast %squeeze3A_894 : f32 to vector<16xf32>
        %mul3A_896 = arith.mulf %broadcast_in_dim3A_895, %get3A_852 : vector<16xf32>
        %add3A_897 = arith.addf %add3A_783, %mul3A_896 : vector<16xf32>
        %mul3A_898 = arith.mulf %broadcast_in_dim3A_895, %get3A_858 : vector<16xf32>
        %add3A_899 = arith.addf %add3A_785, %mul3A_898 : vector<16xf32>
        %mul3A_900 = arith.mulf %broadcast_in_dim3A_895, %get3A_864 : vector<16xf32>
        %add3A_901 = arith.addf %add3A_787, %mul3A_900 : vector<16xf32>
        %mul3A_902 = arith.mulf %broadcast_in_dim3A_895, %get3A_870 : vector<16xf32>
        %add3A_903 = arith.addf %add3A_789, %mul3A_902 : vector<16xf32>
        %slice3A_904 = vector.extract_strided_slice %convert_element_type3A_358 {offsets = [4], sizes = [1], strides = [1]} : vector<16xf32> to vector<1xf32>
        %squeeze3A_905 = vector.extract %slice3A_904[0] : f32 from vector<1xf32>
        %broadcast_in_dim3A_906 = vector.broadcast %squeeze3A_905 : f32 to vector<16xf32>
        %mul3A_907 = arith.mulf %broadcast_in_dim3A_906, %get3A_852 : vector<16xf32>
        %add3A_908 = arith.addf %add3A_794, %mul3A_907 : vector<16xf32>
        %mul3A_909 = arith.mulf %broadcast_in_dim3A_906, %get3A_858 : vector<16xf32>
        %add3A_910 = arith.addf %add3A_796, %mul3A_909 : vector<16xf32>
        %mul3A_911 = arith.mulf %broadcast_in_dim3A_906, %get3A_864 : vector<16xf32>
        %add3A_912 = arith.addf %add3A_798, %mul3A_911 : vector<16xf32>
        %mul3A_913 = arith.mulf %broadcast_in_dim3A_906, %get3A_870 : vector<16xf32>
        %add3A_914 = arith.addf %add3A_800, %mul3A_913 : vector<16xf32>
        %slice3A_915 = vector.extract_strided_slice %convert_element_type3A_366 {offsets = [4], sizes = [1], strides = [1]} : vector<16xf32> to vector<1xf32>
        %squeeze3A_916 = vector.extract %slice3A_915[0] : f32 from vector<1xf32>
        %broadcast_in_dim3A_917 = vector.broadcast %squeeze3A_916 : f32 to vector<16xf32>
        %mul3A_918 = arith.mulf %broadcast_in_dim3A_917, %get3A_852 : vector<16xf32>
        %add3A_919 = arith.addf %add3A_805, %mul3A_918 : vector<16xf32>
        %mul3A_920 = arith.mulf %broadcast_in_dim3A_917, %get3A_858 : vector<16xf32>
        %add3A_921 = arith.addf %add3A_807, %mul3A_920 : vector<16xf32>
        %mul3A_922 = arith.mulf %broadcast_in_dim3A_917, %get3A_864 : vector<16xf32>
        %add3A_923 = arith.addf %add3A_809, %mul3A_922 : vector<16xf32>
        %mul3A_924 = arith.mulf %broadcast_in_dim3A_917, %get3A_870 : vector<16xf32>
        %add3A_925 = arith.addf %add3A_811, %mul3A_924 : vector<16xf32>
        %slice3A_926 = vector.extract_strided_slice %convert_element_type3A_374 {offsets = [4], sizes = [1], strides = [1]} : vector<16xf32> to vector<1xf32>
        %squeeze3A_927 = vector.extract %slice3A_926[0] : f32 from vector<1xf32>
        %broadcast_in_dim3A_928 = vector.broadcast %squeeze3A_927 : f32 to vector<16xf32>
        %mul3A_929 = arith.mulf %broadcast_in_dim3A_928, %get3A_852 : vector<16xf32>
        %add3A_930 = arith.addf %add3A_816, %mul3A_929 : vector<16xf32>
        %mul3A_931 = arith.mulf %broadcast_in_dim3A_928, %get3A_858 : vector<16xf32>
        %add3A_932 = arith.addf %add3A_818, %mul3A_931 : vector<16xf32>
        %mul3A_933 = arith.mulf %broadcast_in_dim3A_928, %get3A_864 : vector<16xf32>
        %add3A_934 = arith.addf %add3A_820, %mul3A_933 : vector<16xf32>
        %mul3A_935 = arith.mulf %broadcast_in_dim3A_928, %get3A_870 : vector<16xf32>
        %add3A_936 = arith.addf %add3A_822, %mul3A_935 : vector<16xf32>
        %slice3A_937 = vector.extract_strided_slice %convert_element_type3A_382 {offsets = [4], sizes = [1], strides = [1]} : vector<16xf32> to vector<1xf32>
        %squeeze3A_938 = vector.extract %slice3A_937[0] : f32 from vector<1xf32>
        %broadcast_in_dim3A_939 = vector.broadcast %squeeze3A_938 : f32 to vector<16xf32>
        %mul3A_940 = arith.mulf %broadcast_in_dim3A_939, %get3A_852 : vector<16xf32>
        %add3A_941 = arith.addf %add3A_827, %mul3A_940 : vector<16xf32>
        %mul3A_942 = arith.mulf %broadcast_in_dim3A_939, %get3A_858 : vector<16xf32>
        %add3A_943 = arith.addf %add3A_829, %mul3A_942 : vector<16xf32>
        %mul3A_944 = arith.mulf %broadcast_in_dim3A_939, %get3A_864 : vector<16xf32>
        %add3A_945 = arith.addf %add3A_831, %mul3A_944 : vector<16xf32>
        %mul3A_946 = arith.mulf %broadcast_in_dim3A_939, %get3A_870 : vector<16xf32>
        %add3A_947 = arith.addf %add3A_833, %mul3A_946 : vector<16xf32>
        %slice3A_948 = vector.extract_strided_slice %convert_element_type3A_390 {offsets = [4], sizes = [1], strides = [1]} : vector<16xf32> to vector<1xf32>
        %squeeze3A_949 = vector.extract %slice3A_948[0] : f32 from vector<1xf32>
        %broadcast_in_dim3A_950 = vector.broadcast %squeeze3A_949 : f32 to vector<16xf32>
        %mul3A_951 = arith.mulf %broadcast_in_dim3A_950, %get3A_852 : vector<16xf32>
        %add3A_952 = arith.addf %add3A_838, %mul3A_951 : vector<16xf32>
        %mul3A_953 = arith.mulf %broadcast_in_dim3A_950, %get3A_858 : vector<16xf32>
        %add3A_954 = arith.addf %add3A_840, %mul3A_953 : vector<16xf32>
        %mul3A_955 = arith.mulf %broadcast_in_dim3A_950, %get3A_864 : vector<16xf32>
        %add3A_956 = arith.addf %add3A_842, %mul3A_955 : vector<16xf32>
        %mul3A_957 = arith.mulf %broadcast_in_dim3A_950, %get3A_870 : vector<16xf32>
        %add3A_958 = arith.addf %add3A_844, %mul3A_957 : vector<16xf32>
        %add3A_959 = arith.constant 5 : i32
        %add3A_960 = arith.addi %mul3A_327, %add3A_959 : i32
        %mul3A_961 = arith.constant 64 : i32
        %mul3A_962 = arith.muli %add3A_960, %mul3A_961 : i32
        %add3A_963 = arith.constant 0 : i32
        %add3A_964 = arith.addi %mul3A_962, %add3A_963 : i32
        %get3A_965 = arith.index_cast %add3A_964 : i32 to index
        %get3A_966 = tpu.vector_load %arg7[%get3A_965] {strides = array<i32>} : memref<16384xf32, #tpu.memory_space<vmem>>, vector<16xf32>,
        %mul3A_967 = arith.constant 64 : i32
        %mul3A_968 = arith.muli %add3A_960, %mul3A_967 : i32
        %add3A_969 = arith.constant 16 : i32
        %add3A_970 = arith.addi %mul3A_968, %add3A_969 : i32
        %get3A_971 = arith.index_cast %add3A_970 : i32 to index
        %get3A_972 = tpu.vector_load %arg7[%get3A_971] {strides = array<i32>} : memref<16384xf32, #tpu.memory_space<vmem>>, vector<16xf32>,
        %mul3A_973 = arith.constant 64 : i32
        %mul3A_974 = arith.muli %add3A_960, %mul3A_973 : i32
        %add3A_975 = arith.constant 32 : i32
        %add3A_976 = arith.addi %mul3A_974, %add3A_975 : i32
        %get3A_977 = arith.index_cast %add3A_976 : i32 to index
        %get3A_978 = tpu.vector_load %arg7[%get3A_977] {strides = array<i32>} : memref<16384xf32, #tpu.memory_space<vmem>>, vector<16xf32>,
        %mul3A_979 = arith.constant 64 : i32
        %mul3A_980 = arith.muli %add3A_960, %mul3A_979 : i32
        %add3A_981 = arith.constant 48 : i32
        %add3A_982 = arith.addi %mul3A_980, %add3A_981 : i32
        %get3A_983 = arith.index_cast %add3A_982 : i32 to index
        %get3A_984 = tpu.vector_load %arg7[%get3A_983] {strides = array<i32>} : memref<16384xf32, #tpu.memory_space<vmem>>, vector<16xf32>,
        %slice3A_985 = vector.extract_strided_slice %convert_element_type3A {offsets = [5], sizes = [1], strides = [1]} : vector<16xf32> to vector<1xf32>
        %squeeze3A_986 = vector.extract %slice3A_985[0] : f32 from vector<1xf32>
        %broadcast_in_dim3A_987 = vector.broadcast %squeeze3A_986 : f32 to vector<16xf32>
        %mul3A_988 = arith.mulf %broadcast_in_dim3A_987, %get3A_966 : vector<16xf32>
        %add3A_989 = arith.addf %add3A_875, %mul3A_988 : vector<16xf32>
        %mul3A_990 = arith.mulf %broadcast_in_dim3A_987, %get3A_972 : vector<16xf32>
        %add3A_991 = arith.addf %add3A_877, %mul3A_990 : vector<16xf32>
        %mul3A_992 = arith.mulf %broadcast_in_dim3A_987, %get3A_978 : vector<16xf32>
        %add3A_993 = arith.addf %add3A_879, %mul3A_992 : vector<16xf32>
        %mul3A_994 = arith.mulf %broadcast_in_dim3A_987, %get3A_984 : vector<16xf32>
        %add3A_995 = arith.addf %add3A_881, %mul3A_994 : vector<16xf32>
        %slice3A_996 = vector.extract_strided_slice %convert_element_type3A_342 {offsets = [5], sizes = [1], strides = [1]} : vector<16xf32> to vector<1xf32>
        %squeeze3A_997 = vector.extract %slice3A_996[0] : f32 from vector<1xf32>
        %broadcast_in_dim3A_998 = vector.broadcast %squeeze3A_997 : f32 to vector<16xf32>
        %mul3A_999 = arith.mulf %broadcast_in_dim3A_998, %get3A_966 : vector<16xf32>
        %add3A_1000 = arith.addf %add3A_886, %mul3A_999 : vector<16xf32>
        %mul3A_1001 = arith.mulf %broadcast_in_dim3A_998, %get3A_972 : vector<16xf32>
        %add3A_1002 = arith.addf %add3A_888, %mul3A_1001 : vector<16xf32>
        %mul3A_1003 = arith.mulf %broadcast_in_dim3A_998, %get3A_978 : vector<16xf32>
        %add3A_1004 = arith.addf %add3A_890, %mul3A_1003 : vector<16xf32>
        %mul3A_1005 = arith.mulf %broadcast_in_dim3A_998, %get3A_984 : vector<16xf32>
        %add3A_1006 = arith.addf %add3A_892, %mul3A_1005 : vector<16xf32>
        %slice3A_1007 = vector.extract_strided_slice %convert_element_type3A_350 {offsets = [5], sizes = [1], strides = [1]} : vector<16xf32> to vector<1xf32>
        %squeeze3A_1008 = vector.extract %slice3A_1007[0] : f32 from vector<1xf32>
        %broadcast_in_dim3A_1009 = vector.broadcast %squeeze3A_1008 : f32 to vector<16xf32>
        %mul3A_1010 = arith.mulf %broadcast_in_dim3A_1009, %get3A_966 : vector<16xf32>
        %add3A_1011 = arith.addf %add3A_897, %mul3A_1010 : vector<16xf32>
        %mul3A_1012 = arith.mulf %broadcast_in_dim3A_1009, %get3A_972 : vector<16xf32>
        %add3A_1013 = arith.addf %add3A_899, %mul3A_1012 : vector<16xf32>
        %mul3A_1014 = arith.mulf %broadcast_in_dim3A_1009, %get3A_978 : vector<16xf32>
        %add3A_1015 = arith.addf %add3A_901, %mul3A_1014 : vector<16xf32>
        %mul3A_1016 = arith.mulf %broadcast_in_dim3A_1009, %get3A_984 : vector<16xf32>
        %add3A_1017 = arith.addf %add3A_903, %mul3A_1016 : vector<16xf32>
        %slice3A_1018 = vector.extract_strided_slice %convert_element_type3A_358 {offsets = [5], sizes = [1], strides = [1]} : vector<16xf32> to vector<1xf32>
        %squeeze3A_1019 = vector.extract %slice3A_1018[0] : f32 from vector<1xf32>
        %broadcast_in_dim3A_1020 = vector.broadcast %squeeze3A_1019 : f32 to vector<16xf32>
        %mul3A_1021 = arith.mulf %broadcast_in_dim3A_1020, %get3A_966 : vector<16xf32>
        %add3A_1022 = arith.addf %add3A_908, %mul3A_1021 : vector<16xf32>
        %mul3A_1023 = arith.mulf %broadcast_in_dim3A_1020, %get3A_972 : vector<16xf32>
        %add3A_1024 = arith.addf %add3A_910, %mul3A_1023 : vector<16xf32>
        %mul3A_1025 = arith.mulf %broadcast_in_dim3A_1020, %get3A_978 : vector<16xf32>
        %add3A_1026 = arith.addf %add3A_912, %mul3A_1025 : vector<16xf32>
        %mul3A_1027 = arith.mulf %broadcast_in_dim3A_1020, %get3A_984 : vector<16xf32>
        %add3A_1028 = arith.addf %add3A_914, %mul3A_1027 : vector<16xf32>
        %slice3A_1029 = vector.extract_strided_slice %convert_element_type3A_366 {offsets = [5], sizes = [1], strides = [1]} : vector<16xf32> to vector<1xf32>
        %squeeze3A_1030 = vector.extract %slice3A_1029[0] : f32 from vector<1xf32>
        %broadcast_in_dim3A_1031 = vector.broadcast %squeeze3A_1030 : f32 to vector<16xf32>
        %mul3A_1032 = arith.mulf %broadcast_in_dim3A_1031, %get3A_966 : vector<16xf32>
        %add3A_1033 = arith.addf %add3A_919, %mul3A_1032 : vector<16xf32>
        %mul3A_1034 = arith.mulf %broadcast_in_dim3A_1031, %get3A_972 : vector<16xf32>
        %add3A_1035 = arith.addf %add3A_921, %mul3A_1034 : vector<16xf32>
        %mul3A_1036 = arith.mulf %broadcast_in_dim3A_1031, %get3A_978 : vector<16xf32>
        %add3A_1037 = arith.addf %add3A_923, %mul3A_1036 : vector<16xf32>
        %mul3A_1038 = arith.mulf %broadcast_in_dim3A_1031, %get3A_984 : vector<16xf32>
        %add3A_1039 = arith.addf %add3A_925, %mul3A_1038 : vector<16xf32>
        %slice3A_1040 = vector.extract_strided_slice %convert_element_type3A_374 {offsets = [5], sizes = [1], strides = [1]} : vector<16xf32> to vector<1xf32>
        %squeeze3A_1041 = vector.extract %slice3A_1040[0] : f32 from vector<1xf32>
        %broadcast_in_dim3A_1042 = vector.broadcast %squeeze3A_1041 : f32 to vector<16xf32>
        %mul3A_1043 = arith.mulf %broadcast_in_dim3A_1042, %get3A_966 : vector<16xf32>
        %add3A_1044 = arith.addf %add3A_930, %mul3A_1043 : vector<16xf32>
        %mul3A_1045 = arith.mulf %broadcast_in_dim3A_1042, %get3A_972 : vector<16xf32>
        %add3A_1046 = arith.addf %add3A_932, %mul3A_1045 : vector<16xf32>
        %mul3A_1047 = arith.mulf %broadcast_in_dim3A_1042, %get3A_978 : vector<16xf32>
        %add3A_1048 = arith.addf %add3A_934, %mul3A_1047 : vector<16xf32>
        %mul3A_1049 = arith.mulf %broadcast_in_dim3A_1042, %get3A_984 : vector<16xf32>
        %add3A_1050 = arith.addf %add3A_936, %mul3A_1049 : vector<16xf32>
        %slice3A_1051 = vector.extract_strided_slice %convert_element_type3A_382 {offsets = [5], sizes = [1], strides = [1]} : vector<16xf32> to vector<1xf32>
        %squeeze3A_1052 = vector.extract %slice3A_1051[0] : f32 from vector<1xf32>
        %broadcast_in_dim3A_1053 = vector.broadcast %squeeze3A_1052 : f32 to vector<16xf32>
        %mul3A_1054 = arith.mulf %broadcast_in_dim3A_1053, %get3A_966 : vector<16xf32>
        %add3A_1055 = arith.addf %add3A_941, %mul3A_1054 : vector<16xf32>
        %mul3A_1056 = arith.mulf %broadcast_in_dim3A_1053, %get3A_972 : vector<16xf32>
        %add3A_1057 = arith.addf %add3A_943, %mul3A_1056 : vector<16xf32>
        %mul3A_1058 = arith.mulf %broadcast_in_dim3A_1053, %get3A_978 : vector<16xf32>
        %add3A_1059 = arith.addf %add3A_945, %mul3A_1058 : vector<16xf32>
        %mul3A_1060 = arith.mulf %broadcast_in_dim3A_1053, %get3A_984 : vector<16xf32>
        %add3A_1061 = arith.addf %add3A_947, %mul3A_1060 : vector<16xf32>
        %slice3A_1062 = vector.extract_strided_slice %convert_element_type3A_390 {offsets = [5], sizes = [1], strides = [1]} : vector<16xf32> to vector<1xf32>
        %squeeze3A_1063 = vector.extract %slice3A_1062[0] : f32 from vector<1xf32>
        %broadcast_in_dim3A_1064 = vector.broadcast %squeeze3A_1063 : f32 to vector<16xf32>
        %mul3A_1065 = arith.mulf %broadcast_in_dim3A_1064, %get3A_966 : vector<16xf32>
        %add3A_1066 = arith.addf %add3A_952, %mul3A_1065 : vector<16xf32>
        %mul3A_1067 = arith.mulf %broadcast_in_dim3A_1064, %get3A_972 : vector<16xf32>
        %add3A_1068 = arith.addf %add3A_954, %mul3A_1067 : vector<16xf32>
        %mul3A_1069 = arith.mulf %broadcast_in_dim3A_1064, %get3A_978 : vector<16xf32>
        %add3A_1070 = arith.addf %add3A_956, %mul3A_1069 : vector<16xf32>
        %mul3A_1071 = arith.mulf %broadcast_in_dim3A_1064, %get3A_984 : vector<16xf32>
        %add3A_1072 = arith.addf %add3A_958, %mul3A_1071 : vector<16xf32>
        %add3A_1073 = arith.constant 6 : i32
        %add3A_1074 = arith.addi %mul3A_327, %add3A_1073 : i32
        %mul3A_1075 = arith.constant 64 : i32
        %mul3A_1076 = arith.muli %add3A_1074, %mul3A_1075 : i32
        %add3A_1077 = arith.constant 0 : i32
        %add3A_1078 = arith.addi %mul3A_1076, %add3A_1077 : i32
        %get3A_1079 = arith.index_cast %add3A_1078 : i32 to index
        %get3A_1080 = tpu.vector_load %arg7[%get3A_1079] {strides = array<i32>} : memref<16384xf32, #tpu.memory_space<vmem>>, vector<16xf32>,
        %mul3A_1081 = arith.constant 64 : i32
        %mul3A_1082 = arith.muli %add3A_1074, %mul3A_1081 : i32
        %add3A_1083 = arith.constant 16 : i32
        %add3A_1084 = arith.addi %mul3A_1082, %add3A_1083 : i32
        %get3A_1085 = arith.index_cast %add3A_1084 : i32 to index
        %get3A_1086 = tpu.vector_load %arg7[%get3A_1085] {strides = array<i32>} : memref<16384xf32, #tpu.memory_space<vmem>>, vector<16xf32>,
        %mul3A_1087 = arith.constant 64 : i32
        %mul3A_1088 = arith.muli %add3A_1074, %mul3A_1087 : i32
        %add3A_1089 = arith.constant 32 : i32
        %add3A_1090 = arith.addi %mul3A_1088, %add3A_1089 : i32
        %get3A_1091 = arith.index_cast %add3A_1090 : i32 to index
        %get3A_1092 = tpu.vector_load %arg7[%get3A_1091] {strides = array<i32>} : memref<16384xf32, #tpu.memory_space<vmem>>, vector<16xf32>,
        %mul3A_1093 = arith.constant 64 : i32
        %mul3A_1094 = arith.muli %add3A_1074, %mul3A_1093 : i32
        %add3A_1095 = arith.constant 48 : i32
        %add3A_1096 = arith.addi %mul3A_1094, %add3A_1095 : i32
        %get3A_1097 = arith.index_cast %add3A_1096 : i32 to index
        %get3A_1098 = tpu.vector_load %arg7[%get3A_1097] {strides = array<i32>} : memref<16384xf32, #tpu.memory_space<vmem>>, vector<16xf32>,
        %slice3A_1099 = vector.extract_strided_slice %convert_element_type3A {offsets = [6], sizes = [1], strides = [1]} : vector<16xf32> to vector<1xf32>
        %squeeze3A_1100 = vector.extract %slice3A_1099[0] : f32 from vector<1xf32>
        %broadcast_in_dim3A_1101 = vector.broadcast %squeeze3A_1100 : f32 to vector<16xf32>
        %mul3A_1102 = arith.mulf %broadcast_in_dim3A_1101, %get3A_1080 : vector<16xf32>
        %add3A_1103 = arith.addf %add3A_989, %mul3A_1102 : vector<16xf32>
        %mul3A_1104 = arith.mulf %broadcast_in_dim3A_1101, %get3A_1086 : vector<16xf32>
        %add3A_1105 = arith.addf %add3A_991, %mul3A_1104 : vector<16xf32>
        %mul3A_1106 = arith.mulf %broadcast_in_dim3A_1101, %get3A_1092 : vector<16xf32>
        %add3A_1107 = arith.addf %add3A_993, %mul3A_1106 : vector<16xf32>
        %mul3A_1108 = arith.mulf %broadcast_in_dim3A_1101, %get3A_1098 : vector<16xf32>
        %add3A_1109 = arith.addf %add3A_995, %mul3A_1108 : vector<16xf32>
        %slice3A_1110 = vector.extract_strided_slice %convert_element_type3A_342 {offsets = [6], sizes = [1], strides = [1]} : vector<16xf32> to vector<1xf32>
        %squeeze3A_1111 = vector.extract %slice3A_1110[0] : f32 from vector<1xf32>
        %broadcast_in_dim3A_1112 = vector.broadcast %squeeze3A_1111 : f32 to vector<16xf32>
        %mul3A_1113 = arith.mulf %broadcast_in_dim3A_1112, %get3A_1080 : vector<16xf32>
        %add3A_1114 = arith.addf %add3A_1000, %mul3A_1113 : vector<16xf32>
        %mul3A_1115 = arith.mulf %broadcast_in_dim3A_1112, %get3A_1086 : vector<16xf32>
        %add3A_1116 = arith.addf %add3A_1002, %mul3A_1115 : vector<16xf32>
        %mul3A_1117 = arith.mulf %broadcast_in_dim3A_1112, %get3A_1092 : vector<16xf32>
        %add3A_1118 = arith.addf %add3A_1004, %mul3A_1117 : vector<16xf32>
        %mul3A_1119 = arith.mulf %broadcast_in_dim3A_1112, %get3A_1098 : vector<16xf32>
        %add3A_1120 = arith.addf %add3A_1006, %mul3A_1119 : vector<16xf32>
        %slice3A_1121 = vector.extract_strided_slice %convert_element_type3A_350 {offsets = [6], sizes = [1], strides = [1]} : vector<16xf32> to vector<1xf32>
        %squeeze3A_1122 = vector.extract %slice3A_1121[0] : f32 from vector<1xf32>
        %broadcast_in_dim3A_1123 = vector.broadcast %squeeze3A_1122 : f32 to vector<16xf32>
        %mul3A_1124 = arith.mulf %broadcast_in_dim3A_1123, %get3A_1080 : vector<16xf32>
        %add3A_1125 = arith.addf %add3A_1011, %mul3A_1124 : vector<16xf32>
        %mul3A_1126 = arith.mulf %broadcast_in_dim3A_1123, %get3A_1086 : vector<16xf32>
        %add3A_1127 = arith.addf %add3A_1013, %mul3A_1126 : vector<16xf32>
        %mul3A_1128 = arith.mulf %broadcast_in_dim3A_1123, %get3A_1092 : vector<16xf32>
        %add3A_1129 = arith.addf %add3A_1015, %mul3A_1128 : vector<16xf32>
        %mul3A_1130 = arith.mulf %broadcast_in_dim3A_1123, %get3A_1098 : vector<16xf32>
        %add3A_1131 = arith.addf %add3A_1017, %mul3A_1130 : vector<16xf32>
        %slice3A_1132 = vector.extract_strided_slice %convert_element_type3A_358 {offsets = [6], sizes = [1], strides = [1]} : vector<16xf32> to vector<1xf32>
        %squeeze3A_1133 = vector.extract %slice3A_1132[0] : f32 from vector<1xf32>
        %broadcast_in_dim3A_1134 = vector.broadcast %squeeze3A_1133 : f32 to vector<16xf32>
        %mul3A_1135 = arith.mulf %broadcast_in_dim3A_1134, %get3A_1080 : vector<16xf32>
        %add3A_1136 = arith.addf %add3A_1022, %mul3A_1135 : vector<16xf32>
        %mul3A_1137 = arith.mulf %broadcast_in_dim3A_1134, %get3A_1086 : vector<16xf32>
        %add3A_1138 = arith.addf %add3A_1024, %mul3A_1137 : vector<16xf32>
        %mul3A_1139 = arith.mulf %broadcast_in_dim3A_1134, %get3A_1092 : vector<16xf32>
        %add3A_1140 = arith.addf %add3A_1026, %mul3A_1139 : vector<16xf32>
        %mul3A_1141 = arith.mulf %broadcast_in_dim3A_1134, %get3A_1098 : vector<16xf32>
        %add3A_1142 = arith.addf %add3A_1028, %mul3A_1141 : vector<16xf32>
        %slice3A_1143 = vector.extract_strided_slice %convert_element_type3A_366 {offsets = [6], sizes = [1], strides = [1]} : vector<16xf32> to vector<1xf32>
        %squeeze3A_1144 = vector.extract %slice3A_1143[0] : f32 from vector<1xf32>
        %broadcast_in_dim3A_1145 = vector.broadcast %squeeze3A_1144 : f32 to vector<16xf32>
        %mul3A_1146 = arith.mulf %broadcast_in_dim3A_1145, %get3A_1080 : vector<16xf32>
        %add3A_1147 = arith.addf %add3A_1033, %mul3A_1146 : vector<16xf32>
        %mul3A_1148 = arith.mulf %broadcast_in_dim3A_1145, %get3A_1086 : vector<16xf32>
        %add3A_1149 = arith.addf %add3A_1035, %mul3A_1148 : vector<16xf32>
        %mul3A_1150 = arith.mulf %broadcast_in_dim3A_1145, %get3A_1092 : vector<16xf32>
        %add3A_1151 = arith.addf %add3A_1037, %mul3A_1150 : vector<16xf32>
        %mul3A_1152 = arith.mulf %broadcast_in_dim3A_1145, %get3A_1098 : vector<16xf32>
        %add3A_1153 = arith.addf %add3A_1039, %mul3A_1152 : vector<16xf32>
        %slice3A_1154 = vector.extract_strided_slice %convert_element_type3A_374 {offsets = [6], sizes = [1], strides = [1]} : vector<16xf32> to vector<1xf32>
        %squeeze3A_1155 = vector.extract %slice3A_1154[0] : f32 from vector<1xf32>
        %broadcast_in_dim3A_1156 = vector.broadcast %squeeze3A_1155 : f32 to vector<16xf32>
        %mul3A_1157 = arith.mulf %broadcast_in_dim3A_1156, %get3A_1080 : vector<16xf32>
        %add3A_1158 = arith.addf %add3A_1044, %mul3A_1157 : vector<16xf32>
        %mul3A_1159 = arith.mulf %broadcast_in_dim3A_1156, %get3A_1086 : vector<16xf32>
        %add3A_1160 = arith.addf %add3A_1046, %mul3A_1159 : vector<16xf32>
        %mul3A_1161 = arith.mulf %broadcast_in_dim3A_1156, %get3A_1092 : vector<16xf32>
        %add3A_1162 = arith.addf %add3A_1048, %mul3A_1161 : vector<16xf32>
        %mul3A_1163 = arith.mulf %broadcast_in_dim3A_1156, %get3A_1098 : vector<16xf32>
        %add3A_1164 = arith.addf %add3A_1050, %mul3A_1163 : vector<16xf32>
        %slice3A_1165 = vector.extract_strided_slice %convert_element_type3A_382 {offsets = [6], sizes = [1], strides = [1]} : vector<16xf32> to vector<1xf32>
        %squeeze3A_1166 = vector.extract %slice3A_1165[0] : f32 from vector<1xf32>
        %broadcast_in_dim3A_1167 = vector.broadcast %squeeze3A_1166 : f32 to vector<16xf32>
        %mul3A_1168 = arith.mulf %broadcast_in_dim3A_1167, %get3A_1080 : vector<16xf32>
        %add3A_1169 = arith.addf %add3A_1055, %mul3A_1168 : vector<16xf32>
        %mul3A_1170 = arith.mulf %broadcast_in_dim3A_1167, %get3A_1086 : vector<16xf32>
        %add3A_1171 = arith.addf %add3A_1057, %mul3A_1170 : vector<16xf32>
        %mul3A_1172 = arith.mulf %broadcast_in_dim3A_1167, %get3A_1092 : vector<16xf32>
        %add3A_1173 = arith.addf %add3A_1059, %mul3A_1172 : vector<16xf32>
        %mul3A_1174 = arith.mulf %broadcast_in_dim3A_1167, %get3A_1098 : vector<16xf32>
        %add3A_1175 = arith.addf %add3A_1061, %mul3A_1174 : vector<16xf32>
        %slice3A_1176 = vector.extract_strided_slice %convert_element_type3A_390 {offsets = [6], sizes = [1], strides = [1]} : vector<16xf32> to vector<1xf32>
        %squeeze3A_1177 = vector.extract %slice3A_1176[0] : f32 from vector<1xf32>
        %broadcast_in_dim3A_1178 = vector.broadcast %squeeze3A_1177 : f32 to vector<16xf32>
        %mul3A_1179 = arith.mulf %broadcast_in_dim3A_1178, %get3A_1080 : vector<16xf32>
        %add3A_1180 = arith.addf %add3A_1066, %mul3A_1179 : vector<16xf32>
        %mul3A_1181 = arith.mulf %broadcast_in_dim3A_1178, %get3A_1086 : vector<16xf32>
        %add3A_1182 = arith.addf %add3A_1068, %mul3A_1181 : vector<16xf32>
        %mul3A_1183 = arith.mulf %broadcast_in_dim3A_1178, %get3A_1092 : vector<16xf32>
        %add3A_1184 = arith.addf %add3A_1070, %mul3A_1183 : vector<16xf32>
        %mul3A_1185 = arith.mulf %broadcast_in_dim3A_1178, %get3A_1098 : vector<16xf32>
        %add3A_1186 = arith.addf %add3A_1072, %mul3A_1185 : vector<16xf32>
        %add3A_1187 = arith.constant 7 : i32
        %add3A_1188 = arith.addi %mul3A_327, %add3A_1187 : i32
        %mul3A_1189 = arith.constant 64 : i32
        %mul3A_1190 = arith.muli %add3A_1188, %mul3A_1189 : i32
        %add3A_1191 = arith.constant 0 : i32
        %add3A_1192 = arith.addi %mul3A_1190, %add3A_1191 : i32
        %get3A_1193 = arith.index_cast %add3A_1192 : i32 to index
        %get3A_1194 = tpu.vector_load %arg7[%get3A_1193] {strides = array<i32>} : memref<16384xf32, #tpu.memory_space<vmem>>, vector<16xf32>,
        %mul3A_1195 = arith.constant 64 : i32
        %mul3A_1196 = arith.muli %add3A_1188, %mul3A_1195 : i32
        %add3A_1197 = arith.constant 16 : i32
        %add3A_1198 = arith.addi %mul3A_1196, %add3A_1197 : i32
        %get3A_1199 = arith.index_cast %add3A_1198 : i32 to index
        %get3A_1200 = tpu.vector_load %arg7[%get3A_1199] {strides = array<i32>} : memref<16384xf32, #tpu.memory_space<vmem>>, vector<16xf32>,
        %mul3A_1201 = arith.constant 64 : i32
        %mul3A_1202 = arith.muli %add3A_1188, %mul3A_1201 : i32
        %add3A_1203 = arith.constant 32 : i32
        %add3A_1204 = arith.addi %mul3A_1202, %add3A_1203 : i32
        %get3A_1205 = arith.index_cast %add3A_1204 : i32 to index
        %get3A_1206 = tpu.vector_load %arg7[%get3A_1205] {strides = array<i32>} : memref<16384xf32, #tpu.memory_space<vmem>>, vector<16xf32>,
        %mul3A_1207 = arith.constant 64 : i32
        %mul3A_1208 = arith.muli %add3A_1188, %mul3A_1207 : i32
        %add3A_1209 = arith.constant 48 : i32
        %add3A_1210 = arith.addi %mul3A_1208, %add3A_1209 : i32
        %get3A_1211 = arith.index_cast %add3A_1210 : i32 to index
        %get3A_1212 = tpu.vector_load %arg7[%get3A_1211] {strides = array<i32>} : memref<16384xf32, #tpu.memory_space<vmem>>, vector<16xf32>,
        %slice3A_1213 = vector.extract_strided_slice %convert_element_type3A {offsets = [7], sizes = [1], strides = [1]} : vector<16xf32> to vector<1xf32>
        %squeeze3A_1214 = vector.extract %slice3A_1213[0] : f32 from vector<1xf32>
        %broadcast_in_dim3A_1215 = vector.broadcast %squeeze3A_1214 : f32 to vector<16xf32>
        %mul3A_1216 = arith.mulf %broadcast_in_dim3A_1215, %get3A_1194 : vector<16xf32>
        %add3A_1217 = arith.addf %add3A_1103, %mul3A_1216 : vector<16xf32>
        %mul3A_1218 = arith.mulf %broadcast_in_dim3A_1215, %get3A_1200 : vector<16xf32>
        %add3A_1219 = arith.addf %add3A_1105, %mul3A_1218 : vector<16xf32>
        %mul3A_1220 = arith.mulf %broadcast_in_dim3A_1215, %get3A_1206 : vector<16xf32>
        %add3A_1221 = arith.addf %add3A_1107, %mul3A_1220 : vector<16xf32>
        %mul3A_1222 = arith.mulf %broadcast_in_dim3A_1215, %get3A_1212 : vector<16xf32>
        %add3A_1223 = arith.addf %add3A_1109, %mul3A_1222 : vector<16xf32>
        %slice3A_1224 = vector.extract_strided_slice %convert_element_type3A_342 {offsets = [7], sizes = [1], strides = [1]} : vector<16xf32> to vector<1xf32>
        %squeeze3A_1225 = vector.extract %slice3A_1224[0] : f32 from vector<1xf32>
        %broadcast_in_dim3A_1226 = vector.broadcast %squeeze3A_1225 : f32 to vector<16xf32>
        %mul3A_1227 = arith.mulf %broadcast_in_dim3A_1226, %get3A_1194 : vector<16xf32>
        %add3A_1228 = arith.addf %add3A_1114, %mul3A_1227 : vector<16xf32>
        %mul3A_1229 = arith.mulf %broadcast_in_dim3A_1226, %get3A_1200 : vector<16xf32>
        %add3A_1230 = arith.addf %add3A_1116, %mul3A_1229 : vector<16xf32>
        %mul3A_1231 = arith.mulf %broadcast_in_dim3A_1226, %get3A_1206 : vector<16xf32>
        %add3A_1232 = arith.addf %add3A_1118, %mul3A_1231 : vector<16xf32>
        %mul3A_1233 = arith.mulf %broadcast_in_dim3A_1226, %get3A_1212 : vector<16xf32>
        %add3A_1234 = arith.addf %add3A_1120, %mul3A_1233 : vector<16xf32>
        %slice3A_1235 = vector.extract_strided_slice %convert_element_type3A_350 {offsets = [7], sizes = [1], strides = [1]} : vector<16xf32> to vector<1xf32>
        %squeeze3A_1236 = vector.extract %slice3A_1235[0] : f32 from vector<1xf32>
        %broadcast_in_dim3A_1237 = vector.broadcast %squeeze3A_1236 : f32 to vector<16xf32>
        %mul3A_1238 = arith.mulf %broadcast_in_dim3A_1237, %get3A_1194 : vector<16xf32>
        %add3A_1239 = arith.addf %add3A_1125, %mul3A_1238 : vector<16xf32>
        %mul3A_1240 = arith.mulf %broadcast_in_dim3A_1237, %get3A_1200 : vector<16xf32>
        %add3A_1241 = arith.addf %add3A_1127, %mul3A_1240 : vector<16xf32>
        %mul3A_1242 = arith.mulf %broadcast_in_dim3A_1237, %get3A_1206 : vector<16xf32>
        %add3A_1243 = arith.addf %add3A_1129, %mul3A_1242 : vector<16xf32>
        %mul3A_1244 = arith.mulf %broadcast_in_dim3A_1237, %get3A_1212 : vector<16xf32>
        %add3A_1245 = arith.addf %add3A_1131, %mul3A_1244 : vector<16xf32>
        %slice3A_1246 = vector.extract_strided_slice %convert_element_type3A_358 {offsets = [7], sizes = [1], strides = [1]} : vector<16xf32> to vector<1xf32>
        %squeeze3A_1247 = vector.extract %slice3A_1246[0] : f32 from vector<1xf32>
        %broadcast_in_dim3A_1248 = vector.broadcast %squeeze3A_1247 : f32 to vector<16xf32>
        %mul3A_1249 = arith.mulf %broadcast_in_dim3A_1248, %get3A_1194 : vector<16xf32>
        %add3A_1250 = arith.addf %add3A_1136, %mul3A_1249 : vector<16xf32>
        %mul3A_1251 = arith.mulf %broadcast_in_dim3A_1248, %get3A_1200 : vector<16xf32>
        %add3A_1252 = arith.addf %add3A_1138, %mul3A_1251 : vector<16xf32>
        %mul3A_1253 = arith.mulf %broadcast_in_dim3A_1248, %get3A_1206 : vector<16xf32>
        %add3A_1254 = arith.addf %add3A_1140, %mul3A_1253 : vector<16xf32>
        %mul3A_1255 = arith.mulf %broadcast_in_dim3A_1248, %get3A_1212 : vector<16xf32>
        %add3A_1256 = arith.addf %add3A_1142, %mul3A_1255 : vector<16xf32>
        %slice3A_1257 = vector.extract_strided_slice %convert_element_type3A_366 {offsets = [7], sizes = [1], strides = [1]} : vector<16xf32> to vector<1xf32>
        %squeeze3A_1258 = vector.extract %slice3A_1257[0] : f32 from vector<1xf32>
        %broadcast_in_dim3A_1259 = vector.broadcast %squeeze3A_1258 : f32 to vector<16xf32>
        %mul3A_1260 = arith.mulf %broadcast_in_dim3A_1259, %get3A_1194 : vector<16xf32>
        %add3A_1261 = arith.addf %add3A_1147, %mul3A_1260 : vector<16xf32>
        %mul3A_1262 = arith.mulf %broadcast_in_dim3A_1259, %get3A_1200 : vector<16xf32>
        %add3A_1263 = arith.addf %add3A_1149, %mul3A_1262 : vector<16xf32>
        %mul3A_1264 = arith.mulf %broadcast_in_dim3A_1259, %get3A_1206 : vector<16xf32>
        %add3A_1265 = arith.addf %add3A_1151, %mul3A_1264 : vector<16xf32>
        %mul3A_1266 = arith.mulf %broadcast_in_dim3A_1259, %get3A_1212 : vector<16xf32>
        %add3A_1267 = arith.addf %add3A_1153, %mul3A_1266 : vector<16xf32>
        %slice3A_1268 = vector.extract_strided_slice %convert_element_type3A_374 {offsets = [7], sizes = [1], strides = [1]} : vector<16xf32> to vector<1xf32>
        %squeeze3A_1269 = vector.extract %slice3A_1268[0] : f32 from vector<1xf32>
        %broadcast_in_dim3A_1270 = vector.broadcast %squeeze3A_1269 : f32 to vector<16xf32>
        %mul3A_1271 = arith.mulf %broadcast_in_dim3A_1270, %get3A_1194 : vector<16xf32>
        %add3A_1272 = arith.addf %add3A_1158, %mul3A_1271 : vector<16xf32>
        %mul3A_1273 = arith.mulf %broadcast_in_dim3A_1270, %get3A_1200 : vector<16xf32>
        %add3A_1274 = arith.addf %add3A_1160, %mul3A_1273 : vector<16xf32>
        %mul3A_1275 = arith.mulf %broadcast_in_dim3A_1270, %get3A_1206 : vector<16xf32>
        %add3A_1276 = arith.addf %add3A_1162, %mul3A_1275 : vector<16xf32>
        %mul3A_1277 = arith.mulf %broadcast_in_dim3A_1270, %get3A_1212 : vector<16xf32>
        %add3A_1278 = arith.addf %add3A_1164, %mul3A_1277 : vector<16xf32>
        %slice3A_1279 = vector.extract_strided_slice %convert_element_type3A_382 {offsets = [7], sizes = [1], strides = [1]} : vector<16xf32> to vector<1xf32>
        %squeeze3A_1280 = vector.extract %slice3A_1279[0] : f32 from vector<1xf32>
        %broadcast_in_dim3A_1281 = vector.broadcast %squeeze3A_1280 : f32 to vector<16xf32>
        %mul3A_1282 = arith.mulf %broadcast_in_dim3A_1281, %get3A_1194 : vector<16xf32>
        %add3A_1283 = arith.addf %add3A_1169, %mul3A_1282 : vector<16xf32>
        %mul3A_1284 = arith.mulf %broadcast_in_dim3A_1281, %get3A_1200 : vector<16xf32>
        %add3A_1285 = arith.addf %add3A_1171, %mul3A_1284 : vector<16xf32>
        %mul3A_1286 = arith.mulf %broadcast_in_dim3A_1281, %get3A_1206 : vector<16xf32>
        %add3A_1287 = arith.addf %add3A_1173, %mul3A_1286 : vector<16xf32>
        %mul3A_1288 = arith.mulf %broadcast_in_dim3A_1281, %get3A_1212 : vector<16xf32>
        %add3A_1289 = arith.addf %add3A_1175, %mul3A_1288 : vector<16xf32>
        %slice3A_1290 = vector.extract_strided_slice %convert_element_type3A_390 {offsets = [7], sizes = [1], strides = [1]} : vector<16xf32> to vector<1xf32>
        %squeeze3A_1291 = vector.extract %slice3A_1290[0] : f32 from vector<1xf32>
        %broadcast_in_dim3A_1292 = vector.broadcast %squeeze3A_1291 : f32 to vector<16xf32>
        %mul3A_1293 = arith.mulf %broadcast_in_dim3A_1292, %get3A_1194 : vector<16xf32>
        %add3A_1294 = arith.addf %add3A_1180, %mul3A_1293 : vector<16xf32>
        %mul3A_1295 = arith.mulf %broadcast_in_dim3A_1292, %get3A_1200 : vector<16xf32>
        %add3A_1296 = arith.addf %add3A_1182, %mul3A_1295 : vector<16xf32>
        %mul3A_1297 = arith.mulf %broadcast_in_dim3A_1292, %get3A_1206 : vector<16xf32>
        %add3A_1298 = arith.addf %add3A_1184, %mul3A_1297 : vector<16xf32>
        %mul3A_1299 = arith.mulf %broadcast_in_dim3A_1292, %get3A_1212 : vector<16xf32>
        %add3A_1300 = arith.addf %add3A_1186, %mul3A_1299 : vector<16xf32>
        %add3A_1301 = arith.constant 8 : i32
        %add3A_1302 = arith.addi %mul3A_327, %add3A_1301 : i32
        %mul3A_1303 = arith.constant 64 : i32
        %mul3A_1304 = arith.muli %add3A_1302, %mul3A_1303 : i32
        %add3A_1305 = arith.constant 0 : i32
        %add3A_1306 = arith.addi %mul3A_1304, %add3A_1305 : i32
        %get3A_1307 = arith.index_cast %add3A_1306 : i32 to index
        %get3A_1308 = tpu.vector_load %arg7[%get3A_1307] {strides = array<i32>} : memref<16384xf32, #tpu.memory_space<vmem>>, vector<16xf32>,
        %mul3A_1309 = arith.constant 64 : i32
        %mul3A_1310 = arith.muli %add3A_1302, %mul3A_1309 : i32
        %add3A_1311 = arith.constant 16 : i32
        %add3A_1312 = arith.addi %mul3A_1310, %add3A_1311 : i32
        %get3A_1313 = arith.index_cast %add3A_1312 : i32 to index
        %get3A_1314 = tpu.vector_load %arg7[%get3A_1313] {strides = array<i32>} : memref<16384xf32, #tpu.memory_space<vmem>>, vector<16xf32>,
        %mul3A_1315 = arith.constant 64 : i32
        %mul3A_1316 = arith.muli %add3A_1302, %mul3A_1315 : i32
        %add3A_1317 = arith.constant 32 : i32
        %add3A_1318 = arith.addi %mul3A_1316, %add3A_1317 : i32
        %get3A_1319 = arith.index_cast %add3A_1318 : i32 to index
        %get3A_1320 = tpu.vector_load %arg7[%get3A_1319] {strides = array<i32>} : memref<16384xf32, #tpu.memory_space<vmem>>, vector<16xf32>,
        %mul3A_1321 = arith.constant 64 : i32
        %mul3A_1322 = arith.muli %add3A_1302, %mul3A_1321 : i32
        %add3A_1323 = arith.constant 48 : i32
        %add3A_1324 = arith.addi %mul3A_1322, %add3A_1323 : i32
        %get3A_1325 = arith.index_cast %add3A_1324 : i32 to index
        %get3A_1326 = tpu.vector_load %arg7[%get3A_1325] {strides = array<i32>} : memref<16384xf32, #tpu.memory_space<vmem>>, vector<16xf32>,
        %slice3A_1327 = vector.extract_strided_slice %convert_element_type3A {offsets = [8], sizes = [1], strides = [1]} : vector<16xf32> to vector<1xf32>
        %squeeze3A_1328 = vector.extract %slice3A_1327[0] : f32 from vector<1xf32>
        %broadcast_in_dim3A_1329 = vector.broadcast %squeeze3A_1328 : f32 to vector<16xf32>
        %mul3A_1330 = arith.mulf %broadcast_in_dim3A_1329, %get3A_1308 : vector<16xf32>
        %add3A_1331 = arith.addf %add3A_1217, %mul3A_1330 : vector<16xf32>
        %mul3A_1332 = arith.mulf %broadcast_in_dim3A_1329, %get3A_1314 : vector<16xf32>
        %add3A_1333 = arith.addf %add3A_1219, %mul3A_1332 : vector<16xf32>
        %mul3A_1334 = arith.mulf %broadcast_in_dim3A_1329, %get3A_1320 : vector<16xf32>
        %add3A_1335 = arith.addf %add3A_1221, %mul3A_1334 : vector<16xf32>
        %mul3A_1336 = arith.mulf %broadcast_in_dim3A_1329, %get3A_1326 : vector<16xf32>
        %add3A_1337 = arith.addf %add3A_1223, %mul3A_1336 : vector<16xf32>
        %slice3A_1338 = vector.extract_strided_slice %convert_element_type3A_342 {offsets = [8], sizes = [1], strides = [1]} : vector<16xf32> to vector<1xf32>
        %squeeze3A_1339 = vector.extract %slice3A_1338[0] : f32 from vector<1xf32>
        %broadcast_in_dim3A_1340 = vector.broadcast %squeeze3A_1339 : f32 to vector<16xf32>
        %mul3A_1341 = arith.mulf %broadcast_in_dim3A_1340, %get3A_1308 : vector<16xf32>
        %add3A_1342 = arith.addf %add3A_1228, %mul3A_1341 : vector<16xf32>
        %mul3A_1343 = arith.mulf %broadcast_in_dim3A_1340, %get3A_1314 : vector<16xf32>
        %add3A_1344 = arith.addf %add3A_1230, %mul3A_1343 : vector<16xf32>
        %mul3A_1345 = arith.mulf %broadcast_in_dim3A_1340, %get3A_1320 : vector<16xf32>
        %add3A_1346 = arith.addf %add3A_1232, %mul3A_1345 : vector<16xf32>
        %mul3A_1347 = arith.mulf %broadcast_in_dim3A_1340, %get3A_1326 : vector<16xf32>
        %add3A_1348 = arith.addf %add3A_1234, %mul3A_1347 : vector<16xf32>
        %slice3A_1349 = vector.extract_strided_slice %convert_element_type3A_350 {offsets = [8], sizes = [1], strides = [1]} : vector<16xf32> to vector<1xf32>
        %squeeze3A_1350 = vector.extract %slice3A_1349[0] : f32 from vector<1xf32>
        %broadcast_in_dim3A_1351 = vector.broadcast %squeeze3A_1350 : f32 to vector<16xf32>
        %mul3A_1352 = arith.mulf %broadcast_in_dim3A_1351, %get3A_1308 : vector<16xf32>
        %add3A_1353 = arith.addf %add3A_1239, %mul3A_1352 : vector<16xf32>
        %mul3A_1354 = arith.mulf %broadcast_in_dim3A_1351, %get3A_1314 : vector<16xf32>
        %add3A_1355 = arith.addf %add3A_1241, %mul3A_1354 : vector<16xf32>
        %mul3A_1356 = arith.mulf %broadcast_in_dim3A_1351, %get3A_1320 : vector<16xf32>
        %add3A_1357 = arith.addf %add3A_1243, %mul3A_1356 : vector<16xf32>
        %mul3A_1358 = arith.mulf %broadcast_in_dim3A_1351, %get3A_1326 : vector<16xf32>
        %add3A_1359 = arith.addf %add3A_1245, %mul3A_1358 : vector<16xf32>
        %slice3A_1360 = vector.extract_strided_slice %convert_element_type3A_358 {offsets = [8], sizes = [1], strides = [1]} : vector<16xf32> to vector<1xf32>
        %squeeze3A_1361 = vector.extract %slice3A_1360[0] : f32 from vector<1xf32>
        %broadcast_in_dim3A_1362 = vector.broadcast %squeeze3A_1361 : f32 to vector<16xf32>
        %mul3A_1363 = arith.mulf %broadcast_in_dim3A_1362, %get3A_1308 : vector<16xf32>
        %add3A_1364 = arith.addf %add3A_1250, %mul3A_1363 : vector<16xf32>
        %mul3A_1365 = arith.mulf %broadcast_in_dim3A_1362, %get3A_1314 : vector<16xf32>
        %add3A_1366 = arith.addf %add3A_1252, %mul3A_1365 : vector<16xf32>
        %mul3A_1367 = arith.mulf %broadcast_in_dim3A_1362, %get3A_1320 : vector<16xf32>
        %add3A_1368 = arith.addf %add3A_1254, %mul3A_1367 : vector<16xf32>
        %mul3A_1369 = arith.mulf %broadcast_in_dim3A_1362, %get3A_1326 : vector<16xf32>
        %add3A_1370 = arith.addf %add3A_1256, %mul3A_1369 : vector<16xf32>
        %slice3A_1371 = vector.extract_strided_slice %convert_element_type3A_366 {offsets = [8], sizes = [1], strides = [1]} : vector<16xf32> to vector<1xf32>
        %squeeze3A_1372 = vector.extract %slice3A_1371[0] : f32 from vector<1xf32>
        %broadcast_in_dim3A_1373 = vector.broadcast %squeeze3A_1372 : f32 to vector<16xf32>
        %mul3A_1374 = arith.mulf %broadcast_in_dim3A_1373, %get3A_1308 : vector<16xf32>
        %add3A_1375 = arith.addf %add3A_1261, %mul3A_1374 : vector<16xf32>
        %mul3A_1376 = arith.mulf %broadcast_in_dim3A_1373, %get3A_1314 : vector<16xf32>
        %add3A_1377 = arith.addf %add3A_1263, %mul3A_1376 : vector<16xf32>
        %mul3A_1378 = arith.mulf %broadcast_in_dim3A_1373, %get3A_1320 : vector<16xf32>
        %add3A_1379 = arith.addf %add3A_1265, %mul3A_1378 : vector<16xf32>
        %mul3A_1380 = arith.mulf %broadcast_in_dim3A_1373, %get3A_1326 : vector<16xf32>
        %add3A_1381 = arith.addf %add3A_1267, %mul3A_1380 : vector<16xf32>
        %slice3A_1382 = vector.extract_strided_slice %convert_element_type3A_374 {offsets = [8], sizes = [1], strides = [1]} : vector<16xf32> to vector<1xf32>
        %squeeze3A_1383 = vector.extract %slice3A_1382[0] : f32 from vector<1xf32>
        %broadcast_in_dim3A_1384 = vector.broadcast %squeeze3A_1383 : f32 to vector<16xf32>
        %mul3A_1385 = arith.mulf %broadcast_in_dim3A_1384, %get3A_1308 : vector<16xf32>
        %add3A_1386 = arith.addf %add3A_1272, %mul3A_1385 : vector<16xf32>
        %mul3A_1387 = arith.mulf %broadcast_in_dim3A_1384, %get3A_1314 : vector<16xf32>
        %add3A_1388 = arith.addf %add3A_1274, %mul3A_1387 : vector<16xf32>
        %mul3A_1389 = arith.mulf %broadcast_in_dim3A_1384, %get3A_1320 : vector<16xf32>
        %add3A_1390 = arith.addf %add3A_1276, %mul3A_1389 : vector<16xf32>
        %mul3A_1391 = arith.mulf %broadcast_in_dim3A_1384, %get3A_1326 : vector<16xf32>
        %add3A_1392 = arith.addf %add3A_1278, %mul3A_1391 : vector<16xf32>
        %slice3A_1393 = vector.extract_strided_slice %convert_element_type3A_382 {offsets = [8], sizes = [1], strides = [1]} : vector<16xf32> to vector<1xf32>
        %squeeze3A_1394 = vector.extract %slice3A_1393[0] : f32 from vector<1xf32>
        %broadcast_in_dim3A_1395 = vector.broadcast %squeeze3A_1394 : f32 to vector<16xf32>
        %mul3A_1396 = arith.mulf %broadcast_in_dim3A_1395, %get3A_1308 : vector<16xf32>
        %add3A_1397 = arith.addf %add3A_1283, %mul3A_1396 : vector<16xf32>
        %mul3A_1398 = arith.mulf %broadcast_in_dim3A_1395, %get3A_1314 : vector<16xf32>
        %add3A_1399 = arith.addf %add3A_1285, %mul3A_1398 : vector<16xf32>
        %mul3A_1400 = arith.mulf %broadcast_in_dim3A_1395, %get3A_1320 : vector<16xf32>
        %add3A_1401 = arith.addf %add3A_1287, %mul3A_1400 : vector<16xf32>
        %mul3A_1402 = arith.mulf %broadcast_in_dim3A_1395, %get3A_1326 : vector<16xf32>
        %add3A_1403 = arith.addf %add3A_1289, %mul3A_1402 : vector<16xf32>
        %slice3A_1404 = vector.extract_strided_slice %convert_element_type3A_390 {offsets = [8], sizes = [1], strides = [1]} : vector<16xf32> to vector<1xf32>
        %squeeze3A_1405 = vector.extract %slice3A_1404[0] : f32 from vector<1xf32>
        %broadcast_in_dim3A_1406 = vector.broadcast %squeeze3A_1405 : f32 to vector<16xf32>
        %mul3A_1407 = arith.mulf %broadcast_in_dim3A_1406, %get3A_1308 : vector<16xf32>
        %add3A_1408 = arith.addf %add3A_1294, %mul3A_1407 : vector<16xf32>
        %mul3A_1409 = arith.mulf %broadcast_in_dim3A_1406, %get3A_1314 : vector<16xf32>
        %add3A_1410 = arith.addf %add3A_1296, %mul3A_1409 : vector<16xf32>
        %mul3A_1411 = arith.mulf %broadcast_in_dim3A_1406, %get3A_1320 : vector<16xf32>
        %add3A_1412 = arith.addf %add3A_1298, %mul3A_1411 : vector<16xf32>
        %mul3A_1413 = arith.mulf %broadcast_in_dim3A_1406, %get3A_1326 : vector<16xf32>
        %add3A_1414 = arith.addf %add3A_1300, %mul3A_1413 : vector<16xf32>
        %add3A_1415 = arith.constant 9 : i32
        %add3A_1416 = arith.addi %mul3A_327, %add3A_1415 : i32
        %mul3A_1417 = arith.constant 64 : i32
        %mul3A_1418 = arith.muli %add3A_1416, %mul3A_1417 : i32
        %add3A_1419 = arith.constant 0 : i32
        %add3A_1420 = arith.addi %mul3A_1418, %add3A_1419 : i32
        %get3A_1421 = arith.index_cast %add3A_1420 : i32 to index
        %get3A_1422 = tpu.vector_load %arg7[%get3A_1421] {strides = array<i32>} : memref<16384xf32, #tpu.memory_space<vmem>>, vector<16xf32>,
        %mul3A_1423 = arith.constant 64 : i32
        %mul3A_1424 = arith.muli %add3A_1416, %mul3A_1423 : i32
        %add3A_1425 = arith.constant 16 : i32
        %add3A_1426 = arith.addi %mul3A_1424, %add3A_1425 : i32
        %get3A_1427 = arith.index_cast %add3A_1426 : i32 to index
        %get3A_1428 = tpu.vector_load %arg7[%get3A_1427] {strides = array<i32>} : memref<16384xf32, #tpu.memory_space<vmem>>, vector<16xf32>,
        %mul3A_1429 = arith.constant 64 : i32
        %mul3A_1430 = arith.muli %add3A_1416, %mul3A_1429 : i32
        %add3A_1431 = arith.constant 32 : i32
        %add3A_1432 = arith.addi %mul3A_1430, %add3A_1431 : i32
        %get3A_1433 = arith.index_cast %add3A_1432 : i32 to index
        %get3A_1434 = tpu.vector_load %arg7[%get3A_1433] {strides = array<i32>} : memref<16384xf32, #tpu.memory_space<vmem>>, vector<16xf32>,
        %mul3A_1435 = arith.constant 64 : i32
        %mul3A_1436 = arith.muli %add3A_1416, %mul3A_1435 : i32
        %add3A_1437 = arith.constant 48 : i32
        %add3A_1438 = arith.addi %mul3A_1436, %add3A_1437 : i32
        %get3A_1439 = arith.index_cast %add3A_1438 : i32 to index
        %get3A_1440 = tpu.vector_load %arg7[%get3A_1439] {strides = array<i32>} : memref<16384xf32, #tpu.memory_space<vmem>>, vector<16xf32>,
        %slice3A_1441 = vector.extract_strided_slice %convert_element_type3A {offsets = [9], sizes = [1], strides = [1]} : vector<16xf32> to vector<1xf32>
        %squeeze3A_1442 = vector.extract %slice3A_1441[0] : f32 from vector<1xf32>
        %broadcast_in_dim3A_1443 = vector.broadcast %squeeze3A_1442 : f32 to vector<16xf32>
        %mul3A_1444 = arith.mulf %broadcast_in_dim3A_1443, %get3A_1422 : vector<16xf32>
        %add3A_1445 = arith.addf %add3A_1331, %mul3A_1444 : vector<16xf32>
        %mul3A_1446 = arith.mulf %broadcast_in_dim3A_1443, %get3A_1428 : vector<16xf32>
        %add3A_1447 = arith.addf %add3A_1333, %mul3A_1446 : vector<16xf32>
        %mul3A_1448 = arith.mulf %broadcast_in_dim3A_1443, %get3A_1434 : vector<16xf32>
        %add3A_1449 = arith.addf %add3A_1335, %mul3A_1448 : vector<16xf32>
        %mul3A_1450 = arith.mulf %broadcast_in_dim3A_1443, %get3A_1440 : vector<16xf32>
        %add3A_1451 = arith.addf %add3A_1337, %mul3A_1450 : vector<16xf32>
        %slice3A_1452 = vector.extract_strided_slice %convert_element_type3A_342 {offsets = [9], sizes = [1], strides = [1]} : vector<16xf32> to vector<1xf32>
        %squeeze3A_1453 = vector.extract %slice3A_1452[0] : f32 from vector<1xf32>
        %broadcast_in_dim3A_1454 = vector.broadcast %squeeze3A_1453 : f32 to vector<16xf32>
        %mul3A_1455 = arith.mulf %broadcast_in_dim3A_1454, %get3A_1422 : vector<16xf32>
        %add3A_1456 = arith.addf %add3A_1342, %mul3A_1455 : vector<16xf32>
        %mul3A_1457 = arith.mulf %broadcast_in_dim3A_1454, %get3A_1428 : vector<16xf32>
        %add3A_1458 = arith.addf %add3A_1344, %mul3A_1457 : vector<16xf32>
        %mul3A_1459 = arith.mulf %broadcast_in_dim3A_1454, %get3A_1434 : vector<16xf32>
        %add3A_1460 = arith.addf %add3A_1346, %mul3A_1459 : vector<16xf32>
        %mul3A_1461 = arith.mulf %broadcast_in_dim3A_1454, %get3A_1440 : vector<16xf32>
        %add3A_1462 = arith.addf %add3A_1348, %mul3A_1461 : vector<16xf32>
        %slice3A_1463 = vector.extract_strided_slice %convert_element_type3A_350 {offsets = [9], sizes = [1], strides = [1]} : vector<16xf32> to vector<1xf32>
        %squeeze3A_1464 = vector.extract %slice3A_1463[0] : f32 from vector<1xf32>
        %broadcast_in_dim3A_1465 = vector.broadcast %squeeze3A_1464 : f32 to vector<16xf32>
        %mul3A_1466 = arith.mulf %broadcast_in_dim3A_1465, %get3A_1422 : vector<16xf32>
        %add3A_1467 = arith.addf %add3A_1353, %mul3A_1466 : vector<16xf32>
        %mul3A_1468 = arith.mulf %broadcast_in_dim3A_1465, %get3A_1428 : vector<16xf32>
        %add3A_1469 = arith.addf %add3A_1355, %mul3A_1468 : vector<16xf32>
        %mul3A_1470 = arith.mulf %broadcast_in_dim3A_1465, %get3A_1434 : vector<16xf32>
        %add3A_1471 = arith.addf %add3A_1357, %mul3A_1470 : vector<16xf32>
        %mul3A_1472 = arith.mulf %broadcast_in_dim3A_1465, %get3A_1440 : vector<16xf32>
        %add3A_1473 = arith.addf %add3A_1359, %mul3A_1472 : vector<16xf32>
        %slice3A_1474 = vector.extract_strided_slice %convert_element_type3A_358 {offsets = [9], sizes = [1], strides = [1]} : vector<16xf32> to vector<1xf32>
        %squeeze3A_1475 = vector.extract %slice3A_1474[0] : f32 from vector<1xf32>
        %broadcast_in_dim3A_1476 = vector.broadcast %squeeze3A_1475 : f32 to vector<16xf32>
        %mul3A_1477 = arith.mulf %broadcast_in_dim3A_1476, %get3A_1422 : vector<16xf32>
        %add3A_1478 = arith.addf %add3A_1364, %mul3A_1477 : vector<16xf32>
        %mul3A_1479 = arith.mulf %broadcast_in_dim3A_1476, %get3A_1428 : vector<16xf32>
        %add3A_1480 = arith.addf %add3A_1366, %mul3A_1479 : vector<16xf32>
        %mul3A_1481 = arith.mulf %broadcast_in_dim3A_1476, %get3A_1434 : vector<16xf32>
        %add3A_1482 = arith.addf %add3A_1368, %mul3A_1481 : vector<16xf32>
        %mul3A_1483 = arith.mulf %broadcast_in_dim3A_1476, %get3A_1440 : vector<16xf32>
        %add3A_1484 = arith.addf %add3A_1370, %mul3A_1483 : vector<16xf32>
        %slice3A_1485 = vector.extract_strided_slice %convert_element_type3A_366 {offsets = [9], sizes = [1], strides = [1]} : vector<16xf32> to vector<1xf32>
        %squeeze3A_1486 = vector.extract %slice3A_1485[0] : f32 from vector<1xf32>
        %broadcast_in_dim3A_1487 = vector.broadcast %squeeze3A_1486 : f32 to vector<16xf32>
        %mul3A_1488 = arith.mulf %broadcast_in_dim3A_1487, %get3A_1422 : vector<16xf32>
        %add3A_1489 = arith.addf %add3A_1375, %mul3A_1488 : vector<16xf32>
        %mul3A_1490 = arith.mulf %broadcast_in_dim3A_1487, %get3A_1428 : vector<16xf32>
        %add3A_1491 = arith.addf %add3A_1377, %mul3A_1490 : vector<16xf32>
        %mul3A_1492 = arith.mulf %broadcast_in_dim3A_1487, %get3A_1434 : vector<16xf32>
        %add3A_1493 = arith.addf %add3A_1379, %mul3A_1492 : vector<16xf32>
        %mul3A_1494 = arith.mulf %broadcast_in_dim3A_1487, %get3A_1440 : vector<16xf32>
        %add3A_1495 = arith.addf %add3A_1381, %mul3A_1494 : vector<16xf32>
        %slice3A_1496 = vector.extract_strided_slice %convert_element_type3A_374 {offsets = [9], sizes = [1], strides = [1]} : vector<16xf32> to vector<1xf32>
        %squeeze3A_1497 = vector.extract %slice3A_1496[0] : f32 from vector<1xf32>
        %broadcast_in_dim3A_1498 = vector.broadcast %squeeze3A_1497 : f32 to vector<16xf32>
        %mul3A_1499 = arith.mulf %broadcast_in_dim3A_1498, %get3A_1422 : vector<16xf32>
        %add3A_1500 = arith.addf %add3A_1386, %mul3A_1499 : vector<16xf32>
        %mul3A_1501 = arith.mulf %broadcast_in_dim3A_1498, %get3A_1428 : vector<16xf32>
        %add3A_1502 = arith.addf %add3A_1388, %mul3A_1501 : vector<16xf32>
        %mul3A_1503 = arith.mulf %broadcast_in_dim3A_1498, %get3A_1434 : vector<16xf32>
        %add3A_1504 = arith.addf %add3A_1390, %mul3A_1503 : vector<16xf32>
        %mul3A_1505 = arith.mulf %broadcast_in_dim3A_1498, %get3A_1440 : vector<16xf32>
        %add3A_1506 = arith.addf %add3A_1392, %mul3A_1505 : vector<16xf32>
        %slice3A_1507 = vector.extract_strided_slice %convert_element_type3A_382 {offsets = [9], sizes = [1], strides = [1]} : vector<16xf32> to vector<1xf32>
        %squeeze3A_1508 = vector.extract %slice3A_1507[0] : f32 from vector<1xf32>
        %broadcast_in_dim3A_1509 = vector.broadcast %squeeze3A_1508 : f32 to vector<16xf32>
        %mul3A_1510 = arith.mulf %broadcast_in_dim3A_1509, %get3A_1422 : vector<16xf32>
        %add3A_1511 = arith.addf %add3A_1397, %mul3A_1510 : vector<16xf32>
        %mul3A_1512 = arith.mulf %broadcast_in_dim3A_1509, %get3A_1428 : vector<16xf32>
        %add3A_1513 = arith.addf %add3A_1399, %mul3A_1512 : vector<16xf32>
        %mul3A_1514 = arith.mulf %broadcast_in_dim3A_1509, %get3A_1434 : vector<16xf32>
        %add3A_1515 = arith.addf %add3A_1401, %mul3A_1514 : vector<16xf32>
        %mul3A_1516 = arith.mulf %broadcast_in_dim3A_1509, %get3A_1440 : vector<16xf32>
        %add3A_1517 = arith.addf %add3A_1403, %mul3A_1516 : vector<16xf32>
        %slice3A_1518 = vector.extract_strided_slice %convert_element_type3A_390 {offsets = [9], sizes = [1], strides = [1]} : vector<16xf32> to vector<1xf32>
        %squeeze3A_1519 = vector.extract %slice3A_1518[0] : f32 from vector<1xf32>
        %broadcast_in_dim3A_1520 = vector.broadcast %squeeze3A_1519 : f32 to vector<16xf32>
        %mul3A_1521 = arith.mulf %broadcast_in_dim3A_1520, %get3A_1422 : vector<16xf32>
        %add3A_1522 = arith.addf %add3A_1408, %mul3A_1521 : vector<16xf32>
        %mul3A_1523 = arith.mulf %broadcast_in_dim3A_1520, %get3A_1428 : vector<16xf32>
        %add3A_1524 = arith.addf %add3A_1410, %mul3A_1523 : vector<16xf32>
        %mul3A_1525 = arith.mulf %broadcast_in_dim3A_1520, %get3A_1434 : vector<16xf32>
        %add3A_1526 = arith.addf %add3A_1412, %mul3A_1525 : vector<16xf32>
        %mul3A_1527 = arith.mulf %broadcast_in_dim3A_1520, %get3A_1440 : vector<16xf32>
        %add3A_1528 = arith.addf %add3A_1414, %mul3A_1527 : vector<16xf32>
        %add3A_1529 = arith.constant 10 : i32
        %add3A_1530 = arith.addi %mul3A_327, %add3A_1529 : i32
        %mul3A_1531 = arith.constant 64 : i32
        %mul3A_1532 = arith.muli %add3A_1530, %mul3A_1531 : i32
        %add3A_1533 = arith.constant 0 : i32
        %add3A_1534 = arith.addi %mul3A_1532, %add3A_1533 : i32
        %get3A_1535 = arith.index_cast %add3A_1534 : i32 to index
        %get3A_1536 = tpu.vector_load %arg7[%get3A_1535] {strides = array<i32>} : memref<16384xf32, #tpu.memory_space<vmem>>, vector<16xf32>,
        %mul3A_1537 = arith.constant 64 : i32
        %mul3A_1538 = arith.muli %add3A_1530, %mul3A_1537 : i32
        %add3A_1539 = arith.constant 16 : i32
        %add3A_1540 = arith.addi %mul3A_1538, %add3A_1539 : i32
        %get3A_1541 = arith.index_cast %add3A_1540 : i32 to index
        %get3A_1542 = tpu.vector_load %arg7[%get3A_1541] {strides = array<i32>} : memref<16384xf32, #tpu.memory_space<vmem>>, vector<16xf32>,
        %mul3A_1543 = arith.constant 64 : i32
        %mul3A_1544 = arith.muli %add3A_1530, %mul3A_1543 : i32
        %add3A_1545 = arith.constant 32 : i32
        %add3A_1546 = arith.addi %mul3A_1544, %add3A_1545 : i32
        %get3A_1547 = arith.index_cast %add3A_1546 : i32 to index
        %get3A_1548 = tpu.vector_load %arg7[%get3A_1547] {strides = array<i32>} : memref<16384xf32, #tpu.memory_space<vmem>>, vector<16xf32>,
        %mul3A_1549 = arith.constant 64 : i32
        %mul3A_1550 = arith.muli %add3A_1530, %mul3A_1549 : i32
        %add3A_1551 = arith.constant 48 : i32
        %add3A_1552 = arith.addi %mul3A_1550, %add3A_1551 : i32
        %get3A_1553 = arith.index_cast %add3A_1552 : i32 to index
        %get3A_1554 = tpu.vector_load %arg7[%get3A_1553] {strides = array<i32>} : memref<16384xf32, #tpu.memory_space<vmem>>, vector<16xf32>,
        %slice3A_1555 = vector.extract_strided_slice %convert_element_type3A {offsets = [10], sizes = [1], strides = [1]} : vector<16xf32> to vector<1xf32>
        %squeeze3A_1556 = vector.extract %slice3A_1555[0] : f32 from vector<1xf32>
        %broadcast_in_dim3A_1557 = vector.broadcast %squeeze3A_1556 : f32 to vector<16xf32>
        %mul3A_1558 = arith.mulf %broadcast_in_dim3A_1557, %get3A_1536 : vector<16xf32>
        %add3A_1559 = arith.addf %add3A_1445, %mul3A_1558 : vector<16xf32>
        %mul3A_1560 = arith.mulf %broadcast_in_dim3A_1557, %get3A_1542 : vector<16xf32>
        %add3A_1561 = arith.addf %add3A_1447, %mul3A_1560 : vector<16xf32>
        %mul3A_1562 = arith.mulf %broadcast_in_dim3A_1557, %get3A_1548 : vector<16xf32>
        %add3A_1563 = arith.addf %add3A_1449, %mul3A_1562 : vector<16xf32>
        %mul3A_1564 = arith.mulf %broadcast_in_dim3A_1557, %get3A_1554 : vector<16xf32>
        %add3A_1565 = arith.addf %add3A_1451, %mul3A_1564 : vector<16xf32>
        %slice3A_1566 = vector.extract_strided_slice %convert_element_type3A_342 {offsets = [10], sizes = [1], strides = [1]} : vector<16xf32> to vector<1xf32>
        %squeeze3A_1567 = vector.extract %slice3A_1566[0] : f32 from vector<1xf32>
        %broadcast_in_dim3A_1568 = vector.broadcast %squeeze3A_1567 : f32 to vector<16xf32>
        %mul3A_1569 = arith.mulf %broadcast_in_dim3A_1568, %get3A_1536 : vector<16xf32>
        %add3A_1570 = arith.addf %add3A_1456, %mul3A_1569 : vector<16xf32>
        %mul3A_1571 = arith.mulf %broadcast_in_dim3A_1568, %get3A_1542 : vector<16xf32>
        %add3A_1572 = arith.addf %add3A_1458, %mul3A_1571 : vector<16xf32>
        %mul3A_1573 = arith.mulf %broadcast_in_dim3A_1568, %get3A_1548 : vector<16xf32>
        %add3A_1574 = arith.addf %add3A_1460, %mul3A_1573 : vector<16xf32>
        %mul3A_1575 = arith.mulf %broadcast_in_dim3A_1568, %get3A_1554 : vector<16xf32>
        %add3A_1576 = arith.addf %add3A_1462, %mul3A_1575 : vector<16xf32>
        %slice3A_1577 = vector.extract_strided_slice %convert_element_type3A_350 {offsets = [10], sizes = [1], strides = [1]} : vector<16xf32> to vector<1xf32>
        %squeeze3A_1578 = vector.extract %slice3A_1577[0] : f32 from vector<1xf32>
        %broadcast_in_dim3A_1579 = vector.broadcast %squeeze3A_1578 : f32 to vector<16xf32>
        %mul3A_1580 = arith.mulf %broadcast_in_dim3A_1579, %get3A_1536 : vector<16xf32>
        %add3A_1581 = arith.addf %add3A_1467, %mul3A_1580 : vector<16xf32>
        %mul3A_1582 = arith.mulf %broadcast_in_dim3A_1579, %get3A_1542 : vector<16xf32>
        %add3A_1583 = arith.addf %add3A_1469, %mul3A_1582 : vector<16xf32>
        %mul3A_1584 = arith.mulf %broadcast_in_dim3A_1579, %get3A_1548 : vector<16xf32>
        %add3A_1585 = arith.addf %add3A_1471, %mul3A_1584 : vector<16xf32>
        %mul3A_1586 = arith.mulf %broadcast_in_dim3A_1579, %get3A_1554 : vector<16xf32>
        %add3A_1587 = arith.addf %add3A_1473, %mul3A_1586 : vector<16xf32>
        %slice3A_1588 = vector.extract_strided_slice %convert_element_type3A_358 {offsets = [10], sizes = [1], strides = [1]} : vector<16xf32> to vector<1xf32>
        %squeeze3A_1589 = vector.extract %slice3A_1588[0] : f32 from vector<1xf32>
        %broadcast_in_dim3A_1590 = vector.broadcast %squeeze3A_1589 : f32 to vector<16xf32>
        %mul3A_1591 = arith.mulf %broadcast_in_dim3A_1590, %get3A_1536 : vector<16xf32>
        %add3A_1592 = arith.addf %add3A_1478, %mul3A_1591 : vector<16xf32>
        %mul3A_1593 = arith.mulf %broadcast_in_dim3A_1590, %get3A_1542 : vector<16xf32>
        %add3A_1594 = arith.addf %add3A_1480, %mul3A_1593 : vector<16xf32>
        %mul3A_1595 = arith.mulf %broadcast_in_dim3A_1590, %get3A_1548 : vector<16xf32>
        %add3A_1596 = arith.addf %add3A_1482, %mul3A_1595 : vector<16xf32>
        %mul3A_1597 = arith.mulf %broadcast_in_dim3A_1590, %get3A_1554 : vector<16xf32>
        %add3A_1598 = arith.addf %add3A_1484, %mul3A_1597 : vector<16xf32>
        %slice3A_1599 = vector.extract_strided_slice %convert_element_type3A_366 {offsets = [10], sizes = [1], strides = [1]} : vector<16xf32> to vector<1xf32>
        %squeeze3A_1600 = vector.extract %slice3A_1599[0] : f32 from vector<1xf32>
        %broadcast_in_dim3A_1601 = vector.broadcast %squeeze3A_1600 : f32 to vector<16xf32>
        %mul3A_1602 = arith.mulf %broadcast_in_dim3A_1601, %get3A_1536 : vector<16xf32>
        %add3A_1603 = arith.addf %add3A_1489, %mul3A_1602 : vector<16xf32>
        %mul3A_1604 = arith.mulf %broadcast_in_dim3A_1601, %get3A_1542 : vector<16xf32>
        %add3A_1605 = arith.addf %add3A_1491, %mul3A_1604 : vector<16xf32>
        %mul3A_1606 = arith.mulf %broadcast_in_dim3A_1601, %get3A_1548 : vector<16xf32>
        %add3A_1607 = arith.addf %add3A_1493, %mul3A_1606 : vector<16xf32>
        %mul3A_1608 = arith.mulf %broadcast_in_dim3A_1601, %get3A_1554 : vector<16xf32>
        %add3A_1609 = arith.addf %add3A_1495, %mul3A_1608 : vector<16xf32>
        %slice3A_1610 = vector.extract_strided_slice %convert_element_type3A_374 {offsets = [10], sizes = [1], strides = [1]} : vector<16xf32> to vector<1xf32>
        %squeeze3A_1611 = vector.extract %slice3A_1610[0] : f32 from vector<1xf32>
        %broadcast_in_dim3A_1612 = vector.broadcast %squeeze3A_1611 : f32 to vector<16xf32>
        %mul3A_1613 = arith.mulf %broadcast_in_dim3A_1612, %get3A_1536 : vector<16xf32>
        %add3A_1614 = arith.addf %add3A_1500, %mul3A_1613 : vector<16xf32>
        %mul3A_1615 = arith.mulf %broadcast_in_dim3A_1612, %get3A_1542 : vector<16xf32>
        %add3A_1616 = arith.addf %add3A_1502, %mul3A_1615 : vector<16xf32>
        %mul3A_1617 = arith.mulf %broadcast_in_dim3A_1612, %get3A_1548 : vector<16xf32>
        %add3A_1618 = arith.addf %add3A_1504, %mul3A_1617 : vector<16xf32>
        %mul3A_1619 = arith.mulf %broadcast_in_dim3A_1612, %get3A_1554 : vector<16xf32>
        %add3A_1620 = arith.addf %add3A_1506, %mul3A_1619 : vector<16xf32>
        %slice3A_1621 = vector.extract_strided_slice %convert_element_type3A_382 {offsets = [10], sizes = [1], strides = [1]} : vector<16xf32> to vector<1xf32>
        %squeeze3A_1622 = vector.extract %slice3A_1621[0] : f32 from vector<1xf32>
        %broadcast_in_dim3A_1623 = vector.broadcast %squeeze3A_1622 : f32 to vector<16xf32>
        %mul3A_1624 = arith.mulf %broadcast_in_dim3A_1623, %get3A_1536 : vector<16xf32>
        %add3A_1625 = arith.addf %add3A_1511, %mul3A_1624 : vector<16xf32>
        %mul3A_1626 = arith.mulf %broadcast_in_dim3A_1623, %get3A_1542 : vector<16xf32>
        %add3A_1627 = arith.addf %add3A_1513, %mul3A_1626 : vector<16xf32>
        %mul3A_1628 = arith.mulf %broadcast_in_dim3A_1623, %get3A_1548 : vector<16xf32>
        %add3A_1629 = arith.addf %add3A_1515, %mul3A_1628 : vector<16xf32>
        %mul3A_1630 = arith.mulf %broadcast_in_dim3A_1623, %get3A_1554 : vector<16xf32>
        %add3A_1631 = arith.addf %add3A_1517, %mul3A_1630 : vector<16xf32>
        %slice3A_1632 = vector.extract_strided_slice %convert_element_type3A_390 {offsets = [10], sizes = [1], strides = [1]} : vector<16xf32> to vector<1xf32>
        %squeeze3A_1633 = vector.extract %slice3A_1632[0] : f32 from vector<1xf32>
        %broadcast_in_dim3A_1634 = vector.broadcast %squeeze3A_1633 : f32 to vector<16xf32>
        %mul3A_1635 = arith.mulf %broadcast_in_dim3A_1634, %get3A_1536 : vector<16xf32>
        %add3A_1636 = arith.addf %add3A_1522, %mul3A_1635 : vector<16xf32>
        %mul3A_1637 = arith.mulf %broadcast_in_dim3A_1634, %get3A_1542 : vector<16xf32>
        %add3A_1638 = arith.addf %add3A_1524, %mul3A_1637 : vector<16xf32>
        %mul3A_1639 = arith.mulf %broadcast_in_dim3A_1634, %get3A_1548 : vector<16xf32>
        %add3A_1640 = arith.addf %add3A_1526, %mul3A_1639 : vector<16xf32>
        %mul3A_1641 = arith.mulf %broadcast_in_dim3A_1634, %get3A_1554 : vector<16xf32>
        %add3A_1642 = arith.addf %add3A_1528, %mul3A_1641 : vector<16xf32>
        %add3A_1643 = arith.constant 11 : i32
        %add3A_1644 = arith.addi %mul3A_327, %add3A_1643 : i32
        %mul3A_1645 = arith.constant 64 : i32
        %mul3A_1646 = arith.muli %add3A_1644, %mul3A_1645 : i32
        %add3A_1647 = arith.constant 0 : i32
        %add3A_1648 = arith.addi %mul3A_1646, %add3A_1647 : i32
        %get3A_1649 = arith.index_cast %add3A_1648 : i32 to index
        %get3A_1650 = tpu.vector_load %arg7[%get3A_1649] {strides = array<i32>} : memref<16384xf32, #tpu.memory_space<vmem>>, vector<16xf32>,
        %mul3A_1651 = arith.constant 64 : i32
        %mul3A_1652 = arith.muli %add3A_1644, %mul3A_1651 : i32
        %add3A_1653 = arith.constant 16 : i32
        %add3A_1654 = arith.addi %mul3A_1652, %add3A_1653 : i32
        %get3A_1655 = arith.index_cast %add3A_1654 : i32 to index
        %get3A_1656 = tpu.vector_load %arg7[%get3A_1655] {strides = array<i32>} : memref<16384xf32, #tpu.memory_space<vmem>>, vector<16xf32>,
        %mul3A_1657 = arith.constant 64 : i32
        %mul3A_1658 = arith.muli %add3A_1644, %mul3A_1657 : i32
        %add3A_1659 = arith.constant 32 : i32
        %add3A_1660 = arith.addi %mul3A_1658, %add3A_1659 : i32
        %get3A_1661 = arith.index_cast %add3A_1660 : i32 to index
        %get3A_1662 = tpu.vector_load %arg7[%get3A_1661] {strides = array<i32>} : memref<16384xf32, #tpu.memory_space<vmem>>, vector<16xf32>,
        %mul3A_1663 = arith.constant 64 : i32
        %mul3A_1664 = arith.muli %add3A_1644, %mul3A_1663 : i32
        %add3A_1665 = arith.constant 48 : i32
        %add3A_1666 = arith.addi %mul3A_1664, %add3A_1665 : i32
        %get3A_1667 = arith.index_cast %add3A_1666 : i32 to index
        %get3A_1668 = tpu.vector_load %arg7[%get3A_1667] {strides = array<i32>} : memref<16384xf32, #tpu.memory_space<vmem>>, vector<16xf32>,
        %slice3A_1669 = vector.extract_strided_slice %convert_element_type3A {offsets = [11], sizes = [1], strides = [1]} : vector<16xf32> to vector<1xf32>
        %squeeze3A_1670 = vector.extract %slice3A_1669[0] : f32 from vector<1xf32>
        %broadcast_in_dim3A_1671 = vector.broadcast %squeeze3A_1670 : f32 to vector<16xf32>
        %mul3A_1672 = arith.mulf %broadcast_in_dim3A_1671, %get3A_1650 : vector<16xf32>
        %add3A_1673 = arith.addf %add3A_1559, %mul3A_1672 : vector<16xf32>
        %mul3A_1674 = arith.mulf %broadcast_in_dim3A_1671, %get3A_1656 : vector<16xf32>
        %add3A_1675 = arith.addf %add3A_1561, %mul3A_1674 : vector<16xf32>
        %mul3A_1676 = arith.mulf %broadcast_in_dim3A_1671, %get3A_1662 : vector<16xf32>
        %add3A_1677 = arith.addf %add3A_1563, %mul3A_1676 : vector<16xf32>
        %mul3A_1678 = arith.mulf %broadcast_in_dim3A_1671, %get3A_1668 : vector<16xf32>
        %add3A_1679 = arith.addf %add3A_1565, %mul3A_1678 : vector<16xf32>
        %slice3A_1680 = vector.extract_strided_slice %convert_element_type3A_342 {offsets = [11], sizes = [1], strides = [1]} : vector<16xf32> to vector<1xf32>
        %squeeze3A_1681 = vector.extract %slice3A_1680[0] : f32 from vector<1xf32>
        %broadcast_in_dim3A_1682 = vector.broadcast %squeeze3A_1681 : f32 to vector<16xf32>
        %mul3A_1683 = arith.mulf %broadcast_in_dim3A_1682, %get3A_1650 : vector<16xf32>
        %add3A_1684 = arith.addf %add3A_1570, %mul3A_1683 : vector<16xf32>
        %mul3A_1685 = arith.mulf %broadcast_in_dim3A_1682, %get3A_1656 : vector<16xf32>
        %add3A_1686 = arith.addf %add3A_1572, %mul3A_1685 : vector<16xf32>
        %mul3A_1687 = arith.mulf %broadcast_in_dim3A_1682, %get3A_1662 : vector<16xf32>
        %add3A_1688 = arith.addf %add3A_1574, %mul3A_1687 : vector<16xf32>
        %mul3A_1689 = arith.mulf %broadcast_in_dim3A_1682, %get3A_1668 : vector<16xf32>
        %add3A_1690 = arith.addf %add3A_1576, %mul3A_1689 : vector<16xf32>
        %slice3A_1691 = vector.extract_strided_slice %convert_element_type3A_350 {offsets = [11], sizes = [1], strides = [1]} : vector<16xf32> to vector<1xf32>
        %squeeze3A_1692 = vector.extract %slice3A_1691[0] : f32 from vector<1xf32>
        %broadcast_in_dim3A_1693 = vector.broadcast %squeeze3A_1692 : f32 to vector<16xf32>
        %mul3A_1694 = arith.mulf %broadcast_in_dim3A_1693, %get3A_1650 : vector<16xf32>
        %add3A_1695 = arith.addf %add3A_1581, %mul3A_1694 : vector<16xf32>
        %mul3A_1696 = arith.mulf %broadcast_in_dim3A_1693, %get3A_1656 : vector<16xf32>
        %add3A_1697 = arith.addf %add3A_1583, %mul3A_1696 : vector<16xf32>
        %mul3A_1698 = arith.mulf %broadcast_in_dim3A_1693, %get3A_1662 : vector<16xf32>
        %add3A_1699 = arith.addf %add3A_1585, %mul3A_1698 : vector<16xf32>
        %mul3A_1700 = arith.mulf %broadcast_in_dim3A_1693, %get3A_1668 : vector<16xf32>
        %add3A_1701 = arith.addf %add3A_1587, %mul3A_1700 : vector<16xf32>
        %slice3A_1702 = vector.extract_strided_slice %convert_element_type3A_358 {offsets = [11], sizes = [1], strides = [1]} : vector<16xf32> to vector<1xf32>
        %squeeze3A_1703 = vector.extract %slice3A_1702[0] : f32 from vector<1xf32>
        %broadcast_in_dim3A_1704 = vector.broadcast %squeeze3A_1703 : f32 to vector<16xf32>
        %mul3A_1705 = arith.mulf %broadcast_in_dim3A_1704, %get3A_1650 : vector<16xf32>
        %add3A_1706 = arith.addf %add3A_1592, %mul3A_1705 : vector<16xf32>
        %mul3A_1707 = arith.mulf %broadcast_in_dim3A_1704, %get3A_1656 : vector<16xf32>
        %add3A_1708 = arith.addf %add3A_1594, %mul3A_1707 : vector<16xf32>
        %mul3A_1709 = arith.mulf %broadcast_in_dim3A_1704, %get3A_1662 : vector<16xf32>
        %add3A_1710 = arith.addf %add3A_1596, %mul3A_1709 : vector<16xf32>
        %mul3A_1711 = arith.mulf %broadcast_in_dim3A_1704, %get3A_1668 : vector<16xf32>
        %add3A_1712 = arith.addf %add3A_1598, %mul3A_1711 : vector<16xf32>
        %slice3A_1713 = vector.extract_strided_slice %convert_element_type3A_366 {offsets = [11], sizes = [1], strides = [1]} : vector<16xf32> to vector<1xf32>
        %squeeze3A_1714 = vector.extract %slice3A_1713[0] : f32 from vector<1xf32>
        %broadcast_in_dim3A_1715 = vector.broadcast %squeeze3A_1714 : f32 to vector<16xf32>
        %mul3A_1716 = arith.mulf %broadcast_in_dim3A_1715, %get3A_1650 : vector<16xf32>
        %add3A_1717 = arith.addf %add3A_1603, %mul3A_1716 : vector<16xf32>
        %mul3A_1718 = arith.mulf %broadcast_in_dim3A_1715, %get3A_1656 : vector<16xf32>
        %add3A_1719 = arith.addf %add3A_1605, %mul3A_1718 : vector<16xf32>
        %mul3A_1720 = arith.mulf %broadcast_in_dim3A_1715, %get3A_1662 : vector<16xf32>
        %add3A_1721 = arith.addf %add3A_1607, %mul3A_1720 : vector<16xf32>
        %mul3A_1722 = arith.mulf %broadcast_in_dim3A_1715, %get3A_1668 : vector<16xf32>
        %add3A_1723 = arith.addf %add3A_1609, %mul3A_1722 : vector<16xf32>
        %slice3A_1724 = vector.extract_strided_slice %convert_element_type3A_374 {offsets = [11], sizes = [1], strides = [1]} : vector<16xf32> to vector<1xf32>
        %squeeze3A_1725 = vector.extract %slice3A_1724[0] : f32 from vector<1xf32>
        %broadcast_in_dim3A_1726 = vector.broadcast %squeeze3A_1725 : f32 to vector<16xf32>
        %mul3A_1727 = arith.mulf %broadcast_in_dim3A_1726, %get3A_1650 : vector<16xf32>
        %add3A_1728 = arith.addf %add3A_1614, %mul3A_1727 : vector<16xf32>
        %mul3A_1729 = arith.mulf %broadcast_in_dim3A_1726, %get3A_1656 : vector<16xf32>
        %add3A_1730 = arith.addf %add3A_1616, %mul3A_1729 : vector<16xf32>
        %mul3A_1731 = arith.mulf %broadcast_in_dim3A_1726, %get3A_1662 : vector<16xf32>
        %add3A_1732 = arith.addf %add3A_1618, %mul3A_1731 : vector<16xf32>
        %mul3A_1733 = arith.mulf %broadcast_in_dim3A_1726, %get3A_1668 : vector<16xf32>
        %add3A_1734 = arith.addf %add3A_1620, %mul3A_1733 : vector<16xf32>
        %slice3A_1735 = vector.extract_strided_slice %convert_element_type3A_382 {offsets = [11], sizes = [1], strides = [1]} : vector<16xf32> to vector<1xf32>
        %squeeze3A_1736 = vector.extract %slice3A_1735[0] : f32 from vector<1xf32>
        %broadcast_in_dim3A_1737 = vector.broadcast %squeeze3A_1736 : f32 to vector<16xf32>
        %mul3A_1738 = arith.mulf %broadcast_in_dim3A_1737, %get3A_1650 : vector<16xf32>
        %add3A_1739 = arith.addf %add3A_1625, %mul3A_1738 : vector<16xf32>
        %mul3A_1740 = arith.mulf %broadcast_in_dim3A_1737, %get3A_1656 : vector<16xf32>
        %add3A_1741 = arith.addf %add3A_1627, %mul3A_1740 : vector<16xf32>
        %mul3A_1742 = arith.mulf %broadcast_in_dim3A_1737, %get3A_1662 : vector<16xf32>
        %add3A_1743 = arith.addf %add3A_1629, %mul3A_1742 : vector<16xf32>
        %mul3A_1744 = arith.mulf %broadcast_in_dim3A_1737, %get3A_1668 : vector<16xf32>
        %add3A_1745 = arith.addf %add3A_1631, %mul3A_1744 : vector<16xf32>
        %slice3A_1746 = vector.extract_strided_slice %convert_element_type3A_390 {offsets = [11], sizes = [1], strides = [1]} : vector<16xf32> to vector<1xf32>
        %squeeze3A_1747 = vector.extract %slice3A_1746[0] : f32 from vector<1xf32>
        %broadcast_in_dim3A_1748 = vector.broadcast %squeeze3A_1747 : f32 to vector<16xf32>
        %mul3A_1749 = arith.mulf %broadcast_in_dim3A_1748, %get3A_1650 : vector<16xf32>
        %add3A_1750 = arith.addf %add3A_1636, %mul3A_1749 : vector<16xf32>
        %mul3A_1751 = arith.mulf %broadcast_in_dim3A_1748, %get3A_1656 : vector<16xf32>
        %add3A_1752 = arith.addf %add3A_1638, %mul3A_1751 : vector<16xf32>
        %mul3A_1753 = arith.mulf %broadcast_in_dim3A_1748, %get3A_1662 : vector<16xf32>
        %add3A_1754 = arith.addf %add3A_1640, %mul3A_1753 : vector<16xf32>
        %mul3A_1755 = arith.mulf %broadcast_in_dim3A_1748, %get3A_1668 : vector<16xf32>
        %add3A_1756 = arith.addf %add3A_1642, %mul3A_1755 : vector<16xf32>
        %add3A_1757 = arith.constant 12 : i32
        %add3A_1758 = arith.addi %mul3A_327, %add3A_1757 : i32
        %mul3A_1759 = arith.constant 64 : i32
        %mul3A_1760 = arith.muli %add3A_1758, %mul3A_1759 : i32
        %add3A_1761 = arith.constant 0 : i32
        %add3A_1762 = arith.addi %mul3A_1760, %add3A_1761 : i32
        %get3A_1763 = arith.index_cast %add3A_1762 : i32 to index
        %get3A_1764 = tpu.vector_load %arg7[%get3A_1763] {strides = array<i32>} : memref<16384xf32, #tpu.memory_space<vmem>>, vector<16xf32>,
        %mul3A_1765 = arith.constant 64 : i32
        %mul3A_1766 = arith.muli %add3A_1758, %mul3A_1765 : i32
        %add3A_1767 = arith.constant 16 : i32
        %add3A_1768 = arith.addi %mul3A_1766, %add3A_1767 : i32
        %get3A_1769 = arith.index_cast %add3A_1768 : i32 to index
        %get3A_1770 = tpu.vector_load %arg7[%get3A_1769] {strides = array<i32>} : memref<16384xf32, #tpu.memory_space<vmem>>, vector<16xf32>,
        %mul3A_1771 = arith.constant 64 : i32
        %mul3A_1772 = arith.muli %add3A_1758, %mul3A_1771 : i32
        %add3A_1773 = arith.constant 32 : i32
        %add3A_1774 = arith.addi %mul3A_1772, %add3A_1773 : i32
        %get3A_1775 = arith.index_cast %add3A_1774 : i32 to index
        %get3A_1776 = tpu.vector_load %arg7[%get3A_1775] {strides = array<i32>} : memref<16384xf32, #tpu.memory_space<vmem>>, vector<16xf32>,
        %mul3A_1777 = arith.constant 64 : i32
        %mul3A_1778 = arith.muli %add3A_1758, %mul3A_1777 : i32
        %add3A_1779 = arith.constant 48 : i32
        %add3A_1780 = arith.addi %mul3A_1778, %add3A_1779 : i32
        %get3A_1781 = arith.index_cast %add3A_1780 : i32 to index
        %get3A_1782 = tpu.vector_load %arg7[%get3A_1781] {strides = array<i32>} : memref<16384xf32, #tpu.memory_space<vmem>>, vector<16xf32>,
        %slice3A_1783 = vector.extract_strided_slice %convert_element_type3A {offsets = [12], sizes = [1], strides = [1]} : vector<16xf32> to vector<1xf32>
        %squeeze3A_1784 = vector.extract %slice3A_1783[0] : f32 from vector<1xf32>
        %broadcast_in_dim3A_1785 = vector.broadcast %squeeze3A_1784 : f32 to vector<16xf32>
        %mul3A_1786 = arith.mulf %broadcast_in_dim3A_1785, %get3A_1764 : vector<16xf32>
        %add3A_1787 = arith.addf %add3A_1673, %mul3A_1786 : vector<16xf32>
        %mul3A_1788 = arith.mulf %broadcast_in_dim3A_1785, %get3A_1770 : vector<16xf32>
        %add3A_1789 = arith.addf %add3A_1675, %mul3A_1788 : vector<16xf32>
        %mul3A_1790 = arith.mulf %broadcast_in_dim3A_1785, %get3A_1776 : vector<16xf32>
        %add3A_1791 = arith.addf %add3A_1677, %mul3A_1790 : vector<16xf32>
        %mul3A_1792 = arith.mulf %broadcast_in_dim3A_1785, %get3A_1782 : vector<16xf32>
        %add3A_1793 = arith.addf %add3A_1679, %mul3A_1792 : vector<16xf32>
        %slice3A_1794 = vector.extract_strided_slice %convert_element_type3A_342 {offsets = [12], sizes = [1], strides = [1]} : vector<16xf32> to vector<1xf32>
        %squeeze3A_1795 = vector.extract %slice3A_1794[0] : f32 from vector<1xf32>
        %broadcast_in_dim3A_1796 = vector.broadcast %squeeze3A_1795 : f32 to vector<16xf32>
        %mul3A_1797 = arith.mulf %broadcast_in_dim3A_1796, %get3A_1764 : vector<16xf32>
        %add3A_1798 = arith.addf %add3A_1684, %mul3A_1797 : vector<16xf32>
        %mul3A_1799 = arith.mulf %broadcast_in_dim3A_1796, %get3A_1770 : vector<16xf32>
        %add3A_1800 = arith.addf %add3A_1686, %mul3A_1799 : vector<16xf32>
        %mul3A_1801 = arith.mulf %broadcast_in_dim3A_1796, %get3A_1776 : vector<16xf32>
        %add3A_1802 = arith.addf %add3A_1688, %mul3A_1801 : vector<16xf32>
        %mul3A_1803 = arith.mulf %broadcast_in_dim3A_1796, %get3A_1782 : vector<16xf32>
        %add3A_1804 = arith.addf %add3A_1690, %mul3A_1803 : vector<16xf32>
        %slice3A_1805 = vector.extract_strided_slice %convert_element_type3A_350 {offsets = [12], sizes = [1], strides = [1]} : vector<16xf32> to vector<1xf32>
        %squeeze3A_1806 = vector.extract %slice3A_1805[0] : f32 from vector<1xf32>
        %broadcast_in_dim3A_1807 = vector.broadcast %squeeze3A_1806 : f32 to vector<16xf32>
        %mul3A_1808 = arith.mulf %broadcast_in_dim3A_1807, %get3A_1764 : vector<16xf32>
        %add3A_1809 = arith.addf %add3A_1695, %mul3A_1808 : vector<16xf32>
        %mul3A_1810 = arith.mulf %broadcast_in_dim3A_1807, %get3A_1770 : vector<16xf32>
        %add3A_1811 = arith.addf %add3A_1697, %mul3A_1810 : vector<16xf32>
        %mul3A_1812 = arith.mulf %broadcast_in_dim3A_1807, %get3A_1776 : vector<16xf32>
        %add3A_1813 = arith.addf %add3A_1699, %mul3A_1812 : vector<16xf32>
        %mul3A_1814 = arith.mulf %broadcast_in_dim3A_1807, %get3A_1782 : vector<16xf32>
        %add3A_1815 = arith.addf %add3A_1701, %mul3A_1814 : vector<16xf32>
        %slice3A_1816 = vector.extract_strided_slice %convert_element_type3A_358 {offsets = [12], sizes = [1], strides = [1]} : vector<16xf32> to vector<1xf32>
        %squeeze3A_1817 = vector.extract %slice3A_1816[0] : f32 from vector<1xf32>
        %broadcast_in_dim3A_1818 = vector.broadcast %squeeze3A_1817 : f32 to vector<16xf32>
        %mul3A_1819 = arith.mulf %broadcast_in_dim3A_1818, %get3A_1764 : vector<16xf32>
        %add3A_1820 = arith.addf %add3A_1706, %mul3A_1819 : vector<16xf32>
        %mul3A_1821 = arith.mulf %broadcast_in_dim3A_1818, %get3A_1770 : vector<16xf32>
        %add3A_1822 = arith.addf %add3A_1708, %mul3A_1821 : vector<16xf32>
        %mul3A_1823 = arith.mulf %broadcast_in_dim3A_1818, %get3A_1776 : vector<16xf32>
        %add3A_1824 = arith.addf %add3A_1710, %mul3A_1823 : vector<16xf32>
        %mul3A_1825 = arith.mulf %broadcast_in_dim3A_1818, %get3A_1782 : vector<16xf32>
        %add3A_1826 = arith.addf %add3A_1712, %mul3A_1825 : vector<16xf32>
        %slice3A_1827 = vector.extract_strided_slice %convert_element_type3A_366 {offsets = [12], sizes = [1], strides = [1]} : vector<16xf32> to vector<1xf32>
        %squeeze3A_1828 = vector.extract %slice3A_1827[0] : f32 from vector<1xf32>
        %broadcast_in_dim3A_1829 = vector.broadcast %squeeze3A_1828 : f32 to vector<16xf32>
        %mul3A_1830 = arith.mulf %broadcast_in_dim3A_1829, %get3A_1764 : vector<16xf32>
        %add3A_1831 = arith.addf %add3A_1717, %mul3A_1830 : vector<16xf32>
        %mul3A_1832 = arith.mulf %broadcast_in_dim3A_1829, %get3A_1770 : vector<16xf32>
        %add3A_1833 = arith.addf %add3A_1719, %mul3A_1832 : vector<16xf32>
        %mul3A_1834 = arith.mulf %broadcast_in_dim3A_1829, %get3A_1776 : vector<16xf32>
        %add3A_1835 = arith.addf %add3A_1721, %mul3A_1834 : vector<16xf32>
        %mul3A_1836 = arith.mulf %broadcast_in_dim3A_1829, %get3A_1782 : vector<16xf32>
        %add3A_1837 = arith.addf %add3A_1723, %mul3A_1836 : vector<16xf32>
        %slice3A_1838 = vector.extract_strided_slice %convert_element_type3A_374 {offsets = [12], sizes = [1], strides = [1]} : vector<16xf32> to vector<1xf32>
        %squeeze3A_1839 = vector.extract %slice3A_1838[0] : f32 from vector<1xf32>
        %broadcast_in_dim3A_1840 = vector.broadcast %squeeze3A_1839 : f32 to vector<16xf32>
        %mul3A_1841 = arith.mulf %broadcast_in_dim3A_1840, %get3A_1764 : vector<16xf32>
        %add3A_1842 = arith.addf %add3A_1728, %mul3A_1841 : vector<16xf32>
        %mul3A_1843 = arith.mulf %broadcast_in_dim3A_1840, %get3A_1770 : vector<16xf32>
        %add3A_1844 = arith.addf %add3A_1730, %mul3A_1843 : vector<16xf32>
        %mul3A_1845 = arith.mulf %broadcast_in_dim3A_1840, %get3A_1776 : vector<16xf32>
        %add3A_1846 = arith.addf %add3A_1732, %mul3A_1845 : vector<16xf32>
        %mul3A_1847 = arith.mulf %broadcast_in_dim3A_1840, %get3A_1782 : vector<16xf32>
        %add3A_1848 = arith.addf %add3A_1734, %mul3A_1847 : vector<16xf32>
        %slice3A_1849 = vector.extract_strided_slice %convert_element_type3A_382 {offsets = [12], sizes = [1], strides = [1]} : vector<16xf32> to vector<1xf32>
        %squeeze3A_1850 = vector.extract %slice3A_1849[0] : f32 from vector<1xf32>
        %broadcast_in_dim3A_1851 = vector.broadcast %squeeze3A_1850 : f32 to vector<16xf32>
        %mul3A_1852 = arith.mulf %broadcast_in_dim3A_1851, %get3A_1764 : vector<16xf32>
        %add3A_1853 = arith.addf %add3A_1739, %mul3A_1852 : vector<16xf32>
        %mul3A_1854 = arith.mulf %broadcast_in_dim3A_1851, %get3A_1770 : vector<16xf32>
        %add3A_1855 = arith.addf %add3A_1741, %mul3A_1854 : vector<16xf32>
        %mul3A_1856 = arith.mulf %broadcast_in_dim3A_1851, %get3A_1776 : vector<16xf32>
        %add3A_1857 = arith.addf %add3A_1743, %mul3A_1856 : vector<16xf32>
        %mul3A_1858 = arith.mulf %broadcast_in_dim3A_1851, %get3A_1782 : vector<16xf32>
        %add3A_1859 = arith.addf %add3A_1745, %mul3A_1858 : vector<16xf32>
        %slice3A_1860 = vector.extract_strided_slice %convert_element_type3A_390 {offsets = [12], sizes = [1], strides = [1]} : vector<16xf32> to vector<1xf32>
        %squeeze3A_1861 = vector.extract %slice3A_1860[0] : f32 from vector<1xf32>
        %broadcast_in_dim3A_1862 = vector.broadcast %squeeze3A_1861 : f32 to vector<16xf32>
        %mul3A_1863 = arith.mulf %broadcast_in_dim3A_1862, %get3A_1764 : vector<16xf32>
        %add3A_1864 = arith.addf %add3A_1750, %mul3A_1863 : vector<16xf32>
        %mul3A_1865 = arith.mulf %broadcast_in_dim3A_1862, %get3A_1770 : vector<16xf32>
        %add3A_1866 = arith.addf %add3A_1752, %mul3A_1865 : vector<16xf32>
        %mul3A_1867 = arith.mulf %broadcast_in_dim3A_1862, %get3A_1776 : vector<16xf32>
        %add3A_1868 = arith.addf %add3A_1754, %mul3A_1867 : vector<16xf32>
        %mul3A_1869 = arith.mulf %broadcast_in_dim3A_1862, %get3A_1782 : vector<16xf32>
        %add3A_1870 = arith.addf %add3A_1756, %mul3A_1869 : vector<16xf32>
        %add3A_1871 = arith.constant 13 : i32
        %add3A_1872 = arith.addi %mul3A_327, %add3A_1871 : i32
        %mul3A_1873 = arith.constant 64 : i32
        %mul3A_1874 = arith.muli %add3A_1872, %mul3A_1873 : i32
        %add3A_1875 = arith.constant 0 : i32
        %add3A_1876 = arith.addi %mul3A_1874, %add3A_1875 : i32
        %get3A_1877 = arith.index_cast %add3A_1876 : i32 to index
        %get3A_1878 = tpu.vector_load %arg7[%get3A_1877] {strides = array<i32>} : memref<16384xf32, #tpu.memory_space<vmem>>, vector<16xf32>,
        %mul3A_1879 = arith.constant 64 : i32
        %mul3A_1880 = arith.muli %add3A_1872, %mul3A_1879 : i32
        %add3A_1881 = arith.constant 16 : i32
        %add3A_1882 = arith.addi %mul3A_1880, %add3A_1881 : i32
        %get3A_1883 = arith.index_cast %add3A_1882 : i32 to index
        %get3A_1884 = tpu.vector_load %arg7[%get3A_1883] {strides = array<i32>} : memref<16384xf32, #tpu.memory_space<vmem>>, vector<16xf32>,
        %mul3A_1885 = arith.constant 64 : i32
        %mul3A_1886 = arith.muli %add3A_1872, %mul3A_1885 : i32
        %add3A_1887 = arith.constant 32 : i32
        %add3A_1888 = arith.addi %mul3A_1886, %add3A_1887 : i32
        %get3A_1889 = arith.index_cast %add3A_1888 : i32 to index
        %get3A_1890 = tpu.vector_load %arg7[%get3A_1889] {strides = array<i32>} : memref<16384xf32, #tpu.memory_space<vmem>>, vector<16xf32>,
        %mul3A_1891 = arith.constant 64 : i32
        %mul3A_1892 = arith.muli %add3A_1872, %mul3A_1891 : i32
        %add3A_1893 = arith.constant 48 : i32
        %add3A_1894 = arith.addi %mul3A_1892, %add3A_1893 : i32
        %get3A_1895 = arith.index_cast %add3A_1894 : i32 to index
        %get3A_1896 = tpu.vector_load %arg7[%get3A_1895] {strides = array<i32>} : memref<16384xf32, #tpu.memory_space<vmem>>, vector<16xf32>,
        %slice3A_1897 = vector.extract_strided_slice %convert_element_type3A {offsets = [13], sizes = [1], strides = [1]} : vector<16xf32> to vector<1xf32>
        %squeeze3A_1898 = vector.extract %slice3A_1897[0] : f32 from vector<1xf32>
        %broadcast_in_dim3A_1899 = vector.broadcast %squeeze3A_1898 : f32 to vector<16xf32>
        %mul3A_1900 = arith.mulf %broadcast_in_dim3A_1899, %get3A_1878 : vector<16xf32>
        %add3A_1901 = arith.addf %add3A_1787, %mul3A_1900 : vector<16xf32>
        %mul3A_1902 = arith.mulf %broadcast_in_dim3A_1899, %get3A_1884 : vector<16xf32>
        %add3A_1903 = arith.addf %add3A_1789, %mul3A_1902 : vector<16xf32>
        %mul3A_1904 = arith.mulf %broadcast_in_dim3A_1899, %get3A_1890 : vector<16xf32>
        %add3A_1905 = arith.addf %add3A_1791, %mul3A_1904 : vector<16xf32>
        %mul3A_1906 = arith.mulf %broadcast_in_dim3A_1899, %get3A_1896 : vector<16xf32>
        %add3A_1907 = arith.addf %add3A_1793, %mul3A_1906 : vector<16xf32>
        %slice3A_1908 = vector.extract_strided_slice %convert_element_type3A_342 {offsets = [13], sizes = [1], strides = [1]} : vector<16xf32> to vector<1xf32>
        %squeeze3A_1909 = vector.extract %slice3A_1908[0] : f32 from vector<1xf32>
        %broadcast_in_dim3A_1910 = vector.broadcast %squeeze3A_1909 : f32 to vector<16xf32>
        %mul3A_1911 = arith.mulf %broadcast_in_dim3A_1910, %get3A_1878 : vector<16xf32>
        %add3A_1912 = arith.addf %add3A_1798, %mul3A_1911 : vector<16xf32>
        %mul3A_1913 = arith.mulf %broadcast_in_dim3A_1910, %get3A_1884 : vector<16xf32>
        %add3A_1914 = arith.addf %add3A_1800, %mul3A_1913 : vector<16xf32>
        %mul3A_1915 = arith.mulf %broadcast_in_dim3A_1910, %get3A_1890 : vector<16xf32>
        %add3A_1916 = arith.addf %add3A_1802, %mul3A_1915 : vector<16xf32>
        %mul3A_1917 = arith.mulf %broadcast_in_dim3A_1910, %get3A_1896 : vector<16xf32>
        %add3A_1918 = arith.addf %add3A_1804, %mul3A_1917 : vector<16xf32>
        %slice3A_1919 = vector.extract_strided_slice %convert_element_type3A_350 {offsets = [13], sizes = [1], strides = [1]} : vector<16xf32> to vector<1xf32>
        %squeeze3A_1920 = vector.extract %slice3A_1919[0] : f32 from vector<1xf32>
        %broadcast_in_dim3A_1921 = vector.broadcast %squeeze3A_1920 : f32 to vector<16xf32>
        %mul3A_1922 = arith.mulf %broadcast_in_dim3A_1921, %get3A_1878 : vector<16xf32>
        %add3A_1923 = arith.addf %add3A_1809, %mul3A_1922 : vector<16xf32>
        %mul3A_1924 = arith.mulf %broadcast_in_dim3A_1921, %get3A_1884 : vector<16xf32>
        %add3A_1925 = arith.addf %add3A_1811, %mul3A_1924 : vector<16xf32>
        %mul3A_1926 = arith.mulf %broadcast_in_dim3A_1921, %get3A_1890 : vector<16xf32>
        %add3A_1927 = arith.addf %add3A_1813, %mul3A_1926 : vector<16xf32>
        %mul3A_1928 = arith.mulf %broadcast_in_dim3A_1921, %get3A_1896 : vector<16xf32>
        %add3A_1929 = arith.addf %add3A_1815, %mul3A_1928 : vector<16xf32>
        %slice3A_1930 = vector.extract_strided_slice %convert_element_type3A_358 {offsets = [13], sizes = [1], strides = [1]} : vector<16xf32> to vector<1xf32>
        %squeeze3A_1931 = vector.extract %slice3A_1930[0] : f32 from vector<1xf32>
        %broadcast_in_dim3A_1932 = vector.broadcast %squeeze3A_1931 : f32 to vector<16xf32>
        %mul3A_1933 = arith.mulf %broadcast_in_dim3A_1932, %get3A_1878 : vector<16xf32>
        %add3A_1934 = arith.addf %add3A_1820, %mul3A_1933 : vector<16xf32>
        %mul3A_1935 = arith.mulf %broadcast_in_dim3A_1932, %get3A_1884 : vector<16xf32>
        %add3A_1936 = arith.addf %add3A_1822, %mul3A_1935 : vector<16xf32>
        %mul3A_1937 = arith.mulf %broadcast_in_dim3A_1932, %get3A_1890 : vector<16xf32>
        %add3A_1938 = arith.addf %add3A_1824, %mul3A_1937 : vector<16xf32>
        %mul3A_1939 = arith.mulf %broadcast_in_dim3A_1932, %get3A_1896 : vector<16xf32>
        %add3A_1940 = arith.addf %add3A_1826, %mul3A_1939 : vector<16xf32>
        %slice3A_1941 = vector.extract_strided_slice %convert_element_type3A_366 {offsets = [13], sizes = [1], strides = [1]} : vector<16xf32> to vector<1xf32>
        %squeeze3A_1942 = vector.extract %slice3A_1941[0] : f32 from vector<1xf32>
        %broadcast_in_dim3A_1943 = vector.broadcast %squeeze3A_1942 : f32 to vector<16xf32>
        %mul3A_1944 = arith.mulf %broadcast_in_dim3A_1943, %get3A_1878 : vector<16xf32>
        %add3A_1945 = arith.addf %add3A_1831, %mul3A_1944 : vector<16xf32>
        %mul3A_1946 = arith.mulf %broadcast_in_dim3A_1943, %get3A_1884 : vector<16xf32>
        %add3A_1947 = arith.addf %add3A_1833, %mul3A_1946 : vector<16xf32>
        %mul3A_1948 = arith.mulf %broadcast_in_dim3A_1943, %get3A_1890 : vector<16xf32>
        %add3A_1949 = arith.addf %add3A_1835, %mul3A_1948 : vector<16xf32>
        %mul3A_1950 = arith.mulf %broadcast_in_dim3A_1943, %get3A_1896 : vector<16xf32>
        %add3A_1951 = arith.addf %add3A_1837, %mul3A_1950 : vector<16xf32>
        %slice3A_1952 = vector.extract_strided_slice %convert_element_type3A_374 {offsets = [13], sizes = [1], strides = [1]} : vector<16xf32> to vector<1xf32>
        %squeeze3A_1953 = vector.extract %slice3A_1952[0] : f32 from vector<1xf32>
        %broadcast_in_dim3A_1954 = vector.broadcast %squeeze3A_1953 : f32 to vector<16xf32>
        %mul3A_1955 = arith.mulf %broadcast_in_dim3A_1954, %get3A_1878 : vector<16xf32>
        %add3A_1956 = arith.addf %add3A_1842, %mul3A_1955 : vector<16xf32>
        %mul3A_1957 = arith.mulf %broadcast_in_dim3A_1954, %get3A_1884 : vector<16xf32>
        %add3A_1958 = arith.addf %add3A_1844, %mul3A_1957 : vector<16xf32>
        %mul3A_1959 = arith.mulf %broadcast_in_dim3A_1954, %get3A_1890 : vector<16xf32>
        %add3A_1960 = arith.addf %add3A_1846, %mul3A_1959 : vector<16xf32>
        %mul3A_1961 = arith.mulf %broadcast_in_dim3A_1954, %get3A_1896 : vector<16xf32>
        %add3A_1962 = arith.addf %add3A_1848, %mul3A_1961 : vector<16xf32>
        %slice3A_1963 = vector.extract_strided_slice %convert_element_type3A_382 {offsets = [13], sizes = [1], strides = [1]} : vector<16xf32> to vector<1xf32>
        %squeeze3A_1964 = vector.extract %slice3A_1963[0] : f32 from vector<1xf32>
        %broadcast_in_dim3A_1965 = vector.broadcast %squeeze3A_1964 : f32 to vector<16xf32>
        %mul3A_1966 = arith.mulf %broadcast_in_dim3A_1965, %get3A_1878 : vector<16xf32>
        %add3A_1967 = arith.addf %add3A_1853, %mul3A_1966 : vector<16xf32>
        %mul3A_1968 = arith.mulf %broadcast_in_dim3A_1965, %get3A_1884 : vector<16xf32>
        %add3A_1969 = arith.addf %add3A_1855, %mul3A_1968 : vector<16xf32>
        %mul3A_1970 = arith.mulf %broadcast_in_dim3A_1965, %get3A_1890 : vector<16xf32>
        %add3A_1971 = arith.addf %add3A_1857, %mul3A_1970 : vector<16xf32>
        %mul3A_1972 = arith.mulf %broadcast_in_dim3A_1965, %get3A_1896 : vector<16xf32>
        %add3A_1973 = arith.addf %add3A_1859, %mul3A_1972 : vector<16xf32>
        %slice3A_1974 = vector.extract_strided_slice %convert_element_type3A_390 {offsets = [13], sizes = [1], strides = [1]} : vector<16xf32> to vector<1xf32>
        %squeeze3A_1975 = vector.extract %slice3A_1974[0] : f32 from vector<1xf32>
        %broadcast_in_dim3A_1976 = vector.broadcast %squeeze3A_1975 : f32 to vector<16xf32>
        %mul3A_1977 = arith.mulf %broadcast_in_dim3A_1976, %get3A_1878 : vector<16xf32>
        %add3A_1978 = arith.addf %add3A_1864, %mul3A_1977 : vector<16xf32>
        %mul3A_1979 = arith.mulf %broadcast_in_dim3A_1976, %get3A_1884 : vector<16xf32>
        %add3A_1980 = arith.addf %add3A_1866, %mul3A_1979 : vector<16xf32>
        %mul3A_1981 = arith.mulf %broadcast_in_dim3A_1976, %get3A_1890 : vector<16xf32>
        %add3A_1982 = arith.addf %add3A_1868, %mul3A_1981 : vector<16xf32>
        %mul3A_1983 = arith.mulf %broadcast_in_dim3A_1976, %get3A_1896 : vector<16xf32>
        %add3A_1984 = arith.addf %add3A_1870, %mul3A_1983 : vector<16xf32>
        %add3A_1985 = arith.constant 14 : i32
        %add3A_1986 = arith.addi %mul3A_327, %add3A_1985 : i32
        %mul3A_1987 = arith.constant 64 : i32
        %mul3A_1988 = arith.muli %add3A_1986, %mul3A_1987 : i32
        %add3A_1989 = arith.constant 0 : i32
        %add3A_1990 = arith.addi %mul3A_1988, %add3A_1989 : i32
        %get3A_1991 = arith.index_cast %add3A_1990 : i32 to index
        %get3A_1992 = tpu.vector_load %arg7[%get3A_1991] {strides = array<i32>} : memref<16384xf32, #tpu.memory_space<vmem>>, vector<16xf32>,
        %mul3A_1993 = arith.constant 64 : i32
        %mul3A_1994 = arith.muli %add3A_1986, %mul3A_1993 : i32
        %add3A_1995 = arith.constant 16 : i32
        %add3A_1996 = arith.addi %mul3A_1994, %add3A_1995 : i32
        %get3A_1997 = arith.index_cast %add3A_1996 : i32 to index
        %get3A_1998 = tpu.vector_load %arg7[%get3A_1997] {strides = array<i32>} : memref<16384xf32, #tpu.memory_space<vmem>>, vector<16xf32>,
        %mul3A_1999 = arith.constant 64 : i32
        %mul3A_2000 = arith.muli %add3A_1986, %mul3A_1999 : i32
        %add3A_2001 = arith.constant 32 : i32
        %add3A_2002 = arith.addi %mul3A_2000, %add3A_2001 : i32
        %get3A_2003 = arith.index_cast %add3A_2002 : i32 to index
        %get3A_2004 = tpu.vector_load %arg7[%get3A_2003] {strides = array<i32>} : memref<16384xf32, #tpu.memory_space<vmem>>, vector<16xf32>,
        %mul3A_2005 = arith.constant 64 : i32
        %mul3A_2006 = arith.muli %add3A_1986, %mul3A_2005 : i32
        %add3A_2007 = arith.constant 48 : i32
        %add3A_2008 = arith.addi %mul3A_2006, %add3A_2007 : i32
        %get3A_2009 = arith.index_cast %add3A_2008 : i32 to index
        %get3A_2010 = tpu.vector_load %arg7[%get3A_2009] {strides = array<i32>} : memref<16384xf32, #tpu.memory_space<vmem>>, vector<16xf32>,
        %slice3A_2011 = vector.extract_strided_slice %convert_element_type3A {offsets = [14], sizes = [1], strides = [1]} : vector<16xf32> to vector<1xf32>
        %squeeze3A_2012 = vector.extract %slice3A_2011[0] : f32 from vector<1xf32>
        %broadcast_in_dim3A_2013 = vector.broadcast %squeeze3A_2012 : f32 to vector<16xf32>
        %mul3A_2014 = arith.mulf %broadcast_in_dim3A_2013, %get3A_1992 : vector<16xf32>
        %add3A_2015 = arith.addf %add3A_1901, %mul3A_2014 : vector<16xf32>
        %mul3A_2016 = arith.mulf %broadcast_in_dim3A_2013, %get3A_1998 : vector<16xf32>
        %add3A_2017 = arith.addf %add3A_1903, %mul3A_2016 : vector<16xf32>
        %mul3A_2018 = arith.mulf %broadcast_in_dim3A_2013, %get3A_2004 : vector<16xf32>
        %add3A_2019 = arith.addf %add3A_1905, %mul3A_2018 : vector<16xf32>
        %mul3A_2020 = arith.mulf %broadcast_in_dim3A_2013, %get3A_2010 : vector<16xf32>
        %add3A_2021 = arith.addf %add3A_1907, %mul3A_2020 : vector<16xf32>
        %slice3A_2022 = vector.extract_strided_slice %convert_element_type3A_342 {offsets = [14], sizes = [1], strides = [1]} : vector<16xf32> to vector<1xf32>
        %squeeze3A_2023 = vector.extract %slice3A_2022[0] : f32 from vector<1xf32>
        %broadcast_in_dim3A_2024 = vector.broadcast %squeeze3A_2023 : f32 to vector<16xf32>
        %mul3A_2025 = arith.mulf %broadcast_in_dim3A_2024, %get3A_1992 : vector<16xf32>
        %add3A_2026 = arith.addf %add3A_1912, %mul3A_2025 : vector<16xf32>
        %mul3A_2027 = arith.mulf %broadcast_in_dim3A_2024, %get3A_1998 : vector<16xf32>
        %add3A_2028 = arith.addf %add3A_1914, %mul3A_2027 : vector<16xf32>
        %mul3A_2029 = arith.mulf %broadcast_in_dim3A_2024, %get3A_2004 : vector<16xf32>
        %add3A_2030 = arith.addf %add3A_1916, %mul3A_2029 : vector<16xf32>
        %mul3A_2031 = arith.mulf %broadcast_in_dim3A_2024, %get3A_2010 : vector<16xf32>
        %add3A_2032 = arith.addf %add3A_1918, %mul3A_2031 : vector<16xf32>
        %slice3A_2033 = vector.extract_strided_slice %convert_element_type3A_350 {offsets = [14], sizes = [1], strides = [1]} : vector<16xf32> to vector<1xf32>
        %squeeze3A_2034 = vector.extract %slice3A_2033[0] : f32 from vector<1xf32>
        %broadcast_in_dim3A_2035 = vector.broadcast %squeeze3A_2034 : f32 to vector<16xf32>
        %mul3A_2036 = arith.mulf %broadcast_in_dim3A_2035, %get3A_1992 : vector<16xf32>
        %add3A_2037 = arith.addf %add3A_1923, %mul3A_2036 : vector<16xf32>
        %mul3A_2038 = arith.mulf %broadcast_in_dim3A_2035, %get3A_1998 : vector<16xf32>
        %add3A_2039 = arith.addf %add3A_1925, %mul3A_2038 : vector<16xf32>
        %mul3A_2040 = arith.mulf %broadcast_in_dim3A_2035, %get3A_2004 : vector<16xf32>
        %add3A_2041 = arith.addf %add3A_1927, %mul3A_2040 : vector<16xf32>
        %mul3A_2042 = arith.mulf %broadcast_in_dim3A_2035, %get3A_2010 : vector<16xf32>
        %add3A_2043 = arith.addf %add3A_1929, %mul3A_2042 : vector<16xf32>
        %slice3A_2044 = vector.extract_strided_slice %convert_element_type3A_358 {offsets = [14], sizes = [1], strides = [1]} : vector<16xf32> to vector<1xf32>
        %squeeze3A_2045 = vector.extract %slice3A_2044[0] : f32 from vector<1xf32>
        %broadcast_in_dim3A_2046 = vector.broadcast %squeeze3A_2045 : f32 to vector<16xf32>
        %mul3A_2047 = arith.mulf %broadcast_in_dim3A_2046, %get3A_1992 : vector<16xf32>
        %add3A_2048 = arith.addf %add3A_1934, %mul3A_2047 : vector<16xf32>
        %mul3A_2049 = arith.mulf %broadcast_in_dim3A_2046, %get3A_1998 : vector<16xf32>
        %add3A_2050 = arith.addf %add3A_1936, %mul3A_2049 : vector<16xf32>
        %mul3A_2051 = arith.mulf %broadcast_in_dim3A_2046, %get3A_2004 : vector<16xf32>
        %add3A_2052 = arith.addf %add3A_1938, %mul3A_2051 : vector<16xf32>
        %mul3A_2053 = arith.mulf %broadcast_in_dim3A_2046, %get3A_2010 : vector<16xf32>
        %add3A_2054 = arith.addf %add3A_1940, %mul3A_2053 : vector<16xf32>
        %slice3A_2055 = vector.extract_strided_slice %convert_element_type3A_366 {offsets = [14], sizes = [1], strides = [1]} : vector<16xf32> to vector<1xf32>
        %squeeze3A_2056 = vector.extract %slice3A_2055[0] : f32 from vector<1xf32>
        %broadcast_in_dim3A_2057 = vector.broadcast %squeeze3A_2056 : f32 to vector<16xf32>
        %mul3A_2058 = arith.mulf %broadcast_in_dim3A_2057, %get3A_1992 : vector<16xf32>
        %add3A_2059 = arith.addf %add3A_1945, %mul3A_2058 : vector<16xf32>
        %mul3A_2060 = arith.mulf %broadcast_in_dim3A_2057, %get3A_1998 : vector<16xf32>
        %add3A_2061 = arith.addf %add3A_1947, %mul3A_2060 : vector<16xf32>
        %mul3A_2062 = arith.mulf %broadcast_in_dim3A_2057, %get3A_2004 : vector<16xf32>
        %add3A_2063 = arith.addf %add3A_1949, %mul3A_2062 : vector<16xf32>
        %mul3A_2064 = arith.mulf %broadcast_in_dim3A_2057, %get3A_2010 : vector<16xf32>
        %add3A_2065 = arith.addf %add3A_1951, %mul3A_2064 : vector<16xf32>
        %slice3A_2066 = vector.extract_strided_slice %convert_element_type3A_374 {offsets = [14], sizes = [1], strides = [1]} : vector<16xf32> to vector<1xf32>
        %squeeze3A_2067 = vector.extract %slice3A_2066[0] : f32 from vector<1xf32>
        %broadcast_in_dim3A_2068 = vector.broadcast %squeeze3A_2067 : f32 to vector<16xf32>
        %mul3A_2069 = arith.mulf %broadcast_in_dim3A_2068, %get3A_1992 : vector<16xf32>
        %add3A_2070 = arith.addf %add3A_1956, %mul3A_2069 : vector<16xf32>
        %mul3A_2071 = arith.mulf %broadcast_in_dim3A_2068, %get3A_1998 : vector<16xf32>
        %add3A_2072 = arith.addf %add3A_1958, %mul3A_2071 : vector<16xf32>
        %mul3A_2073 = arith.mulf %broadcast_in_dim3A_2068, %get3A_2004 : vector<16xf32>
        %add3A_2074 = arith.addf %add3A_1960, %mul3A_2073 : vector<16xf32>
        %mul3A_2075 = arith.mulf %broadcast_in_dim3A_2068, %get3A_2010 : vector<16xf32>
        %add3A_2076 = arith.addf %add3A_1962, %mul3A_2075 : vector<16xf32>
        %slice3A_2077 = vector.extract_strided_slice %convert_element_type3A_382 {offsets = [14], sizes = [1], strides = [1]} : vector<16xf32> to vector<1xf32>
        %squeeze3A_2078 = vector.extract %slice3A_2077[0] : f32 from vector<1xf32>
        %broadcast_in_dim3A_2079 = vector.broadcast %squeeze3A_2078 : f32 to vector<16xf32>
        %mul3A_2080 = arith.mulf %broadcast_in_dim3A_2079, %get3A_1992 : vector<16xf32>
        %add3A_2081 = arith.addf %add3A_1967, %mul3A_2080 : vector<16xf32>
        %mul3A_2082 = arith.mulf %broadcast_in_dim3A_2079, %get3A_1998 : vector<16xf32>
        %add3A_2083 = arith.addf %add3A_1969, %mul3A_2082 : vector<16xf32>
        %mul3A_2084 = arith.mulf %broadcast_in_dim3A_2079, %get3A_2004 : vector<16xf32>
        %add3A_2085 = arith.addf %add3A_1971, %mul3A_2084 : vector<16xf32>
        %mul3A_2086 = arith.mulf %broadcast_in_dim3A_2079, %get3A_2010 : vector<16xf32>
        %add3A_2087 = arith.addf %add3A_1973, %mul3A_2086 : vector<16xf32>
        %slice3A_2088 = vector.extract_strided_slice %convert_element_type3A_390 {offsets = [14], sizes = [1], strides = [1]} : vector<16xf32> to vector<1xf32>
        %squeeze3A_2089 = vector.extract %slice3A_2088[0] : f32 from vector<1xf32>
        %broadcast_in_dim3A_2090 = vector.broadcast %squeeze3A_2089 : f32 to vector<16xf32>
        %mul3A_2091 = arith.mulf %broadcast_in_dim3A_2090, %get3A_1992 : vector<16xf32>
        %add3A_2092 = arith.addf %add3A_1978, %mul3A_2091 : vector<16xf32>
        %mul3A_2093 = arith.mulf %broadcast_in_dim3A_2090, %get3A_1998 : vector<16xf32>
        %add3A_2094 = arith.addf %add3A_1980, %mul3A_2093 : vector<16xf32>
        %mul3A_2095 = arith.mulf %broadcast_in_dim3A_2090, %get3A_2004 : vector<16xf32>
        %add3A_2096 = arith.addf %add3A_1982, %mul3A_2095 : vector<16xf32>
        %mul3A_2097 = arith.mulf %broadcast_in_dim3A_2090, %get3A_2010 : vector<16xf32>
        %add3A_2098 = arith.addf %add3A_1984, %mul3A_2097 : vector<16xf32>
        %add3A_2099 = arith.constant 15 : i32
        %add3A_2100 = arith.addi %mul3A_327, %add3A_2099 : i32
        %mul3A_2101 = arith.constant 64 : i32
        %mul3A_2102 = arith.muli %add3A_2100, %mul3A_2101 : i32
        %add3A_2103 = arith.constant 0 : i32
        %add3A_2104 = arith.addi %mul3A_2102, %add3A_2103 : i32
        %get3A_2105 = arith.index_cast %add3A_2104 : i32 to index
        %get3A_2106 = tpu.vector_load %arg7[%get3A_2105] {strides = array<i32>} : memref<16384xf32, #tpu.memory_space<vmem>>, vector<16xf32>,
        %mul3A_2107 = arith.constant 64 : i32
        %mul3A_2108 = arith.muli %add3A_2100, %mul3A_2107 : i32
        %add3A_2109 = arith.constant 16 : i32
        %add3A_2110 = arith.addi %mul3A_2108, %add3A_2109 : i32
        %get3A_2111 = arith.index_cast %add3A_2110 : i32 to index
        %get3A_2112 = tpu.vector_load %arg7[%get3A_2111] {strides = array<i32>} : memref<16384xf32, #tpu.memory_space<vmem>>, vector<16xf32>,
        %mul3A_2113 = arith.constant 64 : i32
        %mul3A_2114 = arith.muli %add3A_2100, %mul3A_2113 : i32
        %add3A_2115 = arith.constant 32 : i32
        %add3A_2116 = arith.addi %mul3A_2114, %add3A_2115 : i32
        %get3A_2117 = arith.index_cast %add3A_2116 : i32 to index
        %get3A_2118 = tpu.vector_load %arg7[%get3A_2117] {strides = array<i32>} : memref<16384xf32, #tpu.memory_space<vmem>>, vector<16xf32>,
        %mul3A_2119 = arith.constant 64 : i32
        %mul3A_2120 = arith.muli %add3A_2100, %mul3A_2119 : i32
        %add3A_2121 = arith.constant 48 : i32
        %add3A_2122 = arith.addi %mul3A_2120, %add3A_2121 : i32
        %get3A_2123 = arith.index_cast %add3A_2122 : i32 to index
        %get3A_2124 = tpu.vector_load %arg7[%get3A_2123] {strides = array<i32>} : memref<16384xf32, #tpu.memory_space<vmem>>, vector<16xf32>,
        %slice3A_2125 = vector.extract_strided_slice %convert_element_type3A {offsets = [15], sizes = [1], strides = [1]} : vector<16xf32> to vector<1xf32>
        %squeeze3A_2126 = vector.extract %slice3A_2125[0] : f32 from vector<1xf32>
        %broadcast_in_dim3A_2127 = vector.broadcast %squeeze3A_2126 : f32 to vector<16xf32>
        %mul3A_2128 = arith.mulf %broadcast_in_dim3A_2127, %get3A_2106 : vector<16xf32>
        %add3A_2129 = arith.addf %add3A_2015, %mul3A_2128 : vector<16xf32>
        %mul3A_2130 = arith.mulf %broadcast_in_dim3A_2127, %get3A_2112 : vector<16xf32>
        %add3A_2131 = arith.addf %add3A_2017, %mul3A_2130 : vector<16xf32>
        %mul3A_2132 = arith.mulf %broadcast_in_dim3A_2127, %get3A_2118 : vector<16xf32>
        %add3A_2133 = arith.addf %add3A_2019, %mul3A_2132 : vector<16xf32>
        %mul3A_2134 = arith.mulf %broadcast_in_dim3A_2127, %get3A_2124 : vector<16xf32>
        %add3A_2135 = arith.addf %add3A_2021, %mul3A_2134 : vector<16xf32>
        %slice3A_2136 = vector.extract_strided_slice %convert_element_type3A_342 {offsets = [15], sizes = [1], strides = [1]} : vector<16xf32> to vector<1xf32>
        %squeeze3A_2137 = vector.extract %slice3A_2136[0] : f32 from vector<1xf32>
        %broadcast_in_dim3A_2138 = vector.broadcast %squeeze3A_2137 : f32 to vector<16xf32>
        %mul3A_2139 = arith.mulf %broadcast_in_dim3A_2138, %get3A_2106 : vector<16xf32>
        %add3A_2140 = arith.addf %add3A_2026, %mul3A_2139 : vector<16xf32>
        %mul3A_2141 = arith.mulf %broadcast_in_dim3A_2138, %get3A_2112 : vector<16xf32>
        %add3A_2142 = arith.addf %add3A_2028, %mul3A_2141 : vector<16xf32>
        %mul3A_2143 = arith.mulf %broadcast_in_dim3A_2138, %get3A_2118 : vector<16xf32>
        %add3A_2144 = arith.addf %add3A_2030, %mul3A_2143 : vector<16xf32>
        %mul3A_2145 = arith.mulf %broadcast_in_dim3A_2138, %get3A_2124 : vector<16xf32>
        %add3A_2146 = arith.addf %add3A_2032, %mul3A_2145 : vector<16xf32>
        %slice3A_2147 = vector.extract_strided_slice %convert_element_type3A_350 {offsets = [15], sizes = [1], strides = [1]} : vector<16xf32> to vector<1xf32>
        %squeeze3A_2148 = vector.extract %slice3A_2147[0] : f32 from vector<1xf32>
        %broadcast_in_dim3A_2149 = vector.broadcast %squeeze3A_2148 : f32 to vector<16xf32>
        %mul3A_2150 = arith.mulf %broadcast_in_dim3A_2149, %get3A_2106 : vector<16xf32>
        %add3A_2151 = arith.addf %add3A_2037, %mul3A_2150 : vector<16xf32>
        %mul3A_2152 = arith.mulf %broadcast_in_dim3A_2149, %get3A_2112 : vector<16xf32>
        %add3A_2153 = arith.addf %add3A_2039, %mul3A_2152 : vector<16xf32>
        %mul3A_2154 = arith.mulf %broadcast_in_dim3A_2149, %get3A_2118 : vector<16xf32>
        %add3A_2155 = arith.addf %add3A_2041, %mul3A_2154 : vector<16xf32>
        %mul3A_2156 = arith.mulf %broadcast_in_dim3A_2149, %get3A_2124 : vector<16xf32>
        %add3A_2157 = arith.addf %add3A_2043, %mul3A_2156 : vector<16xf32>
        %slice3A_2158 = vector.extract_strided_slice %convert_element_type3A_358 {offsets = [15], sizes = [1], strides = [1]} : vector<16xf32> to vector<1xf32>
        %squeeze3A_2159 = vector.extract %slice3A_2158[0] : f32 from vector<1xf32>
        %broadcast_in_dim3A_2160 = vector.broadcast %squeeze3A_2159 : f32 to vector<16xf32>
        %mul3A_2161 = arith.mulf %broadcast_in_dim3A_2160, %get3A_2106 : vector<16xf32>
        %add3A_2162 = arith.addf %add3A_2048, %mul3A_2161 : vector<16xf32>
        %mul3A_2163 = arith.mulf %broadcast_in_dim3A_2160, %get3A_2112 : vector<16xf32>
        %add3A_2164 = arith.addf %add3A_2050, %mul3A_2163 : vector<16xf32>
        %mul3A_2165 = arith.mulf %broadcast_in_dim3A_2160, %get3A_2118 : vector<16xf32>
        %add3A_2166 = arith.addf %add3A_2052, %mul3A_2165 : vector<16xf32>
        %mul3A_2167 = arith.mulf %broadcast_in_dim3A_2160, %get3A_2124 : vector<16xf32>
        %add3A_2168 = arith.addf %add3A_2054, %mul3A_2167 : vector<16xf32>
        %slice3A_2169 = vector.extract_strided_slice %convert_element_type3A_366 {offsets = [15], sizes = [1], strides = [1]} : vector<16xf32> to vector<1xf32>
        %squeeze3A_2170 = vector.extract %slice3A_2169[0] : f32 from vector<1xf32>
        %broadcast_in_dim3A_2171 = vector.broadcast %squeeze3A_2170 : f32 to vector<16xf32>
        %mul3A_2172 = arith.mulf %broadcast_in_dim3A_2171, %get3A_2106 : vector<16xf32>
        %add3A_2173 = arith.addf %add3A_2059, %mul3A_2172 : vector<16xf32>
        %mul3A_2174 = arith.mulf %broadcast_in_dim3A_2171, %get3A_2112 : vector<16xf32>
        %add3A_2175 = arith.addf %add3A_2061, %mul3A_2174 : vector<16xf32>
        %mul3A_2176 = arith.mulf %broadcast_in_dim3A_2171, %get3A_2118 : vector<16xf32>
        %add3A_2177 = arith.addf %add3A_2063, %mul3A_2176 : vector<16xf32>
        %mul3A_2178 = arith.mulf %broadcast_in_dim3A_2171, %get3A_2124 : vector<16xf32>
        %add3A_2179 = arith.addf %add3A_2065, %mul3A_2178 : vector<16xf32>
        %slice3A_2180 = vector.extract_strided_slice %convert_element_type3A_374 {offsets = [15], sizes = [1], strides = [1]} : vector<16xf32> to vector<1xf32>
        %squeeze3A_2181 = vector.extract %slice3A_2180[0] : f32 from vector<1xf32>
        %broadcast_in_dim3A_2182 = vector.broadcast %squeeze3A_2181 : f32 to vector<16xf32>
        %mul3A_2183 = arith.mulf %broadcast_in_dim3A_2182, %get3A_2106 : vector<16xf32>
        %add3A_2184 = arith.addf %add3A_2070, %mul3A_2183 : vector<16xf32>
        %mul3A_2185 = arith.mulf %broadcast_in_dim3A_2182, %get3A_2112 : vector<16xf32>
        %add3A_2186 = arith.addf %add3A_2072, %mul3A_2185 : vector<16xf32>
        %mul3A_2187 = arith.mulf %broadcast_in_dim3A_2182, %get3A_2118 : vector<16xf32>
        %add3A_2188 = arith.addf %add3A_2074, %mul3A_2187 : vector<16xf32>
        %mul3A_2189 = arith.mulf %broadcast_in_dim3A_2182, %get3A_2124 : vector<16xf32>
        %add3A_2190 = arith.addf %add3A_2076, %mul3A_2189 : vector<16xf32>
        %slice3A_2191 = vector.extract_strided_slice %convert_element_type3A_382 {offsets = [15], sizes = [1], strides = [1]} : vector<16xf32> to vector<1xf32>
        %squeeze3A_2192 = vector.extract %slice3A_2191[0] : f32 from vector<1xf32>
        %broadcast_in_dim3A_2193 = vector.broadcast %squeeze3A_2192 : f32 to vector<16xf32>
        %mul3A_2194 = arith.mulf %broadcast_in_dim3A_2193, %get3A_2106 : vector<16xf32>
        %add3A_2195 = arith.addf %add3A_2081, %mul3A_2194 : vector<16xf32>
        %mul3A_2196 = arith.mulf %broadcast_in_dim3A_2193, %get3A_2112 : vector<16xf32>
        %add3A_2197 = arith.addf %add3A_2083, %mul3A_2196 : vector<16xf32>
        %mul3A_2198 = arith.mulf %broadcast_in_dim3A_2193, %get3A_2118 : vector<16xf32>
        %add3A_2199 = arith.addf %add3A_2085, %mul3A_2198 : vector<16xf32>
        %mul3A_2200 = arith.mulf %broadcast_in_dim3A_2193, %get3A_2124 : vector<16xf32>
        %add3A_2201 = arith.addf %add3A_2087, %mul3A_2200 : vector<16xf32>
        %slice3A_2202 = vector.extract_strided_slice %convert_element_type3A_390 {offsets = [15], sizes = [1], strides = [1]} : vector<16xf32> to vector<1xf32>
        %squeeze3A_2203 = vector.extract %slice3A_2202[0] : f32 from vector<1xf32>
        %broadcast_in_dim3A_2204 = vector.broadcast %squeeze3A_2203 : f32 to vector<16xf32>
        %mul3A_2205 = arith.mulf %broadcast_in_dim3A_2204, %get3A_2106 : vector<16xf32>
        %add3A_2206 = arith.addf %add3A_2092, %mul3A_2205 : vector<16xf32>
        %mul3A_2207 = arith.mulf %broadcast_in_dim3A_2204, %get3A_2112 : vector<16xf32>
        %add3A_2208 = arith.addf %add3A_2094, %mul3A_2207 : vector<16xf32>
        %mul3A_2209 = arith.mulf %broadcast_in_dim3A_2204, %get3A_2118 : vector<16xf32>
        %add3A_2210 = arith.addf %add3A_2096, %mul3A_2209 : vector<16xf32>
        %mul3A_2211 = arith.mulf %broadcast_in_dim3A_2204, %get3A_2124 : vector<16xf32>
        %add3A_2212 = arith.addf %add3A_2098, %mul3A_2211 : vector<16xf32>
        scf.yield %add3A_2129, %add3A_2131, %add3A_2133, %add3A_2135, %add3A_2140, %add3A_2142, %add3A_2144, %add3A_2146, %add3A_2151, %add3A_2153, %add3A_2155, %add3A_2157, %add3A_2162, %add3A_2164, %add3A_2166, %add3A_2168, %add3A_2173, %add3A_2175, %add3A_2177, %add3A_2179, %add3A_2184, %add3A_2186, %add3A_2188, %add3A_2190, %add3A_2195, %add3A_2197, %add3A_2199, %add3A_2201, %add3A_2206, %add3A_2208, %add3A_2210, %add3A_2212 : vector<16xf32>, vector<16xf32>, vector<16xf32>, vector<16xf32>, vector<16xf32>, vector<16xf32>, vector<16xf32>, vector<16xf32>, vector<16xf32>, vector<16xf32>, vector<16xf32>, vector<16xf32>, vector<16xf32>, vector<16xf32>, vector<16xf32>, vector<16xf32>, vector<16xf32>, vector<16xf32>, vector<16xf32>, vector<16xf32>, vector<16xf32>, vector<16xf32>, vector<16xf32>, vector<16xf32>, vector<16xf32>, vector<16xf32>, vector<16xf32>, vector<16xf32>, vector<16xf32>, vector<16xf32>, vector<16xf32>, vector<16xf32>
      }
      %scan3A_35 = arith.constant 16 : i32
      %add3A_36 = arith.constant 0 : i32
      %add3A_37 = arith.addi %mul3A_29, %add3A_36 : i32
      %mul3A_38 = arith.constant 64 : i32
      %mul3A_39 = arith.muli %add3A_37, %mul3A_38 : i32
      %add3A_40 = arith.constant 0 : i32
      %add3A_41 = arith.addi %mul3A_39, %add3A_40 : i32
      %swap3A_42 = arith.index_cast %add3A_41 : i32 to index
      %swap3A_43 = tpu.vector_load %arg9[%swap3A_42] {strides = array<i32>} : memref<1024xf32, #tpu.memory_space<vmem>>, vector<16xf32>,
      tpu.vector_store %arg9[%swap3A_42], %scan3A_34#0 {strides = array<i32>} : memref<1024xf32, #tpu.memory_space<vmem>>, vector<16xf32>,
      %add3A_44 = arith.constant 0 : i32
      %add3A_45 = arith.addi %mul3A_29, %add3A_44 : i32
      %mul3A_46 = arith.constant 64 : i32
      %mul3A_47 = arith.muli %add3A_45, %mul3A_46 : i32
      %add3A_48 = arith.constant 16 : i32
      %add3A_49 = arith.addi %mul3A_47, %add3A_48 : i32
      %swap3A_50 = arith.index_cast %add3A_49 : i32 to index
      %swap3A_51 = tpu.vector_load %arg9[%swap3A_50] {strides = array<i32>} : memref<1024xf32, #tpu.memory_space<vmem>>, vector<16xf32>,
      tpu.vector_store %arg9[%swap3A_50], %scan3A_34#1 {strides = array<i32>} : memref<1024xf32, #tpu.memory_space<vmem>>, vector<16xf32>,
      %add3A_52 = arith.constant 0 : i32
      %add3A_53 = arith.addi %mul3A_29, %add3A_52 : i32
      %mul3A_54 = arith.constant 64 : i32
      %mul3A_55 = arith.muli %add3A_53, %mul3A_54 : i32
      %add3A_56 = arith.constant 32 : i32
      %add3A_57 = arith.addi %mul3A_55, %add3A_56 : i32
      %swap3A_58 = arith.index_cast %add3A_57 : i32 to index
      %swap3A_59 = tpu.vector_load %arg9[%swap3A_58] {strides = array<i32>} : memref<1024xf32, #tpu.memory_space<vmem>>, vector<16xf32>,
      tpu.vector_store %arg9[%swap3A_58], %scan3A_34#2 {strides = array<i32>} : memref<1024xf32, #tpu.memory_space<vmem>>, vector<16xf32>,
      %add3A_60 = arith.constant 0 : i32
      %add3A_61 = arith.addi %mul3A_29, %add3A_60 : i32
      %mul3A_62 = arith.constant 64 : i32
      %mul3A_63 = arith.muli %add3A_61, %mul3A_62 : i32
      %add3A_64 = arith.constant 48 : i32
      %add3A_65 = arith.addi %mul3A_63, %add3A_64 : i32
      %swap3A_66 = arith.index_cast %add3A_65 : i32 to index
      %swap3A_67 = tpu.vector_load %arg9[%swap3A_66] {strides = array<i32>} : memref<1024xf32, #tpu.memory_space<vmem>>, vector<16xf32>,
      tpu.vector_store %arg9[%swap3A_66], %scan3A_34#3 {strides = array<i32>} : memref<1024xf32, #tpu.memory_space<vmem>>, vector<16xf32>,
      %add3A_68 = arith.constant 1 : i32
      %add3A_69 = arith.addi %mul3A_29, %add3A_68 : i32
      %mul3A_70 = arith.constant 64 : i32
      %mul3A_71 = arith.muli %add3A_69, %mul3A_70 : i32
      %add3A_72 = arith.constant 0 : i32
      %add3A_73 = arith.addi %mul3A_71, %add3A_72 : i32
      %swap3A_74 = arith.index_cast %add3A_73 : i32 to index
      %swap3A_75 = tpu.vector_load %arg9[%swap3A_74] {strides = array<i32>} : memref<1024xf32, #tpu.memory_space<vmem>>, vector<16xf32>,
      tpu.vector_store %arg9[%swap3A_74], %scan3A_34#4 {strides = array<i32>} : memref<1024xf32, #tpu.memory_space<vmem>>, vector<16xf32>,
      %add3A_76 = arith.constant 1 : i32
      %add3A_77 = arith.addi %mul3A_29, %add3A_76 : i32
      %mul3A_78 = arith.constant 64 : i32
      %mul3A_79 = arith.muli %add3A_77, %mul3A_78 : i32
      %add3A_80 = arith.constant 16 : i32
      %add3A_81 = arith.addi %mul3A_79, %add3A_80 : i32
      %swap3A_82 = arith.index_cast %add3A_81 : i32 to index
      %swap3A_83 = tpu.vector_load %arg9[%swap3A_82] {strides = array<i32>} : memref<1024xf32, #tpu.memory_space<vmem>>, vector<16xf32>,
      tpu.vector_store %arg9[%swap3A_82], %scan3A_34#5 {strides = array<i32>} : memref<1024xf32, #tpu.memory_space<vmem>>, vector<16xf32>,
      %add3A_84 = arith.constant 1 : i32
      %add3A_85 = arith.addi %mul3A_29, %add3A_84 : i32
      %mul3A_86 = arith.constant 64 : i32
      %mul3A_87 = arith.muli %add3A_85, %mul3A_86 : i32
      %add3A_88 = arith.constant 32 : i32
      %add3A_89 = arith.addi %mul3A_87, %add3A_88 : i32
      %swap3A_90 = arith.index_cast %add3A_89 : i32 to index
      %swap3A_91 = tpu.vector_load %arg9[%swap3A_90] {strides = array<i32>} : memref<1024xf32, #tpu.memory_space<vmem>>, vector<16xf32>,
      tpu.vector_store %arg9[%swap3A_90], %scan3A_34#6 {strides = array<i32>} : memref<1024xf32, #tpu.memory_space<vmem>>, vector<16xf32>,
      %add3A_92 = arith.constant 1 : i32
      %add3A_93 = arith.addi %mul3A_29, %add3A_92 : i32
      %mul3A_94 = arith.constant 64 : i32
      %mul3A_95 = arith.muli %add3A_93, %mul3A_94 : i32
      %add3A_96 = arith.constant 48 : i32
      %add3A_97 = arith.addi %mul3A_95, %add3A_96 : i32
      %swap3A_98 = arith.index_cast %add3A_97 : i32 to index
      %swap3A_99 = tpu.vector_load %arg9[%swap3A_98] {strides = array<i32>} : memref<1024xf32, #tpu.memory_space<vmem>>, vector<16xf32>,
      tpu.vector_store %arg9[%swap3A_98], %scan3A_34#7 {strides = array<i32>} : memref<1024xf32, #tpu.memory_space<vmem>>, vector<16xf32>,
      %add3A_100 = arith.constant 2 : i32
      %add3A_101 = arith.addi %mul3A_29, %add3A_100 : i32
      %mul3A_102 = arith.constant 64 : i32
      %mul3A_103 = arith.muli %add3A_101, %mul3A_102 : i32
      %add3A_104 = arith.constant 0 : i32
      %add3A_105 = arith.addi %mul3A_103, %add3A_104 : i32
      %swap3A_106 = arith.index_cast %add3A_105 : i32 to index
      %swap3A_107 = tpu.vector_load %arg9[%swap3A_106] {strides = array<i32>} : memref<1024xf32, #tpu.memory_space<vmem>>, vector<16xf32>,
      tpu.vector_store %arg9[%swap3A_106], %scan3A_34#8 {strides = array<i32>} : memref<1024xf32, #tpu.memory_space<vmem>>, vector<16xf32>,
      %add3A_108 = arith.constant 2 : i32
      %add3A_109 = arith.addi %mul3A_29, %add3A_108 : i32
      %mul3A_110 = arith.constant 64 : i32
      %mul3A_111 = arith.muli %add3A_109, %mul3A_110 : i32
      %add3A_112 = arith.constant 16 : i32
      %add3A_113 = arith.addi %mul3A_111, %add3A_112 : i32
      %swap3A_114 = arith.index_cast %add3A_113 : i32 to index
      %swap3A_115 = tpu.vector_load %arg9[%swap3A_114] {strides = array<i32>} : memref<1024xf32, #tpu.memory_space<vmem>>, vector<16xf32>,
      tpu.vector_store %arg9[%swap3A_114], %scan3A_34#9 {strides = array<i32>} : memref<1024xf32, #tpu.memory_space<vmem>>, vector<16xf32>,
      %add3A_116 = arith.constant 2 : i32
      %add3A_117 = arith.addi %mul3A_29, %add3A_116 : i32
      %mul3A_118 = arith.constant 64 : i32
      %mul3A_119 = arith.muli %add3A_117, %mul3A_118 : i32
      %add3A_120 = arith.constant 32 : i32
      %add3A_121 = arith.addi %mul3A_119, %add3A_120 : i32
      %swap3A_122 = arith.index_cast %add3A_121 : i32 to index
      %swap3A_123 = tpu.vector_load %arg9[%swap3A_122] {strides = array<i32>} : memref<1024xf32, #tpu.memory_space<vmem>>, vector<16xf32>,
      tpu.vector_store %arg9[%swap3A_122], %scan3A_34#10 {strides = array<i32>} : memref<1024xf32, #tpu.memory_space<vmem>>, vector<16xf32>,
      %add3A_124 = arith.constant 2 : i32
      %add3A_125 = arith.addi %mul3A_29, %add3A_124 : i32
      %mul3A_126 = arith.constant 64 : i32
      %mul3A_127 = arith.muli %add3A_125, %mul3A_126 : i32
      %add3A_128 = arith.constant 48 : i32
      %add3A_129 = arith.addi %mul3A_127, %add3A_128 : i32
      %swap3A_130 = arith.index_cast %add3A_129 : i32 to index
      %swap3A_131 = tpu.vector_load %arg9[%swap3A_130] {strides = array<i32>} : memref<1024xf32, #tpu.memory_space<vmem>>, vector<16xf32>,
      tpu.vector_store %arg9[%swap3A_130], %scan3A_34#11 {strides = array<i32>} : memref<1024xf32, #tpu.memory_space<vmem>>, vector<16xf32>,
      %add3A_132 = arith.constant 3 : i32
      %add3A_133 = arith.addi %mul3A_29, %add3A_132 : i32
      %mul3A_134 = arith.constant 64 : i32
      %mul3A_135 = arith.muli %add3A_133, %mul3A_134 : i32
      %add3A_136 = arith.constant 0 : i32
      %add3A_137 = arith.addi %mul3A_135, %add3A_136 : i32
      %swap3A_138 = arith.index_cast %add3A_137 : i32 to index
      %swap3A_139 = tpu.vector_load %arg9[%swap3A_138] {strides = array<i32>} : memref<1024xf32, #tpu.memory_space<vmem>>, vector<16xf32>,
      tpu.vector_store %arg9[%swap3A_138], %scan3A_34#12 {strides = array<i32>} : memref<1024xf32, #tpu.memory_space<vmem>>, vector<16xf32>,
      %add3A_140 = arith.constant 3 : i32
      %add3A_141 = arith.addi %mul3A_29, %add3A_140 : i32
      %mul3A_142 = arith.constant 64 : i32
      %mul3A_143 = arith.muli %add3A_141, %mul3A_142 : i32
      %add3A_144 = arith.constant 16 : i32
      %add3A_145 = arith.addi %mul3A_143, %add3A_144 : i32
      %swap3A_146 = arith.index_cast %add3A_145 : i32 to index
      %swap3A_147 = tpu.vector_load %arg9[%swap3A_146] {strides = array<i32>} : memref<1024xf32, #tpu.memory_space<vmem>>, vector<16xf32>,
      tpu.vector_store %arg9[%swap3A_146], %scan3A_34#13 {strides = array<i32>} : memref<1024xf32, #tpu.memory_space<vmem>>, vector<16xf32>,
      %add3A_148 = arith.constant 3 : i32
      %add3A_149 = arith.addi %mul3A_29, %add3A_148 : i32
      %mul3A_150 = arith.constant 64 : i32
      %mul3A_151 = arith.muli %add3A_149, %mul3A_150 : i32
      %add3A_152 = arith.constant 32 : i32
      %add3A_153 = arith.addi %mul3A_151, %add3A_152 : i32
      %swap3A_154 = arith.index_cast %add3A_153 : i32 to index
      %swap3A_155 = tpu.vector_load %arg9[%swap3A_154] {strides = array<i32>} : memref<1024xf32, #tpu.memory_space<vmem>>, vector<16xf32>,
      tpu.vector_store %arg9[%swap3A_154], %scan3A_34#14 {strides = array<i32>} : memref<1024xf32, #tpu.memory_space<vmem>>, vector<16xf32>,
      %add3A_156 = arith.constant 3 : i32
      %add3A_157 = arith.addi %mul3A_29, %add3A_156 : i32
      %mul3A_158 = arith.constant 64 : i32
      %mul3A_159 = arith.muli %add3A_157, %mul3A_158 : i32
      %add3A_160 = arith.constant 48 : i32
      %add3A_161 = arith.addi %mul3A_159, %add3A_160 : i32
      %swap3A_162 = arith.index_cast %add3A_161 : i32 to index
      %swap3A_163 = tpu.vector_load %arg9[%swap3A_162] {strides = array<i32>} : memref<1024xf32, #tpu.memory_space<vmem>>, vector<16xf32>,
      tpu.vector_store %arg9[%swap3A_162], %scan3A_34#15 {strides = array<i32>} : memref<1024xf32, #tpu.memory_space<vmem>>, vector<16xf32>,
      %add3A_164 = arith.constant 4 : i32
      %add3A_165 = arith.addi %mul3A_29, %add3A_164 : i32
      %mul3A_166 = arith.constant 64 : i32
      %mul3A_167 = arith.muli %add3A_165, %mul3A_166 : i32
      %add3A_168 = arith.constant 0 : i32
      %add3A_169 = arith.addi %mul3A_167, %add3A_168 : i32
      %swap3A_170 = arith.index_cast %add3A_169 : i32 to index
      %swap3A_171 = tpu.vector_load %arg9[%swap3A_170] {strides = array<i32>} : memref<1024xf32, #tpu.memory_space<vmem>>, vector<16xf32>,
      tpu.vector_store %arg9[%swap3A_170], %scan3A_34#16 {strides = array<i32>} : memref<1024xf32, #tpu.memory_space<vmem>>, vector<16xf32>,
      %add3A_172 = arith.constant 4 : i32
      %add3A_173 = arith.addi %mul3A_29, %add3A_172 : i32
      %mul3A_174 = arith.constant 64 : i32
      %mul3A_175 = arith.muli %add3A_173, %mul3A_174 : i32
      %add3A_176 = arith.constant 16 : i32
      %add3A_177 = arith.addi %mul3A_175, %add3A_176 : i32
      %swap3A_178 = arith.index_cast %add3A_177 : i32 to index
      %swap3A_179 = tpu.vector_load %arg9[%swap3A_178] {strides = array<i32>} : memref<1024xf32, #tpu.memory_space<vmem>>, vector<16xf32>,
      tpu.vector_store %arg9[%swap3A_178], %scan3A_34#17 {strides = array<i32>} : memref<1024xf32, #tpu.memory_space<vmem>>, vector<16xf32>,
      %add3A_180 = arith.constant 4 : i32
      %add3A_181 = arith.addi %mul3A_29, %add3A_180 : i32
      %mul3A_182 = arith.constant 64 : i32
      %mul3A_183 = arith.muli %add3A_181, %mul3A_182 : i32
      %add3A_184 = arith.constant 32 : i32
      %add3A_185 = arith.addi %mul3A_183, %add3A_184 : i32
      %swap3A_186 = arith.index_cast %add3A_185 : i32 to index
      %swap3A_187 = tpu.vector_load %arg9[%swap3A_186] {strides = array<i32>} : memref<1024xf32, #tpu.memory_space<vmem>>, vector<16xf32>,
      tpu.vector_store %arg9[%swap3A_186], %scan3A_34#18 {strides = array<i32>} : memref<1024xf32, #tpu.memory_space<vmem>>, vector<16xf32>,
      %add3A_188 = arith.constant 4 : i32
      %add3A_189 = arith.addi %mul3A_29, %add3A_188 : i32
      %mul3A_190 = arith.constant 64 : i32
      %mul3A_191 = arith.muli %add3A_189, %mul3A_190 : i32
      %add3A_192 = arith.constant 48 : i32
      %add3A_193 = arith.addi %mul3A_191, %add3A_192 : i32
      %swap3A_194 = arith.index_cast %add3A_193 : i32 to index
      %swap3A_195 = tpu.vector_load %arg9[%swap3A_194] {strides = array<i32>} : memref<1024xf32, #tpu.memory_space<vmem>>, vector<16xf32>,
      tpu.vector_store %arg9[%swap3A_194], %scan3A_34#19 {strides = array<i32>} : memref<1024xf32, #tpu.memory_space<vmem>>, vector<16xf32>,
      %add3A_196 = arith.constant 5 : i32
      %add3A_197 = arith.addi %mul3A_29, %add3A_196 : i32
      %mul3A_198 = arith.constant 64 : i32
      %mul3A_199 = arith.muli %add3A_197, %mul3A_198 : i32
      %add3A_200 = arith.constant 0 : i32
      %add3A_201 = arith.addi %mul3A_199, %add3A_200 : i32
      %swap3A_202 = arith.index_cast %add3A_201 : i32 to index
      %swap3A_203 = tpu.vector_load %arg9[%swap3A_202] {strides = array<i32>} : memref<1024xf32, #tpu.memory_space<vmem>>, vector<16xf32>,
      tpu.vector_store %arg9[%swap3A_202], %scan3A_34#20 {strides = array<i32>} : memref<1024xf32, #tpu.memory_space<vmem>>, vector<16xf32>,
      %add3A_204 = arith.constant 5 : i32
      %add3A_205 = arith.addi %mul3A_29, %add3A_204 : i32
      %mul3A_206 = arith.constant 64 : i32
      %mul3A_207 = arith.muli %add3A_205, %mul3A_206 : i32
      %add3A_208 = arith.constant 16 : i32
      %add3A_209 = arith.addi %mul3A_207, %add3A_208 : i32
      %swap3A_210 = arith.index_cast %add3A_209 : i32 to index
      %swap3A_211 = tpu.vector_load %arg9[%swap3A_210] {strides = array<i32>} : memref<1024xf32, #tpu.memory_space<vmem>>, vector<16xf32>,
      tpu.vector_store %arg9[%swap3A_210], %scan3A_34#21 {strides = array<i32>} : memref<1024xf32, #tpu.memory_space<vmem>>, vector<16xf32>,
      %add3A_212 = arith.constant 5 : i32
      %add3A_213 = arith.addi %mul3A_29, %add3A_212 : i32
      %mul3A_214 = arith.constant 64 : i32
      %mul3A_215 = arith.muli %add3A_213, %mul3A_214 : i32
      %add3A_216 = arith.constant 32 : i32
      %add3A_217 = arith.addi %mul3A_215, %add3A_216 : i32
      %swap3A_218 = arith.index_cast %add3A_217 : i32 to index
      %swap3A_219 = tpu.vector_load %arg9[%swap3A_218] {strides = array<i32>} : memref<1024xf32, #tpu.memory_space<vmem>>, vector<16xf32>,
      tpu.vector_store %arg9[%swap3A_218], %scan3A_34#22 {strides = array<i32>} : memref<1024xf32, #tpu.memory_space<vmem>>, vector<16xf32>,
      %add3A_220 = arith.constant 5 : i32
      %add3A_221 = arith.addi %mul3A_29, %add3A_220 : i32
      %mul3A_222 = arith.constant 64 : i32
      %mul3A_223 = arith.muli %add3A_221, %mul3A_222 : i32
      %add3A_224 = arith.constant 48 : i32
      %add3A_225 = arith.addi %mul3A_223, %add3A_224 : i32
      %swap3A_226 = arith.index_cast %add3A_225 : i32 to index
      %swap3A_227 = tpu.vector_load %arg9[%swap3A_226] {strides = array<i32>} : memref<1024xf32, #tpu.memory_space<vmem>>, vector<16xf32>,
      tpu.vector_store %arg9[%swap3A_226], %scan3A_34#23 {strides = array<i32>} : memref<1024xf32, #tpu.memory_space<vmem>>, vector<16xf32>,
      %add3A_228 = arith.constant 6 : i32
      %add3A_229 = arith.addi %mul3A_29, %add3A_228 : i32
      %mul3A_230 = arith.constant 64 : i32
      %mul3A_231 = arith.muli %add3A_229, %mul3A_230 : i32
      %add3A_232 = arith.constant 0 : i32
      %add3A_233 = arith.addi %mul3A_231, %add3A_232 : i32
      %swap3A_234 = arith.index_cast %add3A_233 : i32 to index
      %swap3A_235 = tpu.vector_load %arg9[%swap3A_234] {strides = array<i32>} : memref<1024xf32, #tpu.memory_space<vmem>>, vector<16xf32>,
      tpu.vector_store %arg9[%swap3A_234], %scan3A_34#24 {strides = array<i32>} : memref<1024xf32, #tpu.memory_space<vmem>>, vector<16xf32>,
      %add3A_236 = arith.constant 6 : i32
      %add3A_237 = arith.addi %mul3A_29, %add3A_236 : i32
      %mul3A_238 = arith.constant 64 : i32
      %mul3A_239 = arith.muli %add3A_237, %mul3A_238 : i32
      %add3A_240 = arith.constant 16 : i32
      %add3A_241 = arith.addi %mul3A_239, %add3A_240 : i32
      %swap3A_242 = arith.index_cast %add3A_241 : i32 to index
      %swap3A_243 = tpu.vector_load %arg9[%swap3A_242] {strides = array<i32>} : memref<1024xf32, #tpu.memory_space<vmem>>, vector<16xf32>,
      tpu.vector_store %arg9[%swap3A_242], %scan3A_34#25 {strides = array<i32>} : memref<1024xf32, #tpu.memory_space<vmem>>, vector<16xf32>,
      %add3A_244 = arith.constant 6 : i32
      %add3A_245 = arith.addi %mul3A_29, %add3A_244 : i32
      %mul3A_246 = arith.constant 64 : i32
      %mul3A_247 = arith.muli %add3A_245, %mul3A_246 : i32
      %add3A_248 = arith.constant 32 : i32
      %add3A_249 = arith.addi %mul3A_247, %add3A_248 : i32
      %swap3A_250 = arith.index_cast %add3A_249 : i32 to index
      %swap3A_251 = tpu.vector_load %arg9[%swap3A_250] {strides = array<i32>} : memref<1024xf32, #tpu.memory_space<vmem>>, vector<16xf32>,
      tpu.vector_store %arg9[%swap3A_250], %scan3A_34#26 {strides = array<i32>} : memref<1024xf32, #tpu.memory_space<vmem>>, vector<16xf32>,
      %add3A_252 = arith.constant 6 : i32
      %add3A_253 = arith.addi %mul3A_29, %add3A_252 : i32
      %mul3A_254 = arith.constant 64 : i32
      %mul3A_255 = arith.muli %add3A_253, %mul3A_254 : i32
      %add3A_256 = arith.constant 48 : i32
      %add3A_257 = arith.addi %mul3A_255, %add3A_256 : i32
      %swap3A_258 = arith.index_cast %add3A_257 : i32 to index
      %swap3A_259 = tpu.vector_load %arg9[%swap3A_258] {strides = array<i32>} : memref<1024xf32, #tpu.memory_space<vmem>>, vector<16xf32>,
      tpu.vector_store %arg9[%swap3A_258], %scan3A_34#27 {strides = array<i32>} : memref<1024xf32, #tpu.memory_space<vmem>>, vector<16xf32>,
      %add3A_260 = arith.constant 7 : i32
      %add3A_261 = arith.addi %mul3A_29, %add3A_260 : i32
      %mul3A_262 = arith.constant 64 : i32
      %mul3A_263 = arith.muli %add3A_261, %mul3A_262 : i32
      %add3A_264 = arith.constant 0 : i32
      %add3A_265 = arith.addi %mul3A_263, %add3A_264 : i32
      %swap3A_266 = arith.index_cast %add3A_265 : i32 to index
      %swap3A_267 = tpu.vector_load %arg9[%swap3A_266] {strides = array<i32>} : memref<1024xf32, #tpu.memory_space<vmem>>, vector<16xf32>,
      tpu.vector_store %arg9[%swap3A_266], %scan3A_34#28 {strides = array<i32>} : memref<1024xf32, #tpu.memory_space<vmem>>, vector<16xf32>,
      %add3A_268 = arith.constant 7 : i32
      %add3A_269 = arith.addi %mul3A_29, %add3A_268 : i32
      %mul3A_270 = arith.constant 64 : i32
      %mul3A_271 = arith.muli %add3A_269, %mul3A_270 : i32
      %add3A_272 = arith.constant 16 : i32
      %add3A_273 = arith.addi %mul3A_271, %add3A_272 : i32
      %swap3A_274 = arith.index_cast %add3A_273 : i32 to index
      %swap3A_275 = tpu.vector_load %arg9[%swap3A_274] {strides = array<i32>} : memref<1024xf32, #tpu.memory_space<vmem>>, vector<16xf32>,
      tpu.vector_store %arg9[%swap3A_274], %scan3A_34#29 {strides = array<i32>} : memref<1024xf32, #tpu.memory_space<vmem>>, vector<16xf32>,
      %add3A_276 = arith.constant 7 : i32
      %add3A_277 = arith.addi %mul3A_29, %add3A_276 : i32
      %mul3A_278 = arith.constant 64 : i32
      %mul3A_279 = arith.muli %add3A_277, %mul3A_278 : i32
      %add3A_280 = arith.constant 32 : i32
      %add3A_281 = arith.addi %mul3A_279, %add3A_280 : i32
      %swap3A_282 = arith.index_cast %add3A_281 : i32 to index
      %swap3A_283 = tpu.vector_load %arg9[%swap3A_282] {strides = array<i32>} : memref<1024xf32, #tpu.memory_space<vmem>>, vector<16xf32>,
      tpu.vector_store %arg9[%swap3A_282], %scan3A_34#30 {strides = array<i32>} : memref<1024xf32, #tpu.memory_space<vmem>>, vector<16xf32>,
      %add3A_284 = arith.constant 7 : i32
      %add3A_285 = arith.addi %mul3A_29, %add3A_284 : i32
      %mul3A_286 = arith.constant 64 : i32
      %mul3A_287 = arith.muli %add3A_285, %mul3A_286 : i32
      %add3A_288 = arith.constant 48 : i32
      %add3A_289 = arith.addi %mul3A_287, %add3A_288 : i32
      %swap3A_290 = arith.index_cast %add3A_289 : i32 to index
      %swap3A_291 = tpu.vector_load %arg9[%swap3A_290] {strides = array<i32>} : memref<1024xf32, #tpu.memory_space<vmem>>, vector<16xf32>,
      tpu.vector_store %arg9[%swap3A_290], %scan3A_34#31 {strides = array<i32>} : memref<1024xf32, #tpu.memory_space<vmem>>, vector<16xf32>,
      %scan3A_292 = arith.constant 0 : i32
      scf.yield %scan3A_292 : i32
    }
    %scan3A_17 = arith.constant 2 : i32
    %broadcast_in_dim3A = arith.constant 0.000000e+00 : f32
    %broadcast_in_dim3A_18 = vector.broadcast %broadcast_in_dim3A : f32 to vector<16xf32>
    %scan3A_19 = arith.constant 0 : i32
    %scan3A_20 = arith.constant 64 : i32
    %scan3A_21 = arith.addi %scan3A_19, %scan3A_20 : i32
    %scan3A_22 = arith.constant 1 : i32
    %scan3A_23 = scf.for %scan3A_26 = %scan3A_19 to %scan3A_21 step %scan3A_22 iter_args(%scan3A_27 = %broadcast_in_dim3A_18) -> (vector<16xf32>)  : i32 {
      %add3A_28 = arith.constant 0 : i32
      %add3A_29 = vector.broadcast %add3A_28 : i32 to vector<16xi32>
      %add3A_30 = arith.addi %add3A_29, %iota3A : vector<16xi32>
      %mul3A_31 = arith.constant 64 : i32
      %mul3A_32 = vector.broadcast %mul3A_31 : i32 to vector<16xi32>
      %mul3A_33 = arith.muli %add3A_30, %mul3A_32 : vector<16xi32>
      %add3A_34 = vector.broadcast %scan3A_26 : i32 to vector<16xi32>
      %add3A_35 = arith.addi %mul3A_33, %add3A_34 : vector<16xi32>
      %gather3A = tpu.vector_load_idx %arg9[%add3A_35] : memref<1024xf32, #tpu.memory_space<vmem>>[vector<16xi32>], vector<16xf32>,
      %exp3A = math.exp %gather3A : vector<16xf32>
      %add3A_36 = arith.addf %scan3A_27, %exp3A : vector<16xf32>
      scf.yield %add3A_36 : vector<16xf32>
    }
    %scan3A_24 = arith.constant 64 : i32
    %swap3A = arith.constant 0 : index
    %swap3A_25 = tpu.vector_load %arg10[%swap3A] {strides = array<i32>} : memref<16xf32, #tpu.memory_space<vmem>>, vector<16xf32>,
    tpu.vector_store %arg10[%swap3A], %scan3A_23 {strides = array<i32>} : memref<16xf32, #tpu.memory_space<vmem>>, vector<16xf32>,
    "tpu.region"() ({
      %run_scoped3A = tpu.sem_alloc : memref<!tpu.dma_semaphore, #tpu.memory_space<semaphore_mem>>
      %dma_start3A = tpu.memref_slice %arg5[%mul3A_2] : memref<512xf32, #tpu.memory_space<hbm>> -> memref<16xf32, #tpu.memory_space<hbm>>
      %dma_start3A_26 = tpu.memref_slice %arg5[%mul3A_2] : memref<512xf32, #tpu.memory_space<hbm>> -> memref<16xf32, #tpu.memory_space<hbm>>
      tpu.enqueue_dma source(%arg10 : memref<16xf32, #tpu.memory_space<vmem>>) target(%dma_start3A_26 : memref<16xf32, #tpu.memory_space<hbm>>) target_semaphore(%run_scoped3A : memref<!tpu.dma_semaphore, #tpu.memory_space<semaphore_mem>>)
      %dma_wait3A = tpu.memref_slice %arg5[%mul3A_2] : memref<512xf32, #tpu.memory_space<hbm>> -> memref<16xf32, #tpu.memory_space<hbm>>
      %dma_wait3A_27 = tpu.memref_slice %arg5[%mul3A_2] : memref<512xf32, #tpu.memory_space<hbm>> -> memref<16xf32, #tpu.memory_space<hbm>>
      tpu.wait_dma2 semaphore(%run_scoped3A : memref<!tpu.dma_semaphore, #tpu.memory_space<semaphore_mem>>) src(%arg10 : memref<16xf32, #tpu.memory_space<vmem>>) dst(%dma_wait3A_27 : memref<16xf32, #tpu.memory_space<hbm>>)
      tpu.yield
    }) : () -> ()
    return
  }
}

module attributes {stable_mosaic.version = 14 : i64} {
  func.func @_prep_body(%arg0: memref<2x64x256xf32, #tpu.memory_space<vmem>>, %arg1: memref<256x64xf32, #tpu.memory_space<vmem>>, %arg2: memref<64xf32, #tpu.memory_space<vmem>>) attributes {dimension_semantics = [], scalar_prefetch = 0 : i64, scratch_operands = 0 : i64, tpu.core_type = #tpu.core_type<tc>} {
    %get3A = arith.constant 0 : index
    %get3A_0 = arith.constant 0 : index
    %get3A_1 = arith.constant 0 : index
    %get3A_2 = vector.load %arg0[%get3A, %get3A_0, %get3A_1] : memref<2x64x256xf32, #tpu.memory_space<vmem>>, vector<2x64x256xf32>
    %slice3A = vector.extract_strided_slice %get3A_2 {offsets = [0, 0, 0], sizes = [1, 64, 256], strides = [1, 1, 1]} : vector<2x64x256xf32> to vector<1x64x256xf32>
    %squeeze3A = vector.shape_cast %slice3A : vector<1x64x256xf32> to vector<64x256xf32>
    %log3A = math.log %squeeze3A : vector<64x256xf32>
    %slice3A_3 = vector.extract_strided_slice %get3A_2 {offsets = [1, 0, 0], sizes = [1, 64, 256], strides = [1, 1, 1]} : vector<2x64x256xf32> to vector<1x64x256xf32>
    %squeeze3A_4 = vector.shape_cast %slice3A_3 : vector<1x64x256xf32> to vector<64x256xf32>
    %log3A_5 = math.log %squeeze3A_4 : vector<64x256xf32>
    %sub3A = arith.subf %log3A_5, %log3A : vector<64x256xf32>
    %transpose3A = tpu.transpose %sub3A, [1, 0] : vector<64x256xf32> -> vector<256x64xf32>
    %swap3A = arith.constant 0 : index
    %swap3A_6 = arith.constant 0 : index
    %swap3A_7 = vector.load %arg1[%swap3A, %swap3A_6] : memref<256x64xf32, #tpu.memory_space<vmem>>, vector<256x64xf32>
    tpu.vector_store %arg1[%swap3A, %swap3A_6], %transpose3A {strides = array<i32>} : memref<256x64xf32, #tpu.memory_space<vmem>>, vector<256x64xf32>,
    %reduce_sum3A = arith.constant dense<0.000000e+00> : vector<64xf32>
    %reduce_sum3A_8 = vector.multi_reduction <add>, %log3A, %reduce_sum3A [1] : vector<64x256xf32> to vector<64xf32>
    %swap3A_9 = arith.constant 0 : index
    %swap3A_10 = vector.load %arg2[%swap3A_9] : memref<64xf32, #tpu.memory_space<vmem>>, vector<64xf32>
    tpu.vector_store %arg2[%swap3A_9], %reduce_sum3A_8 {strides = array<i32>} : memref<64xf32, #tpu.memory_space<vmem>>, vector<64xf32>,
    return
  }
}

module attributes {stable_mosaic.version = 14 : i64} {
  func.func @_tc_body(%arg0: i32, %arg1: memref<3584x256xi32, #tpu.memory_space<vmem>>, %arg2: memref<256x64xf32, #tpu.memory_space<vmem>>, %arg3: memref<64x1xf32, #tpu.memory_space<vmem>>, %arg4: memref<3584xf32, #tpu.memory_space<vmem>>) attributes {dimension_semantics = [#tpu.dimension_semantics<arbitrary>], iteration_bounds = array<i64: 1>, scalar_prefetch = 0 : i64, scratch_operands = 0 : i64, tpu.core_type = #tpu.core_type<tc>, window_params = [{transform_indices = @transform_0, window_bounds = array<i64: 3584, 256>}, {pipeline_mode = #tpu.pipeline_mode<synchronous>, transform_indices = @transform_1, window_bounds = array<i64: 256, 64>}, {pipeline_mode = #tpu.pipeline_mode<synchronous>, transform_indices = @transform_2, window_bounds = array<i64: 64, 1>}, {transform_indices = @transform_3, window_bounds = array<i64: 3584>}]} {
    %get3A = arith.constant 0 : index
    %get3A_0 = arith.constant 0 : index
    %get3A_1 = vector.load %arg1[%get3A, %get3A_0] : memref<3584x256xi32, #tpu.memory_space<vmem>>, vector<3584x256xi32>
    %convert_element_type3A = arith.sitofp %get3A_1 : vector<3584x256xi32> to vector<3584x256xf32>
    %get3A_2 = arith.constant 0 : index
    %get3A_3 = arith.constant 0 : index
    %get3A_4 = vector.load %arg2[%get3A_2, %get3A_3] : memref<256x64xf32, #tpu.memory_space<vmem>>, vector<256x64xf32>
    %dot_general3A = arith.constant dense<0.000000e+00> : vector<64x3584xf32>
    %dot_general3A_5 = tpu.matmul %get3A_4, %convert_element_type3A, %dot_general3A {dimension_numbers = #tpu.dot_dimension_numbers<[0], [1], [1], [0], [0, 1, 1, 0], [], []>, transpose_lhs_hint = false} : vector<256x64xf32>, vector<3584x256xf32>, vector<64x3584xf32> -> vector<64x3584xf32>
    %get3A_6 = arith.constant 0 : index
    %get3A_7 = arith.constant 0 : index
    %get3A_8 = vector.load %arg3[%get3A_6, %get3A_7] : memref<64x1xf32, #tpu.memory_space<vmem>>, vector<64x1xf32>
    %add3A = vector.broadcast %get3A_8 : vector<64x1xf32> to vector<64x3584xf32>
    %add3A_9 = arith.addf %dot_general3A_5, %add3A : vector<64x3584xf32>
    %exp3A = math.exp %add3A_9 : vector<64x3584xf32>
    %reduce_sum3A = arith.constant dense<0.000000e+00> : vector<3584xf32>
    %reduce_sum3A_10 = vector.multi_reduction <add>, %exp3A, %reduce_sum3A [0] : vector<64x3584xf32> to vector<3584xf32>
    %swap3A = arith.constant 0 : index
    %swap3A_11 = vector.load %arg4[%swap3A] : memref<3584xf32, #tpu.memory_space<vmem>>, vector<3584xf32>
    tpu.vector_store %arg4[%swap3A], %reduce_sum3A_10 {strides = array<i32>} : memref<3584xf32, #tpu.memory_space<vmem>>, vector<3584xf32>,
    return
  }
  func.func @transform_0(%arg0: i32) -> (i32, i32) {
    %c0_i32 = arith.constant 0 : i32
    %c0_i32_0 = arith.constant 0 : i32
    return %arg0, %c0_i32 : i32, i32
  }
  func.func @transform_1(%arg0: i32) -> (i32, i32) {
    %c0_i32 = arith.constant 0 : i32
    %c0_i32_0 = arith.constant 0 : i32
    %c0_i32_1 = arith.constant 0 : i32
    return %c0_i32, %c0_i32_0 : i32, i32
  }
  func.func @transform_2(%arg0: i32) -> (i32, i32) {
    %c0_i32 = arith.constant 0 : i32
    %c0_i32_0 = arith.constant 0 : i32
    %c0_i32_1 = arith.constant 0 : i32
    return %c0_i32, %c0_i32_0 : i32, i32
  }
  func.func @transform_3(%arg0: i32) -> i32 {
    %c0_i32 = arith.constant 0 : i32
    return %arg0 : i32
  }
}

</mosaic_0001>

<sc_bundles>
// kernel: kernel.5.cloned.1.call-start
scs
__scs_entry_jumppad:
0x0: {  	(pc) =	sbr.rel $0x88, $3  }
0x1: {  	(tag) =	ssettag $0x0;
	lr =	simm.s32 $0x1  }
0x2: {  	[smem:$0x3F9F] =	sst lr;
	_ =	strace $0xD0000000  }
0x3: {  	_ = 	snop  }
0x4: {  	_ = 	snop  }
0x5: {  	_ = 	snop  }
0x6: {  	_ = 	snop  }
0x7: {  	_ = 	snop  }
__scs_overlays_trampoline_lowered:
0x8: {  	[smem:$0x3FAE] =	sst s0  }
0x9: {  	[smem:$0x3FAF] =	sst s1  }
0xa: {  	[smem:$0x3FB0] =	sst s2  }
0xb: {  	[smem:$0x3FB1] =	sst s3  }
0xc: {  	[smem:$0x3FB2] =	sst s4  }
0xd: {  	[smem:$0x3FB3] =	sst s5  }
0xe: {  	[smem:$0x3FB4] =	sst s6  }
0xf: {  	[smem:$0x3FB5] =	sst s7  }
0x10: {  	[smem:$0x3FB6] =	sst s8  }
0x11: {  	[smem:$0x3FB7] =	sst s9;
	s0 =	simm.s32 @!p0 $0x0  }
0x12: {  	s1 =	sld [smem:$0x3F9D];
	s0 =	simm.s32 @p0 $0x1  }
0x13: {  	[smem:$0x3FB8] =	sst s0;
	s0 =	simm.s32 @!p1 $0x0  }
0x14: {  	s2 =	sld [smem:$0x3F9C];
	s0 =	simm.s32 @p1 $0x1  }
0x15: {  	[smem:$0x3FB9] =	sst s0;
	s0 =	simm.s32 @!p2 $0x0  }
0x16: {  	s3 =	sld [smem:$0x3FDB];
	s0 =	simm.s32 @p2 $0x1  }
0x17: {  	s4 =	simm.s32 $0x1BF5;
	[smem:$0x3FBB] =	sst s0  }
0x18: {  	s0 =	sld [smem:$0x3F9E];
	_ =	swait.ge [sflag:s4], $0x0  }
0x19: {  	s7 =	sld [smem:$0x3F9F]  }
0x1a: {  	s8 =	sadd.s32 $0xFFFFE003, lr  }
0x1b: {  	s9 =	sadd.s32 $0xFFFFFEF7, lr;
	s5 =	simm.s32 $0xFFFFFFFF;
	p2 =	slt.u32 s8, $0xFFFFF086  }
0x1c: {  	p1 =	slt.u32 s9, $0xF7A;
	s5 =	simm.s32 @!p2 $0x0  }
0x1d: {  	s5 =	simm.s32 @p1 $0x1;
	p0 =	seq.s32 s7, s2  }
0x1e: {  	s7 =	smul.u32 @!p0 $0xF7A, s2;
	p2 =	seq.s32 @!p0 s5, $0x0  }
0x1f: {  	s9 =	smul.u32 $0xF7A, s1;
	s8 =	simm.s32 @!p0 $0x1BF5;
	p2 =	por !p2, p0  }
0x20: {  	[sflag:s8] =	ssyncset.s32 @!p0 $0xFFFFF086;
	s6 =	sadd.s32 @!p0 s3, s7;
	s7 =	simm.s32 @!p0 $0x108  }
0x21: {  	s3 =	sadd.s32 s3, s9;
	s6 =	sadd.s32 @!p0 $0x88, s6;
	s7 =	simm.s32 @p2 $0x1082  }
0x22: {  	[simem:s7], [sflag:s8] =	dma.local @!p0 [hbm:s6], $0xF7A  }
0x23: {  	s9 =	sor.u32 $0xD0000000, s2;
	s6 =	simm.s32 $0x108;
	_ =	swait.ge @!p0 [sflag:s8], $0x0  }
0x24: {  	s3 =	sadd.s32 $0x88, s3;
	s6 =	simm.s32 @!p1 $0x1082;
	[sflag:s4] =	ssyncset.s32 $0xFFFFF086  }
0x25: {  	[simem:s6], [sflag:s4] =	dma.local [hbm:s3], $0xF7A  }
0x26: {  	[smem:$0x3F9F] =	sst s1;
	(tag) =	ssettag s2;
	_ =	strace s9  }
0x27: {  	s1 =	sld [smem:$0x3FAF]  }
0x28: {  	s2 =	sld [smem:$0x3FB0]  }
0x29: {  	s4 =	sld [smem:$0x3FB2]  }
0x2a: {  	p0 =	seq.s32 s5, $0x0;
	s5 =	sld [smem:$0x3FB3]  }
0x2b: {  	s6 =	sld [smem:$0x3FB4]  }
0x2c: {  	s7 =	sld [smem:$0x3FB5]  }
0x2d: {  	s3 =	simm.s32 $0x108;
	s8 =	sld [smem:$0x3FB6]  }
0x2e: {  	s3 =	simm.s32 @!p0 $0x1082;
	s9 =	sld [smem:$0x3FB7]  }
0x2f: {  	lr =	sadd.s32 s0, s3;
	s0 =	sld [smem:$0x3FAE]  }
0x30: {  	s3 =	sld [smem:$0x3FB1]  }
0x31: {  	[smem:$0x3FBA] =	sst s10  }
0x32: {  	s10 =	sld [smem:$0x3FB8];
	_ =	sdelay $0x3  }
0x33: {  	p0 =	seq.s32 s10, $0x1;
	s10 =	sld [smem:$0x3FBA];
	_ =	sdelay $0x3  }
0x34: {  	[smem:$0x3FBA] =	sst s10  }
0x35: {  	s10 =	sld [smem:$0x3FB9];
	_ =	sdelay $0x3  }
0x36: {  	p1 =	seq.s32 s10, $0x1;
	s10 =	sld [smem:$0x3FBA];
	_ =	sdelay $0x3  }
0x37: {  	[smem:$0x3FBA] =	sst s10  }
0x38: {  	s10 =	sld [smem:$0x3FBB]  }
0x39: {  	_ = 	snop;
	(pc) =	sbr.ind lr, $3  }
0x3a: {  	_ = 	snop  }
0x3b: {  	_ = 	snop  }
0x3c: {  	p2 =	seq.s32 s10, $0x1;
	s10 =	sld [smem:$0x3FBA]  }
0x3d: {  	_ =	shalt  }
0x3e: {  	_ =	shalt  }
0x3f: {  	_ =	shalt  }
0x40: {  	_ =	shalt  }
0x41: {  	_ =	shalt  }
0x42: {  	_ =	shalt  }
0x43: {  	_ =	shalt  }
0x44: {  	_ =	shalt  }
0x45: {  	_ =	shalt  }
0x46: {  	_ =	shalt  }
0x47: {  	_ =	shalt  }
0x48: {  	_ =	shalt  }
0x49: {  	_ =	shalt  }
0x4a: {  	_ =	shalt  }
0x4b: {  	_ =	shalt  }
0x4c: {  	_ =	shalt  }
0x4d: {  	_ =	shalt  }
0x4e: {  	_ =	shalt  }
0x4f: {  	_ =	shalt  }
0x50: {  	_ =	shalt  }
0x51: {  	_ =	shalt  }
0x52: {  	_ =	shalt  }
0x53: {  	_ =	shalt  }
0x54: {  	_ =	shalt  }
0x55: {  	_ =	shalt  }
0x56: {  	_ =	shalt  }
0x57: {  	_ =	shalt  }
0x58: {  	_ =	shalt  }
0x59: {  	_ =	shalt  }
0x5a: {  	_ =	shalt  }
0x5b: {  	_ =	shalt  }
0x5c: {  	_ =	shalt  }
0x5d: {  	_ =	shalt  }
0x5e: {  	_ =	shalt  }
0x5f: {  	_ =	shalt  }
0x60: {  	_ =	shalt  }
0x61: {  	_ =	shalt  }
0x62: {  	_ =	shalt  }
0x63: {  	_ =	shalt  }
0x64: {  	_ =	shalt  }
0x65: {  	_ =	shalt  }
0x66: {  	_ =	shalt  }
0x67: {  	_ =	shalt  }
0x68: {  	_ =	shalt  }
0x69: {  	_ =	shalt  }
0x6a: {  	_ =	shalt  }
0x6b: {  	_ =	shalt  }
0x6c: {  	_ =	shalt  }
0x6d: {  	_ =	shalt  }
0x6e: {  	_ =	shalt  }
0x6f: {  	_ =	shalt  }
0x70: {  	_ =	shalt  }
0x71: {  	_ =	shalt  }
0x72: {  	_ =	shalt  }
0x73: {  	_ =	shalt  }
0x74: {  	_ =	shalt  }
0x75: {  	_ =	shalt  }
0x76: {  	_ =	shalt  }
0x77: {  	_ =	shalt  }
0x78: {  	_ =	shalt  }
0x79: {  	_ =	shalt  }
0x7a: {  	_ =	shalt  }
0x7b: {  	_ =	shalt  }
0x7c: {  	_ =	shalt  }
0x7d: {  	_ =	shalt  }
0x7e: {  	_ =	shalt  }
0x7f: {  	_ =	shalt  }
0x80: {  	_ =	shalt  }
0x81: {  	_ =	shalt  }
0x82: {  	_ =	shalt  }
0x83: {  	_ =	shalt  }
0x84: {  	_ =	shalt  }
0x85: {  	_ =	shalt  }
0x86: {  	_ =	shalt  }
0x87: {  	_ =	shalt  }
.Lfunc_end0:
.L_simem_size_0:
called_computation_lowered:
.L_overlay_start_0:
0x88: {  	s2 =	sld [smem:$0x3FD9]  }
0x89: {  	s3 =	sld [smem:$0x3FFE];
	_ =	sdelay $0x1  }
0x8a: {  	s1 =	srdreg.scid  }
0x8b: {  	s0 =	sand.u32 $0x1, s1  }
0x8c: {  	s17 =	sshll.u32 s0, $0xA;
	s2 =	sadd.s32 s3, s2  }
0x8d: {  	s2 =	sadd.s32 s2, s17  }
0x8e: {  	[smem:$0x3FC6] =	sst s2  }
0x8f: {  	_ = 	snop  }
0x90: {  	s2 =	sld [smem:$0x3FD0];
	(tm) =	ssettm $0x1  }
0x91: {  	s18 =	sld [smem:$0x3FFB];
	_ =	sdelay $0x3  }
0x92: {  	_ =	strace s18  }
0x93: {  	s3 =	sld [smem:$0x3FFC];
	_ =	sdelay $0x3  }
0x94: {  	_ =	strace s3  }
0x95: {  	s3 =	sld [smem:$0x3FFD];
	_ =	sdelay $0x3  }
0x96: {  	_ =	strace s3  }
0x97: {  	_ =	strace $0x8FFFFFFF  }
0x98: {  	s19 =	sld [smem:$0x3FDB];
	_ =	sdelay $0x1  }
0x99: {  	s4 =	simm.s32 $_scs_section_size  }
0x9a: {  	s5 =	simm.s32 $_size__tile_overlayer_lowered;
	s6 =	simm.s32 $_tile_overlayer_lowered  }
0x9b: {  	s22 =	simm.s32 $0x1BFF;
	s21 =	sshll.u32 s6, $0x1;
	s3 =	sadd.s32 s4, s19  }
0x9c: {  	s7 =	simm.s32 $0x0;
	s20 =	sshll.u32 s5, $0x1;
	s5 =	sadd.s32 s21, s3  }
0x9d: {  	[timem:s7], [sflag:s22] =	dma.local [hbm:s5], s20  }
0x9e: {  	_ =	swait.ge [sflag:s22], s20  }
0x9f: {  	s4 =	ssub.s32 $0x0, s20;
	[sflag:s22] =	ssyncset.done $0x0  }
0xa0: {  	[sflag:s22] =	ssyncadd.s32 s4;
	_ =	sdelay $0x1  }
0xa1: {  	s23 =	simm.s32 $0x1B8B  }
0xa2: {  	_ =	swait.ge [sflag:s23], $0x1  }
0xa3: {  	[sflag:s23] =	ssyncset.done $0x0  }
0xa4: {  	s25 =	simm.s32 $0x1B8E;
	s24 =	sld [smem:$0x3FFE];
	[sflag:s23] =	ssyncadd.s32 $0xFFFFFFFF  }
0xa5: {  	s26 =	simm.s32 $execute0_lowered;
	[smem:$0x3FD2] =	sst s25  }
0xa6: {  	s5 =	sshll.u32 s26, $0x1;
	_ =	strace $0x80000046;
	[dreg:$0x1] =	wrdreg $0xFFFFFFFF  }
0xa7: {  	s28 =	simm.s32 $_size_execute0_lowered;
	s3 =	sadd.s32 s3, s5;
	[dreg:$0x0] =	wrdreg $0x0  }
0xa8: {  	s5 =	sshll.u32 s28, $0x1;
	[dreg:$0x2] =	wrdreg s3  }
0xa9: {  	[dreg:$0x3] =	wrdreg s5  }
0xaa: {  	[dreg:$0x4] =	wrdreg $0xC0  }
0xab: {  	_ =	task [dreg:s7], $0x5FFFF  }
0xac: {  	[dreg:$0x1] =	wrdreg $0xFFFFFFFF  }
0xad: {  	[dreg:$0x0] =	wrdreg $0x60  }
0xae: {  	[dreg:$0x2] =	wrdreg s24  }
0xaf: {  	[dreg:$0x3] =	wrdreg s2  }
0xb0: {  	[dreg:$0x4] =	wrdreg $0x9  }
0xb1: {  	_ =	task.clear_ibuf [dreg:s7], $0x5FFFF;
	_ =	strace $0x90000046  }
0xb2: {  	s29 =	simm.s32 $0x9;
	_ =	strace $0x80000048  }
0xb3: {  	_ =	swait.ge [sflag:s29], $0x1  }
0xb4: {  	[sflag:s29] =	ssyncadd.s32 $0xFFFFFFFF  }
0xb5: {  	_ =	strace $0x90000048  }
0xb6: {  	_ =	sfence  }
0xb7: {  	s30 =	sld [smem:$0x0];
	_ =	sdelay $0x2  }
0xb8: {  	s31 =	sshll.u32 s1, $0xD;
	s1 =	sshrl.u32 s1, $0x2  }
0xb9: {  	s3 =	sand.u32 $0x4000, s31;
	s1 =	sadd.s32 s1, s30  }
0xba: {  	s0 =	sor.u32 s3, s0;
	s1 =	sshll.u32 s1, $0x11  }
0xbb: {  	s0 =	sor.u32 s1, s0  }
0xbc: {  	s0 =	sadd.s32 $0x8F2B, s0  }
0xbd: {  	[sflag:s0] =	ssyncadd.remote.s32 $0x1  }
0xbe: {  	_ =	sfence.sel $0xFFFF  }
0xbf: {  	[dreg:$0x0] =	wrdreg $0xFFFFFFFF;
	(pc) =	sbr.abs _section_cstart, $3  }
0xc0: {  	[dreg:$0x1] =	wrdreg $0xFFFFFFFF  }
0xc1: {  	_ =	task.clear_ibuf [dreg:s7], $0x2FFFF;
	_ =	strace $0x9FFFFFFF  }
0xc2: {  	(tm) =	ssettm $0x7FFFFFFF  }
0xc3: {  	_ =	shalt  }
tec
execute0_lowered:
.L_overlay_start_1:
0x0: {  	(tag) =	ssettag $0x1  }
0x1: {  	s5 =	rddreg [dreg:$0x0]  }
0x2: {  	s2 =	rddreg [dreg:$0x1]  }
0x3: {  	s0 =	rddreg [dreg:$0x2];
	s4 =	srdreg.scid  }
0x4: {  	s1 =	stileid.u32;
	s3 =	simm.s32 $0x0;
	s10 =	simm.s32 $0x5000  }
0x5: {  	s11 =	simm.s32 $0x5080;
	s12 =	simm.s32 $0x5480;
	s13 =	simm.s32 $0x0  }
0x6: {  	s4 =	sand.u32 $0x1, s4;
	s6 =	sshll.u32 s1, $0x1;
	[smem:$0x7FF] =	sst s3  }
0x7: {  	s6 =	sor.u32 s4, s6;
	_ =	strace $0x80000047;
	s8 =	ssub.s32 $0x2, s4  }
0x8: {  	s4 =	sadd.s32 $0xE00, s5;
	s7 =	sshll.u32 s6, $0x9;
	s6 =	sshll.u32 s6, $0x1  }
0x9: {  	v0 =	vlaneseq.u32;
	s9 =	sshrl.u32 s8, $0x1;
	s7 =	sadd.s32 s7, s5;
	s6 =	sadd.s32 s6, s5  }
0xa: {  	v0 =	vmul.u32 $0x40, v0;
	s8 =	ssub.s32 s8, s9;
	s9 =	simm.s32 $0x1000;
	s5 =	sadd.s32 $0x1600, s7  }
0xb: {  	s6 =	sadd.s32 $0x5600, s6;
	s7 =	smax.u32 s8, $0x1;
	s8 =	simm.s32 $0x1  }
.LBB2_1:
0xc: {  	[tilespmem:s3], [sflag:$0x1] =	stream.linear.gather [hbm4b:s5+s3], $0x1000, $0x38;
	[tilespmem:$0x5500] =	vst v63  }
0xd: {  	_ =	swait.ge [sflag:s8], $0x1000  }
0xe: {  	[sflag:s8] =	ssyncset.done $0x0  }
0xf: {  	[sflag:s8] =	ssyncadd.s32 $0xFFFFF000  }
0x10: {  	[tilespmem:s9], [sflag:$0x1] =	stream.linear.gather [hbm4b:s4+s3], $0x4000, $0x38;
	[tilespmem:$0x5500] =	vst v63  }
0x11: {  	_ =	swait.ge [sflag:s8], $0x4000  }
0x12: {  	[sflag:s8] =	ssyncset.done $0x0  }
0x13: {  	[sflag:s8] =	ssyncadd.s32 $0xFFFFC000  }
0x14: {  	[tilespmem:s10], [sflag:$0x1] =	stream.linear.gather [hbm4b:s2+s3], $0x80, $0x38;
	[tilespmem:$0x5500] =	vst v63  }
0x15: {  	_ =	swait.ge [sflag:s8], $0x80  }
0x16: {  	[sflag:s8] =	ssyncset.done $0x0  }
0x17: {  	[sflag:s8] =	ssyncadd.s32 $0xFFFFFF80  }
0x18: {  	v1 =	vld [tilespmem:$0x5000]  }
0x19: {  	v2 =	vld [tilespmem:$0x5010]  }
0x1a: {  	v3 =	vld [tilespmem:$0x5020]  }
0x1b: {  	p1 =	por $0x1, $0x1;
	s14 =	simm.s32 $0x0;
	v4 =	vld [tilespmem:$0x5030]  }
.LBB2_2:
0x1c: {  	_ = 	snop  }
0x1d: {  	v16 =	vmov v1;
	v20 =	vmov v1  }
0x1e: {  	v24 =	vmovc v1;
	v28 =	vmovc v1;
	v32 =	vmov v1;
	v36 =	vmov v1;
	v40 =	vmov v1  }
0x1f: {  	v44 =	vmovc v1;
	v15 =	vmovc v2;
	v19 =	vmov v2;
	v23 =	vmov v2;
	v27 =	vmov v2  }
0x20: {  	v31 =	vmovc v2;
	v35 =	vmovc v2;
	v39 =	vmov v2;
	v43 =	vmov v2;
	v14 =	vmov v3  }
0x21: {  	s15 =	sshll.u32 s14, $0xB;
	v18 =	vmovc v3;
	v22 =	vmovc v3;
	v26 =	vmov v3;
	v30 =	vmov v3;
	v34 =	vmov v3  }
0x22: {  	p0 =	por p1, p1;
	s15 =	sand.u32 $0x3FFFF800, s15;
	v38 =	vmovc v3;
	v42 =	vmovc v3;
	v13 =	vmov v4;
	v17 =	vmov v4;
	v21 =	vmov v4  }
0x23: {  	s16 =	simm.s32 $0x1200;
	[dreg:$0x3] =	wrdreg s15;
	s15 =	simm.s32 $0x0;
	v25 =	vmovc v4;
	v29 =	vmovc v4;
	v33 =	vmov v4;
	v37 =	vmov v4;
	v41 =	vmov v4  }
.LBB2_3:
0x24: {  	s17 =	rddreg [dreg:$0x3];
	s18 =	sand.u32 $0x80, s15  }
0x25: {  	s19 =	sand.u32 $0x70, s15;
	s17 =	sadd.s32 s18, s17  }
0x26: {  	s17 =	sadd.s32 s19, s17  }
0x27: {  	v5 =	vld [tilespmem:s17+$0x0]  }
0x28: {  	v6 =	vld [tilespmem:s17+$0x100]  }
0x29: {  	v7 =	vld [tilespmem:s17+$0x200]  }
0x2a: {  	v8 =	vld [tilespmem:s17+$0x300]  }
0x2b: {  	v45 =	vld [tilespmem:s17+$0x400]  }
0x2c: {  	v46 =	vld [tilespmem:s17+$0x500]  }
0x2d: {  	v47 =	vld [tilespmem:s17+$0x600]  }
0x2e: {  	v48 =	vld [tilespmem:s17+$0x700]  }
0x2f: {  	v49 =	vld [tilespmem:s16+$0xFFFFFE00];
	v12 =	vcvt.s32.f32 v5  }
0x30: {  	v50 =	vld [tilespmem:s16+$0xFFFFFE10];
	v11 =	vcvt.s32.f32 v6;
	v10 =	vcvt.s32.f32 v7  }
0x31: {  	v51 =	vld [tilespmem:s16+$0xFFFFFE20];
	v9 =	vcvt.s32.f32 v8;
	v8 =	vcvt.s32.f32 v45  }
0x32: {  	v7 =	vcvt.s32.f32 v46;
	v6 =	vcvt.s32.f32 v47  }
0x33: {  	v45 =	vld [tilespmem:s16+$0xFFFFFE30];
	v5 =	vcvt.s32.f32 v48;
	v58 =	vbroadcast v12, $0x0  }
0x34: {  	v53 =	vbroadcast v11, $0x0;
	v56 =	vbroadcast v10, $0x0  }
0x35: {  	v54 =	vbroadcast v5, $0x0;
	v59 =	vmul.f32 v49, v58  }
0x36: {  	v60 =	vmul.f32 v50, v58;
	v52 =	vmul.f32 v51, v58  }
0x37: {  	v61 =	vmul.f32 v49, v53;
	v62 =	vmul.f32 v50, v53  }
0x38: {  	v63 =	vmul.f32 v51, v53;
	v46 =	vmul.f32 v45, v58;
	v44 =	vadd.f32 v59, v44  }
0x39: {  	v57 =	vmul.f32 v45, v53;
	v43 =	vadd.f32 v60, v43;
	v42 =	vadd.f32 v52, v42  }
0x3a: {  	v58 =	vmul.f32 v49, v56;
	v40 =	vadd.f32 v61, v40;
	v39 =	vadd.f32 v62, v39  }
0x3b: {  	v38 =	vadd.f32 v63, v38;
	v59 =	vmul.f32 v50, v56;
	v60 =	vmul.f32 v51, v56  }
0x3c: {  	v61 =	vbroadcast v9, $0x0;
	v62 =	vmul.f32 v45, v56;
	v41 =	vadd.f32 v46, v41  }
0x3d: {  	v37 =	vadd.f32 v57, v37;
	v36 =	vadd.f32 v58, v36;
	v58 =	vbroadcast v8, $0x0  }
0x3e: {  	v35 =	vadd.f32 v59, v35;
	v63 =	vmul.f32 v49, v61;
	v56 =	vmul.f32 v50, v61  }
0x3f: {  	v34 =	vadd.f32 v60, v34;
	v57 =	vmul.f32 v51, v61;
	v59 =	vmul.f32 v45, v61  }
0x40: {  	v33 =	vadd.f32 v62, v33;
	v60 =	vmul.f32 v49, v58;
	v61 =	vmul.f32 v50, v58  }
0x41: {  	v62 =	vmul.f32 v51, v58;
	v55 =	vmul.f32 v45, v58;
	v32 =	vadd.f32 v63, v32  }
0x42: {  	v31 =	vadd.f32 v56, v31;
	v30 =	vadd.f32 v57, v30;
	v63 =	vbroadcast v7, $0x0  }
0x43: {  	v29 =	vadd.f32 v59, v29;
	v59 =	vbroadcast v6, $0x0;
	v28 =	vadd.f32 v60, v28  }
0x44: {  	v27 =	vadd.f32 v61, v27;
	v26 =	vadd.f32 v62, v26;
	v56 =	vmul.f32 v49, v63  }
0x45: {  	v25 =	vadd.f32 v55, v25;
	v57 =	vmul.f32 v50, v63;
	v58 =	vmul.f32 v51, v63  }
0x46: {  	v60 =	vmul.f32 v45, v63;
	v61 =	vmul.f32 v49, v59;
	v24 =	vadd.f32 v56, v24  }
0x47: {  	v53 =	vld [tilespmem:s16+$0xFFFFFE40];
	v62 =	vmul.f32 v50, v59;
	v23 =	vadd.f32 v57, v23;
	v22 =	vadd.f32 v58, v22  }
0x48: {  	v55 =	vld [tilespmem:s16+$0xFFFFFE50];
	v63 =	vmul.f32 v51, v59;
	v21 =	vadd.f32 v60, v21;
	v20 =	vadd.f32 v61, v20  }
0x49: {  	v48 =	vld [tilespmem:s16+$0xFFFFFE60];
	v19 =	vadd.f32 v62, v19;
	v57 =	vmul.f32 v45, v59;
	v58 =	vmul.f32 v54, v49  }
0x4a: {  	v18 =	vadd.f32 v63, v18;
	v59 =	vmul.f32 v50, v54;
	v60 =	vmul.f32 v51, v54  }
0x4b: {  	v61 =	vbroadcast v12, $0x1;
	v45 =	vmul.f32 v45, v54;
	v17 =	vadd.f32 v57, v17  }
0x4c: {  	v54 =	vbroadcast v11, $0x1;
	v16 =	vadd.f32 v58, v16;
	v15 =	vadd.f32 v59, v15  }
0x4d: {  	v50 =	vld [tilespmem:s16+$0xFFFFFE70];
	v14 =	vadd.f32 v60, v14;
	v62 =	vmul.f32 v53, v61;
	v63 =	vmul.f32 v55, v61  }
0x4e: {  	v13 =	vadd.f32 v45, v13;
	v52 =	vmul.f32 v48, v61;
	v57 =	vmul.f32 v53, v54  }
0x4f: {  	v58 =	vmul.f32 v55, v54;
	v60 =	vbroadcast v10, $0x1;
	v44 =	vadd.f32 v62, v44  }
0x50: {  	v59 =	vmul.f32 v48, v54;
	v43 =	vadd.f32 v63, v43;
	v42 =	vadd.f32 v52, v42  }
0x51: {  	v40 =	vadd.f32 v57, v40;
	v62 =	vmul.f32 v53, v60;
	v63 =	vmul.f32 v55, v60  }
0x52: {  	v39 =	vadd.f32 v58, v39;
	v52 =	vmul.f32 v48, v60;
	v56 =	vmul.f32 v50, v61  }
0x53: {  	v38 =	vadd.f32 v59, v38;
	v61 =	vmul.f32 v50, v54;
	v54 =	vbroadcast v9, $0x1  }
0x54: {  	v36 =	vadd.f32 v62, v36;
	v41 =	vadd.f32 v56, v41;
	v56 =	vmul.f32 v50, v60  }
0x55: {  	v35 =	vadd.f32 v63, v35;
	v57 =	vmul.f32 v53, v54;
	v58 =	vmul.f32 v55, v54  }
0x56: {  	v34 =	vadd.f32 v52, v34;
	v59 =	vmul.f32 v48, v54;
	v60 =	vbroadcast v8, $0x1  }
0x57: {  	v37 =	vadd.f32 v61, v37;
	v61 =	vmul.f32 v50, v54;
	v54 =	vbroadcast v7, $0x1  }
0x58: {  	v33 =	vadd.f32 v56, v33;
	v32 =	vadd.f32 v57, v32;
	v62 =	vmul.f32 v53, v60  }
0x59: {  	v31 =	vadd.f32 v58, v31;
	v63 =	vmul.f32 v55, v60;
	v52 =	vmul.f32 v48, v60  }
0x5a: {  	v30 =	vadd.f32 v59, v30;
	v56 =	vmul.f32 v50, v60;
	v57 =	vmul.f32 v53, v54  }
0x5b: {  	v29 =	vadd.f32 v61, v29;
	v58 =	vmul.f32 v55, v54;
	v59 =	vmul.f32 v48, v54  }
0x5c: {  	v60 =	vbroadcast v6, $0x1;
	v28 =	vadd.f32 v62, v28;
	v27 =	vadd.f32 v63, v27  }
0x5d: {  	v61 =	vmul.f32 v50, v54;
	v26 =	vadd.f32 v52, v26;
	v25 =	vadd.f32 v56, v25  }
0x5e: {  	v24 =	vadd.f32 v57, v24;
	v23 =	vadd.f32 v58, v23;
	v62 =	vmul.f32 v53, v60  }
0x5f: {  	v49 =	vld [tilespmem:s16+$0xFFFFFE80];
	v22 =	vadd.f32 v59, v22;
	v63 =	vmul.f32 v55, v60;
	v58 =	vbroadcast v5, $0x1  }
0x60: {  	v54 =	vld [tilespmem:s16+$0xFFFFFE90];
	v21 =	vadd.f32 v61, v21;
	v57 =	vmul.f32 v48, v60;
	v59 =	vmul.f32 v50, v60  }
0x61: {  	v47 =	vld [tilespmem:s16+$0xFFFFFEA0];
	v20 =	vadd.f32 v62, v20;
	v19 =	vadd.f32 v63, v19;
	v60 =	vmul.f32 v53, v58  }
0x62: {  	v18 =	vadd.f32 v57, v18;
	v61 =	vmul.f32 v55, v58;
	v62 =	vmul.f32 v48, v58  }
0x63: {  	v53 =	vld [tilespmem:s16+$0xFFFFFEB0];
	v17 =	vadd.f32 v59, v17;
	v63 =	vbroadcast v12, $0x2;
	v52 =	vmul.f32 v50, v58  }
0x64: {  	v58 =	vbroadcast v11, $0x2;
	v16 =	vadd.f32 v60, v16;
	v15 =	vadd.f32 v61, v15  }
0x65: {  	v14 =	vadd.f32 v62, v14;
	v55 =	vmul.f32 v49, v63;
	v56 =	vmul.f32 v54, v63  }
0x66: {  	v13 =	vadd.f32 v52, v13;
	v57 =	vmul.f32 v47, v63;
	v60 =	vmul.f32 v49, v58  }
0x67: {  	v61 =	vmul.f32 v54, v58;
	v62 =	vmul.f32 v47, v58;
	v44 =	vadd.f32 v55, v44  }
0x68: {  	v43 =	vadd.f32 v56, v43;
	v59 =	vmul.f32 v53, v63;
	v63 =	vbroadcast v10, $0x2  }
0x69: {  	v42 =	vadd.f32 v57, v42;
	v40 =	vadd.f32 v60, v40;
	v52 =	vmul.f32 v53, v58  }
0x6a: {  	v39 =	vadd.f32 v61, v39;
	v58 =	vbroadcast v9, $0x2;
	v55 =	vmul.f32 v49, v63  }
0x6b: {  	v38 =	vadd.f32 v62, v38;
	v56 =	vmul.f32 v54, v63;
	v57 =	vmul.f32 v47, v63  }
0x6c: {  	v41 =	vadd.f32 v59, v41;
	v59 =	vmul.f32 v53, v63;
	v60 =	vmul.f32 v49, v58  }
0x6d: {  	v37 =	vadd.f32 v52, v37;
	v61 =	vmul.f32 v54, v58;
	v62 =	vmul.f32 v47, v58  }
0x6e: {  	v63 =	vbroadcast v8, $0x2;
	v36 =	vadd.f32 v55, v36;
	v35 =	vadd.f32 v56, v35  }
0x6f: {  	v52 =	vmul.f32 v53, v58;
	v34 =	vadd.f32 v57, v34;
	v33 =	vadd.f32 v59, v33  }
0x70: {  	v58 =	vbroadcast v7, $0x2;
	v32 =	vadd.f32 v60, v32;
	v31 =	vadd.f32 v61, v31  }
0x71: {  	v30 =	vadd.f32 v62, v30;
	v55 =	vmul.f32 v49, v63;
	v56 =	vmul.f32 v54, v63  }
0x72: {  	v29 =	vadd.f32 v52, v29;
	v57 =	vmul.f32 v47, v63;
	v59 =	vmul.f32 v53, v63  }
0x73: {  	v60 =	vmul.f32 v49, v58;
	v61 =	vmul.f32 v54, v58;
	v28 =	vadd.f32 v55, v28  }
0x74: {  	v63 =	vbroadcast v6, $0x2;
	v27 =	vadd.f32 v56, v27;
	v26 =	vadd.f32 v57, v26  }
0x75: {  	v62 =	vmul.f32 v47, v58;
	v25 =	vadd.f32 v59, v25;
	v24 =	vadd.f32 v60, v24  }
0x76: {  	v51 =	vld [tilespmem:s16+$0xFFFFFEC0];
	v23 =	vadd.f32 v61, v23;
	v57 =	vmul.f32 v53, v58;
	v58 =	vmul.f32 v49, v63  }
0x77: {  	v48 =	vld [tilespmem:s16+$0xFFFFFEE0];
	v22 =	vadd.f32 v62, v22;
	v59 =	vmul.f32 v54, v63;
	v61 =	vbroadcast v5, $0x2  }
0x78: {  	v50 =	vld [tilespmem:s16+$0xFFFFFEF0];
	v60 =	vmul.f32 v47, v63;
	v62 =	vmul.f32 v53, v63;
	v21 =	vadd.f32 v57, v21  }
0x79: {  	v55 =	vld [tilespmem:s16+$0xFFFFFED0];
	v20 =	vadd.f32 v58, v20;
	v19 =	vadd.f32 v59, v19;
	v63 =	vmul.f32 v49, v61  }
0x7a: {  	v18 =	vadd.f32 v60, v18;
	v56 =	vmul.f32 v54, v61;
	v58 =	vbroadcast v12, $0x3  }
0x7b: {  	v17 =	vadd.f32 v62, v17;
	v57 =	vmul.f32 v47, v61;
	v59 =	vmul.f32 v53, v61  }
0x7c: {  	v16 =	vadd.f32 v63, v16;
	v15 =	vadd.f32 v56, v15;
	v60 =	vmul.f32 v51, v58  }
0x7d: {  	v14 =	vadd.f32 v57, v14;
	v62 =	vmul.f32 v48, v58;
	v63 =	vbroadcast v11, $0x3  }
0x7e: {  	v13 =	vadd.f32 v59, v13;
	v53 =	vmul.f32 v50, v58;
	v61 =	vmul.f32 v55, v58  }
0x7f: {  	v58 =	vbroadcast v10, $0x3;
	v44 =	vadd.f32 v60, v44;
	v54 =	vmul.f32 v51, v63  }
0x80: {  	v42 =	vadd.f32 v62, v42;
	v56 =	vmul.f32 v55, v63;
	v57 =	vmul.f32 v48, v63  }
0x81: {  	v41 =	vadd.f32 v53, v41;
	v59 =	vmul.f32 v50, v63;
	v63 =	vbroadcast v9, $0x3  }
0x82: {  	v43 =	vadd.f32 v61, v43;
	v60 =	vmul.f32 v51, v58;
	v61 =	vmul.f32 v55, v58  }
0x83: {  	v62 =	vmul.f32 v48, v58;
	v53 =	vmul.f32 v50, v58;
	v40 =	vadd.f32 v54, v40  }
0x84: {  	v58 =	vbroadcast v8, $0x3;
	v39 =	vadd.f32 v56, v39;
	v38 =	vadd.f32 v57, v38  }
0x85: {  	v37 =	vadd.f32 v59, v37;
	v54 =	vmul.f32 v51, v63;
	v56 =	vmul.f32 v55, v63  }
0x86: {  	v57 =	vmul.f32 v48, v63;
	v59 =	vmul.f32 v50, v63;
	v36 =	vadd.f32 v60, v36  }
0x87: {  	v63 =	vbroadcast v7, $0x3;
	v35 =	vadd.f32 v61, v35;
	v34 =	vadd.f32 v62, v34  }
0x88: {  	v33 =	vadd.f32 v53, v33;
	v60 =	vmul.f32 v51, v58;
	v61 =	vmul.f32 v55, v58  }
0x89: {  	v62 =	vmul.f32 v48, v58;
	v53 =	vmul.f32 v50, v58;
	v32 =	vadd.f32 v54, v32  }
0x8a: {  	v58 =	vbroadcast v6, $0x3;
	v31 =	vadd.f32 v56, v31;
	v30 =	vadd.f32 v57, v30  }
0x8b: {  	v29 =	vadd.f32 v59, v29;
	v54 =	vmul.f32 v51, v63;
	v56 =	vmul.f32 v55, v63  }
0x8c: {  	v57 =	vmul.f32 v48, v63;
	v59 =	vmul.f32 v50, v63;
	v28 =	vadd.f32 v60, v28  }
0x8d: {  	v63 =	vbroadcast v5, $0x3;
	v27 =	vadd.f32 v61, v27;
	v26 =	vadd.f32 v62, v26  }
0x8e: {  	v25 =	vadd.f32 v53, v25;
	v60 =	vmul.f32 v51, v58;
	v61 =	vmul.f32 v55, v58  }
0x8f: {  	v52 =	vld [tilespmem:s16+$0xFFFFFF00];
	v62 =	vmul.f32 v48, v58;
	v24 =	vadd.f32 v54, v24;
	v23 =	vadd.f32 v56, v23  }
0x90: {  	v47 =	vld [tilespmem:s16+$0xFFFFFF20];
	v22 =	vadd.f32 v57, v22;
	v56 =	vmul.f32 v50, v58;
	v57 =	vmul.f32 v51, v63  }
0x91: {  	v21 =	vadd.f32 v59, v21;
	v58 =	vmul.f32 v55, v63;
	v59 =	vmul.f32 v48, v63  }
0x92: {  	v54 =	vld [tilespmem:s16+$0xFFFFFF10];
	v55 =	vbroadcast v11, $0x4;
	v20 =	vadd.f32 v60, v20;
	v19 =	vadd.f32 v61, v19  }
0x93: {  	v51 =	vld [tilespmem:s16+$0xFFFFFF30];
	v18 =	vadd.f32 v62, v18;
	v60 =	vbroadcast v12, $0x4;
	v17 =	vadd.f32 v56, v17  }
0x94: {  	v61 =	vmul.f32 v50, v63;
	v16 =	vadd.f32 v57, v16;
	v15 =	vadd.f32 v58, v15  }
0x95: {  	v14 =	vadd.f32 v59, v14;
	v57 =	vmul.f32 v52, v55;
	v59 =	vmul.f32 v47, v55  }
0x96: {  	v62 =	vmul.f32 v52, v60;
	v13 =	vadd.f32 v61, v13;
	v53 =	vmul.f32 v47, v60  }
0x97: {  	v40 =	vadd.f32 v57, v40;
	v38 =	vadd.f32 v59, v38;
	v63 =	vmul.f32 v54, v60  }
0x98: {  	v44 =	vadd.f32 v62, v44;
	v56 =	vmul.f32 v51, v60;
	v60 =	vbroadcast v10, $0x4  }
0x99: {  	v42 =	vadd.f32 v53, v42;
	v58 =	vmul.f32 v54, v55;
	v61 =	vmul.f32 v51, v55  }
0x9a: {  	v55 =	vbroadcast v9, $0x4;
	v43 =	vadd.f32 v63, v43;
	v62 =	vmul.f32 v52, v60  }
0x9b: {  	v41 =	vadd.f32 v56, v41;
	v63 =	vmul.f32 v54, v60;
	v53 =	vmul.f32 v47, v60  }
0x9c: {  	v39 =	vadd.f32 v58, v39;
	v56 =	vmul.f32 v51, v60;
	v57 =	vmul.f32 v52, v55  }
0x9d: {  	v37 =	vadd.f32 v61, v37;
	v58 =	vmul.f32 v54, v55;
	v59 =	vmul.f32 v47, v55  }
0x9e: {  	v60 =	vbroadcast v8, $0x4;
	v61 =	vmul.f32 v51, v55;
	v36 =	vadd.f32 v62, v36  }
0x9f: {  	v55 =	vbroadcast v7, $0x4;
	v35 =	vadd.f32 v63, v35;
	v34 =	vadd.f32 v53, v34  }
0xa0: {  	v33 =	vadd.f32 v56, v33;
	v32 =	vadd.f32 v57, v32;
	v62 =	vmul.f32 v52, v60  }
0xa1: {  	v31 =	vadd.f32 v58, v31;
	v63 =	vmul.f32 v54, v60;
	v53 =	vmul.f32 v47, v60  }
0xa2: {  	v30 =	vadd.f32 v59, v30;
	v56 =	vmul.f32 v51, v60;
	v57 =	vmul.f32 v52, v55  }
0xa3: {  	v29 =	vadd.f32 v61, v29;
	v58 =	vmul.f32 v54, v55;
	v59 =	vmul.f32 v47, v55  }
0xa4: {  	v60 =	vbroadcast v6, $0x4;
	v28 =	vadd.f32 v62, v28;
	v27 =	vadd.f32 v63, v27  }
0xa5: {  	v61 =	vmul.f32 v51, v55;
	v26 =	vadd.f32 v53, v26;
	v25 =	vadd.f32 v56, v25  }
0xa6: {  	v24 =	vadd.f32 v57, v24;
	v23 =	vadd.f32 v58, v23;
	v62 =	vmul.f32 v52, v60  }
0xa7: {  	v50 =	vld [tilespmem:s16+$0xFFFFFF40];
	v22 =	vadd.f32 v59, v22;
	v63 =	vmul.f32 v54, v60;
	v58 =	vbroadcast v5, $0x4  }
0xa8: {  	v55 =	vld [tilespmem:s16+$0xFFFFFF50];
	v21 =	vadd.f32 v61, v21;
	v57 =	vmul.f32 v47, v60;
	v59 =	vmul.f32 v51, v60  }
0xa9: {  	v48 =	vld [tilespmem:s16+$0xFFFFFF60];
	v20 =	vadd.f32 v62, v20;
	v19 =	vadd.f32 v63, v19;
	v60 =	vmul.f32 v52, v58  }
0xaa: {  	v18 =	vadd.f32 v57, v18;
	v61 =	vmul.f32 v54, v58;
	v62 =	vmul.f32 v47, v58  }
0xab: {  	v52 =	vld [tilespmem:s16+$0xFFFFFF70];
	v17 =	vadd.f32 v59, v17;
	v63 =	vbroadcast v12, $0x5;
	v53 =	vmul.f32 v51, v58  }
0xac: {  	v58 =	vbroadcast v11, $0x5;
	v16 =	vadd.f32 v60, v16;
	v15 =	vadd.f32 v61, v15  }
0xad: {  	v14 =	vadd.f32 v62, v14;
	v54 =	vmul.f32 v50, v63;
	v56 =	vmul.f32 v55, v63  }
0xae: {  	v13 =	vadd.f32 v53, v13;
	v57 =	vmul.f32 v48, v63;
	v60 =	vmul.f32 v50, v58  }
0xaf: {  	v61 =	vmul.f32 v55, v58;
	v62 =	vmul.f32 v48, v58;
	v44 =	vadd.f32 v54, v44  }
0xb0: {  	v43 =	vadd.f32 v56, v43;
	v59 =	vmul.f32 v52, v63;
	v63 =	vbroadcast v10, $0x5  }
0xb1: {  	v42 =	vadd.f32 v57, v42;
	v40 =	vadd.f32 v60, v40;
	v53 =	vmul.f32 v52, v58  }
0xb2: {  	v39 =	vadd.f32 v61, v39;
	v58 =	vbroadcast v9, $0x5;
	v54 =	vmul.f32 v50, v63  }
0xb3: {  	v38 =	vadd.f32 v62, v38;
	v56 =	vmul.f32 v55, v63;
	v57 =	vmul.f32 v48, v63  }
0xb4: {  	v41 =	vadd.f32 v59, v41;
	v59 =	vmul.f32 v52, v63;
	v60 =	vmul.f32 v50, v58  }
0xb5: {  	v37 =	vadd.f32 v53, v37;
	v61 =	vmul.f32 v55, v58;
	v62 =	vmul.f32 v48, v58  }
0xb6: {  	v63 =	vbroadcast v8, $0x5;
	v36 =	vadd.f32 v54, v36;
	v35 =	vadd.f32 v56, v35  }
0xb7: {  	v53 =	vmul.f32 v52, v58;
	v34 =	vadd.f32 v57, v34;
	v33 =	vadd.f32 v59, v33  }
0xb8: {  	v58 =	vbroadcast v7, $0x5;
	v32 =	vadd.f32 v60, v32;
	v31 =	vadd.f32 v61, v31  }
0xb9: {  	v30 =	vadd.f32 v62, v30;
	v54 =	vmul.f32 v50, v63;
	v56 =	vmul.f32 v55, v63  }
0xba: {  	v29 =	vadd.f32 v53, v29;
	v57 =	vmul.f32 v48, v63;
	v59 =	vmul.f32 v52, v63  }
0xbb: {  	v60 =	vmul.f32 v50, v58;
	v61 =	vmul.f32 v55, v58;
	v28 =	vadd.f32 v54, v28  }
0xbc: {  	v63 =	vbroadcast v6, $0x5;
	v27 =	vadd.f32 v56, v27;
	v26 =	vadd.f32 v57, v26  }
0xbd: {  	v62 =	vmul.f32 v48, v58;
	v25 =	vadd.f32 v59, v25;
	v24 =	vadd.f32 v60, v24  }
0xbe: {  	v23 =	vadd.f32 v61, v23;
	v57 =	vmul.f32 v52, v58;
	v58 =	vmul.f32 v50, v63  }
0xbf: {  	v51 =	vld [tilespmem:s16+$0xFFFFFF80];
	v22 =	vadd.f32 v62, v22;
	v59 =	vmul.f32 v55, v63;
	v61 =	vbroadcast v5, $0x5  }
0xc0: {  	v47 =	vld [tilespmem:s16+$0xFFFFFFA0];
	v60 =	vmul.f32 v48, v63;
	v62 =	vmul.f32 v52, v63;
	v21 =	vadd.f32 v57, v21  }
0xc1: {  	v54 =	vld [tilespmem:s16+$0xFFFFFF90];
	v20 =	vadd.f32 v58, v20;
	v19 =	vadd.f32 v59, v19;
	v63 =	vmul.f32 v50, v61  }
0xc2: {  	v18 =	vadd.f32 v60, v18;
	v56 =	vmul.f32 v55, v61;
	v57 =	vmul.f32 v48, v61  }
0xc3: {  	v50 =	vld [tilespmem:s16+$0xFFFFFFB0];
	v17 =	vadd.f32 v62, v17;
	v58 =	vbroadcast v12, $0x6;
	v59 =	vmul.f32 v52, v61  }
0xc4: {  	v16 =	vadd.f32 v63, v16;
	v15 =	vadd.f32 v56, v15;
	v63 =	vbroadcast v11, $0x6  }
0xc5: {  	v14 =	vadd.f32 v57, v14;
	v60 =	vmul.f32 v51, v58;
	v62 =	vmul.f32 v47, v58  }
0xc6: {  	v13 =	vadd.f32 v59, v13;
	v61 =	vmul.f32 v54, v58;
	v55 =	vmul.f32 v51, v63  }
0xc7: {  	v44 =	vadd.f32 v60, v44;
	v56 =	vmul.f32 v54, v63;
	v57 =	vmul.f32 v47, v63  }
0xc8: {  	v42 =	vadd.f32 v62, v42;
	v53 =	vmul.f32 v50, v58;
	v58 =	vbroadcast v10, $0x6  }
0xc9: {  	v43 =	vadd.f32 v61, v43;
	v59 =	vmul.f32 v50, v63;
	v63 =	vbroadcast v9, $0x6  }
0xca: {  	v40 =	vadd.f32 v55, v40;
	v39 =	vadd.f32 v56, v39;
	v60 =	vmul.f32 v51, v58  }
0xcb: {  	v38 =	vadd.f32 v57, v38;
	v61 =	vmul.f32 v54, v58;
	v62 =	vmul.f32 v47, v58  }
0xcc: {  	v41 =	vadd.f32 v53, v41;
	v53 =	vmul.f32 v50, v58;
	v55 =	vmul.f32 v51, v63  }
0xcd: {  	v37 =	vadd.f32 v59, v37;
	v56 =	vmul.f32 v54, v63;
	v57 =	vmul.f32 v47, v63  }
0xce: {  	v58 =	vbroadcast v8, $0x6;
	v59 =	vmul.f32 v50, v63;
	v36 =	vadd.f32 v60, v36  }
0xcf: {  	v63 =	vbroadcast v7, $0x6;
	v35 =	vadd.f32 v61, v35;
	v34 =	vadd.f32 v62, v34  }
0xd0: {  	v33 =	vadd.f32 v53, v33;
	v32 =	vadd.f32 v55, v32;
	v60 =	vmul.f32 v51, v58  }
0xd1: {  	v31 =	vadd.f32 v56, v31;
	v61 =	vmul.f32 v54, v58;
	v62 =	vmul.f32 v47, v58  }
0xd2: {  	v30 =	vadd.f32 v57, v30;
	v53 =	vmul.f32 v50, v58;
	v55 =	vmul.f32 v51, v63  }
0xd3: {  	v29 =	vadd.f32 v59, v29;
	v56 =	vmul.f32 v54, v63;
	v57 =	vmul.f32 v47, v63  }
0xd4: {  	v58 =	vbroadcast v6, $0x6;
	v59 =	vmul.f32 v50, v63;
	v28 =	vadd.f32 v60, v28  }
0xd5: {  	v63 =	vbroadcast v5, $0x6;
	v27 =	vadd.f32 v61, v27;
	v26 =	vadd.f32 v62, v26  }
0xd6: {  	v25 =	vadd.f32 v53, v25;
	v24 =	vadd.f32 v55, v24;
	v60 =	vmul.f32 v51, v58  }
0xd7: {  	v52 =	vld [tilespmem:s16+$0xFFFFFFC0];
	v23 =	vadd.f32 v56, v23;
	v61 =	vmul.f32 v54, v58;
	v62 =	vmul.f32 v47, v58  }
0xd8: {  	v48 =	vld [tilespmem:s16+$0xFFFFFFE0];
	v22 =	vadd.f32 v57, v22;
	v56 =	vmul.f32 v50, v58;
	v57 =	vmul.f32 v51, v63  }
0xd9: {  	v21 =	vadd.f32 v59, v21;
	v55 =	vld [tilespmem:s16+$0xFFFFFFD0];
	v58 =	vmul.f32 v54, v63;
	v59 =	vmul.f32 v47, v63  }
0xda: {  	v51 =	vld [tilespmem:s16+$0xFFFFFFF0];
	v54 =	vbroadcast v11, $0x7;
	v20 =	vadd.f32 v60, v20;
	v19 =	vadd.f32 v61, v19  }
0xdb: {  	v18 =	vadd.f32 v62, v18;
	v17 =	vadd.f32 v56, v17;
	v60 =	vbroadcast v12, $0x7  }
0xdc: {  	v16 =	vadd.f32 v57, v16;
	v15 =	vadd.f32 v58, v15;
	v61 =	vmul.f32 v50, v63  }
0xdd: {  	v14 =	vadd.f32 v59, v14;
	v57 =	vmul.f32 v52, v54;
	v59 =	vmul.f32 v48, v54  }
0xde: {  	v62 =	vmul.f32 v52, v60;
	v13 =	vadd.f32 v61, v13;
	v53 =	vmul.f32 v48, v60  }
0xdf: {  	v40 =	vadd.f32 v57, v40;
	v63 =	vmul.f32 v55, v60;
	v56 =	vmul.f32 v51, v60  }
0xe0: {  	v38 =	vadd.f32 v59, v38;
	v58 =	vmul.f32 v55, v54;
	v60 =	vbroadcast v10, $0x7  }
0xe1: {  	v61 =	vmul.f32 v51, v54;
	v54 =	vbroadcast v9, $0x7;
	v44 =	vadd.f32 v62, v44  }
0xe2: {  	v42 =	vadd.f32 v53, v42;
	v43 =	vadd.f32 v63, v43;
	v62 =	vmul.f32 v52, v60  }
0xe3: {  	v41 =	vadd.f32 v56, v41;
	v63 =	vmul.f32 v55, v60;
	v53 =	vmul.f32 v48, v60  }
0xe4: {  	v39 =	vadd.f32 v58, v39;
	v56 =	vmul.f32 v51, v60;
	v57 =	vmul.f32 v52, v54  }
0xe5: {  	v37 =	vadd.f32 v61, v37;
	v58 =	vmul.f32 v55, v54;
	v59 =	vmul.f32 v48, v54  }
0xe6: {  	v60 =	vbroadcast v8, $0x7;
	v61 =	vmul.f32 v51, v54;
	v36 =	vadd.f32 v62, v36  }
0xe7: {  	v54 =	vbroadcast v7, $0x7;
	v35 =	vadd.f32 v63, v35;
	v34 =	vadd.f32 v53, v34  }
0xe8: {  	v33 =	vadd.f32 v56, v33;
	v32 =	vadd.f32 v57, v32;
	v62 =	vmul.f32 v52, v60  }
0xe9: {  	v31 =	vadd.f32 v58, v31;
	v63 =	vmul.f32 v55, v60;
	v53 =	vmul.f32 v48, v60  }
0xea: {  	v30 =	vadd.f32 v59, v30;
	v56 =	vmul.f32 v51, v60;
	v57 =	vmul.f32 v52, v54  }
0xeb: {  	v29 =	vadd.f32 v61, v29;
	v58 =	vmul.f32 v55, v54;
	v59 =	vmul.f32 v48, v54  }
0xec: {  	v60 =	vbroadcast v6, $0x7;
	v28 =	vadd.f32 v62, v28;
	v27 =	vadd.f32 v63, v27  }
0xed: {  	v61 =	vmul.f32 v51, v54;
	v26 =	vadd.f32 v53, v26;
	v25 =	vadd.f32 v56, v25  }
0xee: {  	v24 =	vadd.f32 v57, v24;
	v23 =	vadd.f32 v58, v23;
	v62 =	vmul.f32 v52, v60  }
0xef: {  	v50 =	vld [tilespmem:s16+$0x0];
	v22 =	vadd.f32 v59, v22;
	v63 =	vmul.f32 v55, v60;
	v58 =	vbroadcast v5, $0x7  }
0xf0: {  	v54 =	vld [tilespmem:s16+$0x10];
	v21 =	vadd.f32 v61, v21;
	v57 =	vmul.f32 v48, v60;
	v59 =	vmul.f32 v51, v60  }
0xf1: {  	v47 =	vld [tilespmem:s16+$0x20];
	v20 =	vadd.f32 v62, v20;
	v19 =	vadd.f32 v63, v19;
	v60 =	vmul.f32 v52, v58  }
0xf2: {  	v18 =	vadd.f32 v57, v18;
	v61 =	vmul.f32 v55, v58;
	v62 =	vmul.f32 v48, v58  }
0xf3: {  	v52 =	vld [tilespmem:s16+$0x30];
	v17 =	vadd.f32 v59, v17;
	v63 =	vbroadcast v12, $0x8;
	v53 =	vmul.f32 v51, v58  }
0xf4: {  	v58 =	vbroadcast v11, $0x8;
	v16 =	vadd.f32 v60, v16;
	v15 =	vadd.f32 v61, v15  }
0xf5: {  	v14 =	vadd.f32 v62, v14;
	v55 =	vmul.f32 v50, v63;
	v56 =	vmul.f32 v54, v63  }
0xf6: {  	v13 =	vadd.f32 v53, v13;
	v57 =	vmul.f32 v47, v63;
	v60 =	vmul.f32 v50, v58  }
0xf7: {  	v61 =	vmul.f32 v54, v58;
	v62 =	vmul.f32 v47, v58;
	v44 =	vadd.f32 v55, v44  }
0xf8: {  	v43 =	vadd.f32 v56, v43;
	v59 =	vmul.f32 v52, v63;
	v63 =	vbroadcast v10, $0x8  }
0xf9: {  	v42 =	vadd.f32 v57, v42;
	v40 =	vadd.f32 v60, v40;
	v53 =	vmul.f32 v52, v58  }
0xfa: {  	v39 =	vadd.f32 v61, v39;
	v58 =	vbroadcast v9, $0x8;
	v55 =	vmul.f32 v50, v63  }
0xfb: {  	v38 =	vadd.f32 v62, v38;
	v56 =	vmul.f32 v54, v63;
	v57 =	vmul.f32 v47, v63  }
0xfc: {  	v41 =	vadd.f32 v59, v41;
	v59 =	vmul.f32 v52, v63;
	v60 =	vmul.f32 v50, v58  }
0xfd: {  	v37 =	vadd.f32 v53, v37;
	v61 =	vmul.f32 v54, v58;
	v62 =	vmul.f32 v47, v58  }
0xfe: {  	v63 =	vbroadcast v8, $0x8;
	v36 =	vadd.f32 v55, v36;
	v35 =	vadd.f32 v56, v35  }
0xff: {  	v53 =	vmul.f32 v52, v58;
	v34 =	vadd.f32 v57, v34;
	v33 =	vadd.f32 v59, v33  }
0x100: {  	v58 =	vbroadcast v7, $0x8;
	v32 =	vadd.f32 v60, v32;
	v31 =	vadd.f32 v61, v31  }
0x101: {  	v30 =	vadd.f32 v62, v30;
	v55 =	vmul.f32 v50, v63;
	v56 =	vmul.f32 v54, v63  }
0x102: {  	v29 =	vadd.f32 v53, v29;
	v57 =	vmul.f32 v47, v63;
	v59 =	vmul.f32 v52, v63  }
0x103: {  	v60 =	vmul.f32 v50, v58;
	v61 =	vmul.f32 v54, v58;
	v28 =	vadd.f32 v55, v28  }
0x104: {  	v63 =	vbroadcast v6, $0x8;
	v27 =	vadd.f32 v56, v27;
	v26 =	vadd.f32 v57, v26  }
0x105: {  	v62 =	vmul.f32 v47, v58;
	v25 =	vadd.f32 v59, v25;
	v24 =	vadd.f32 v60, v24  }
0x106: {  	v23 =	vadd.f32 v61, v23;
	v57 =	vmul.f32 v52, v58;
	v58 =	vmul.f32 v50, v63  }
0x107: {  	v51 =	vld [tilespmem:s16+$0x40];
	v22 =	vadd.f32 v62, v22;
	v59 =	vmul.f32 v54, v63;
	v61 =	vbroadcast v5, $0x8  }
0x108: {  	v48 =	vld [tilespmem:s16+$0x60];
	v60 =	vmul.f32 v47, v63;
	v62 =	vmul.f32 v52, v63;
	v21 =	vadd.f32 v57, v21  }
0x109: {  	v55 =	vld [tilespmem:s16+$0x50];
	v20 =	vadd.f32 v58, v20;
	v19 =	vadd.f32 v59, v19;
	v63 =	vmul.f32 v50, v61  }
0x10a: {  	v18 =	vadd.f32 v60, v18;
	v56 =	vmul.f32 v54, v61;
	v57 =	vmul.f32 v47, v61  }
0x10b: {  	v50 =	vld [tilespmem:s16+$0x70];
	v17 =	vadd.f32 v62, v17;
	v58 =	vbroadcast v12, $0x9;
	v59 =	vmul.f32 v52, v61  }
0x10c: {  	v16 =	vadd.f32 v63, v16;
	v15 =	vadd.f32 v56, v15;
	v63 =	vbroadcast v11, $0x9  }
0x10d: {  	v14 =	vadd.f32 v57, v14;
	v60 =	vmul.f32 v51, v58;
	v62 =	vmul.f32 v48, v58  }
0x10e: {  	v13 =	vadd.f32 v59, v13;
	v61 =	vmul.f32 v55, v58;
	v54 =	vmul.f32 v51, v63  }
0x10f: {  	v44 =	vadd.f32 v60, v44;
	v56 =	vmul.f32 v55, v63;
	v57 =	vmul.f32 v48, v63  }
0x110: {  	v42 =	vadd.f32 v62, v42;
	v53 =	vmul.f32 v50, v58;
	v58 =	vbroadcast v10, $0x9  }
0x111: {  	v43 =	vadd.f32 v61, v43;
	v59 =	vmul.f32 v50, v63;
	v63 =	vbroadcast v9, $0x9  }
0x112: {  	v40 =	vadd.f32 v54, v40;
	v39 =	vadd.f32 v56, v39;
	v60 =	vmul.f32 v51, v58  }
0x113: {  	v38 =	vadd.f32 v57, v38;
	v61 =	vmul.f32 v55, v58;
	v62 =	vmul.f32 v48, v58  }
0x114: {  	v41 =	vadd.f32 v53, v41;
	v53 =	vmul.f32 v50, v58;
	v54 =	vmul.f32 v51, v63  }
0x115: {  	v37 =	vadd.f32 v59, v37;
	v56 =	vmul.f32 v55, v63;
	v57 =	vmul.f32 v48, v63  }
0x116: {  	v58 =	vbroadcast v8, $0x9;
	v59 =	vmul.f32 v50, v63;
	v36 =	vadd.f32 v60, v36  }
0x117: {  	v63 =	vbroadcast v7, $0x9;
	v35 =	vadd.f32 v61, v35;
	v34 =	vadd.f32 v62, v34  }
0x118: {  	v33 =	vadd.f32 v53, v33;
	v32 =	vadd.f32 v54, v32;
	v60 =	vmul.f32 v51, v58  }
0x119: {  	v31 =	vadd.f32 v56, v31;
	v61 =	vmul.f32 v55, v58;
	v62 =	vmul.f32 v48, v58  }
0x11a: {  	v30 =	vadd.f32 v57, v30;
	v53 =	vmul.f32 v50, v58;
	v54 =	vmul.f32 v51, v63  }
0x11b: {  	v29 =	vadd.f32 v59, v29;
	v56 =	vmul.f32 v55, v63;
	v57 =	vmul.f32 v48, v63  }
0x11c: {  	v58 =	vbroadcast v6, $0x9;
	v59 =	vmul.f32 v50, v63;
	v28 =	vadd.f32 v60, v28  }
0x11d: {  	v63 =	vbroadcast v5, $0x9;
	v27 =	vadd.f32 v61, v27;
	v26 =	vadd.f32 v62, v26  }
0x11e: {  	v25 =	vadd.f32 v53, v25;
	v24 =	vadd.f32 v54, v24;
	v60 =	vmul.f32 v51, v58  }
0x11f: {  	v52 =	vld [tilespmem:s16+$0x80];
	v23 =	vadd.f32 v56, v23;
	v61 =	vmul.f32 v55, v58;
	v62 =	vmul.f32 v48, v58  }
0x120: {  	v47 =	vld [tilespmem:s16+$0xA0];
	v22 =	vadd.f32 v57, v22;
	v56 =	vmul.f32 v50, v58;
	v57 =	vmul.f32 v51, v63  }
0x121: {  	v21 =	vadd.f32 v59, v21;
	v54 =	vld [tilespmem:s16+$0x90];
	v58 =	vmul.f32 v55, v63;
	v59 =	vmul.f32 v48, v63  }
0x122: {  	v51 =	vld [tilespmem:s16+$0xB0];
	v55 =	vbroadcast v11, $0xA;
	v20 =	vadd.f32 v60, v20;
	v19 =	vadd.f32 v61, v19  }
0x123: {  	v18 =	vadd.f32 v62, v18;
	v17 =	vadd.f32 v56, v17;
	v60 =	vbroadcast v12, $0xA  }
0x124: {  	v16 =	vadd.f32 v57, v16;
	v15 =	vadd.f32 v58, v15;
	v61 =	vmul.f32 v50, v63  }
0x125: {  	v14 =	vadd.f32 v59, v14;
	v57 =	vmul.f32 v52, v55;
	v59 =	vmul.f32 v47, v55  }
0x126: {  	v62 =	vmul.f32 v52, v60;
	v13 =	vadd.f32 v61, v13;
	v53 =	vmul.f32 v47, v60  }
0x127: {  	v40 =	vadd.f32 v57, v40;
	v63 =	vmul.f32 v54, v60;
	v56 =	vmul.f32 v51, v60  }
0x128: {  	v38 =	vadd.f32 v59, v38;
	v58 =	vmul.f32 v54, v55;
	v60 =	vbroadcast v10, $0xA  }
0x129: {  	v61 =	vmul.f32 v51, v55;
	v55 =	vbroadcast v9, $0xA;
	v44 =	vadd.f32 v62, v44  }
0x12a: {  	v42 =	vadd.f32 v53, v42;
	v43 =	vadd.f32 v63, v43;
	v62 =	vmul.f32 v52, v60  }
0x12b: {  	v41 =	vadd.f32 v56, v41;
	v63 =	vmul.f32 v54, v60;
	v53 =	vmul.f32 v47, v60  }
0x12c: {  	v39 =	vadd.f32 v58, v39;
	v56 =	vmul.f32 v51, v60;
	v57 =	vmul.f32 v52, v55  }
0x12d: {  	v37 =	vadd.f32 v61, v37;
	v58 =	vmul.f32 v54, v55;
	v59 =	vmul.f32 v47, v55  }
0x12e: {  	v60 =	vbroadcast v8, $0xA;
	v61 =	vmul.f32 v51, v55;
	v36 =	vadd.f32 v62, v36  }
0x12f: {  	v55 =	vbroadcast v7, $0xA;
	v35 =	vadd.f32 v63, v35;
	v34 =	vadd.f32 v53, v34  }
0x130: {  	v33 =	vadd.f32 v56, v33;
	v32 =	vadd.f32 v57, v32;
	v62 =	vmul.f32 v52, v60  }
0x131: {  	v31 =	vadd.f32 v58, v31;
	v63 =	vmul.f32 v54, v60;
	v53 =	vmul.f32 v47, v60  }
0x132: {  	v30 =	vadd.f32 v59, v30;
	v56 =	vmul.f32 v51, v60;
	v57 =	vmul.f32 v52, v55  }
0x133: {  	v29 =	vadd.f32 v61, v29;
	v58 =	vmul.f32 v54, v55;
	v59 =	vmul.f32 v47, v55  }
0x134: {  	v60 =	vbroadcast v6, $0xA;
	v28 =	vadd.f32 v62, v28;
	v27 =	vadd.f32 v63, v27  }
0x135: {  	v61 =	vmul.f32 v51, v55;
	v26 =	vadd.f32 v53, v26;
	v25 =	vadd.f32 v56, v25  }
0x136: {  	v24 =	vadd.f32 v57, v24;
	v23 =	vadd.f32 v58, v23;
	v62 =	vmul.f32 v52, v60  }
0x137: {  	v50 =	vld [tilespmem:s16+$0xC0];
	v22 =	vadd.f32 v59, v22;
	v63 =	vmul.f32 v54, v60;
	v58 =	vbroadcast v5, $0xA  }
0x138: {  	v55 =	vld [tilespmem:s16+$0xD0];
	v21 =	vadd.f32 v61, v21;
	v57 =	vmul.f32 v47, v60;
	v59 =	vmul.f32 v51, v60  }
0x139: {  	v48 =	vld [tilespmem:s16+$0xE0];
	v20 =	vadd.f32 v62, v20;
	v19 =	vadd.f32 v63, v19;
	v60 =	vmul.f32 v52, v58  }
0x13a: {  	v18 =	vadd.f32 v57, v18;
	v61 =	vmul.f32 v54, v58;
	v62 =	vmul.f32 v47, v58  }
0x13b: {  	v52 =	vld [tilespmem:s16+$0xF0];
	v17 =	vadd.f32 v59, v17;
	v63 =	vbroadcast v12, $0xB;
	v53 =	vmul.f32 v51, v58  }
0x13c: {  	v58 =	vbroadcast v11, $0xB;
	v16 =	vadd.f32 v60, v16;
	v15 =	vadd.f32 v61, v15  }
0x13d: {  	v14 =	vadd.f32 v62, v14;
	v54 =	vmul.f32 v50, v63;
	v56 =	vmul.f32 v55, v63  }
0x13e: {  	v13 =	vadd.f32 v53, v13;
	v57 =	vmul.f32 v48, v63;
	v60 =	vmul.f32 v50, v58  }
0x13f: {  	v61 =	vmul.f32 v55, v58;
	v62 =	vmul.f32 v48, v58;
	v44 =	vadd.f32 v54, v44  }
0x140: {  	v43 =	vadd.f32 v56, v43;
	v59 =	vmul.f32 v52, v63;
	v63 =	vbroadcast v10, $0xB  }
0x141: {  	v42 =	vadd.f32 v57, v42;
	v40 =	vadd.f32 v60, v40;
	v53 =	vmul.f32 v52, v58  }
0x142: {  	v39 =	vadd.f32 v61, v39;
	v58 =	vbroadcast v9, $0xB;
	v54 =	vmul.f32 v50, v63  }
0x143: {  	v38 =	vadd.f32 v62, v38;
	v56 =	vmul.f32 v55, v63;
	v57 =	vmul.f32 v48, v63  }
0x144: {  	v41 =	vadd.f32 v59, v41;
	v59 =	vmul.f32 v52, v63;
	v60 =	vmul.f32 v50, v58  }
0x145: {  	v37 =	vadd.f32 v53, v37;
	v61 =	vmul.f32 v55, v58;
	v62 =	vmul.f32 v48, v58  }
0x146: {  	v63 =	vbroadcast v8, $0xB;
	v36 =	vadd.f32 v54, v36;
	v35 =	vadd.f32 v56, v35  }
0x147: {  	v53 =	vmul.f32 v52, v58;
	v34 =	vadd.f32 v57, v34;
	v33 =	vadd.f32 v59, v33  }
0x148: {  	v58 =	vbroadcast v7, $0xB;
	v32 =	vadd.f32 v60, v32;
	v31 =	vadd.f32 v61, v31  }
0x149: {  	v30 =	vadd.f32 v62, v30;
	v54 =	vmul.f32 v50, v63;
	v56 =	vmul.f32 v55, v63  }
0x14a: {  	v29 =	vadd.f32 v53, v29;
	v57 =	vmul.f32 v48, v63;
	v59 =	vmul.f32 v52, v63  }
0x14b: {  	v60 =	vmul.f32 v50, v58;
	v61 =	vmul.f32 v55, v58;
	v28 =	vadd.f32 v54, v28  }
0x14c: {  	v63 =	vbroadcast v6, $0xB;
	v27 =	vadd.f32 v56, v27;
	v26 =	vadd.f32 v57, v26  }
0x14d: {  	v62 =	vmul.f32 v48, v58;
	v25 =	vadd.f32 v59, v25;
	v24 =	vadd.f32 v60, v24  }
0x14e: {  	v23 =	vadd.f32 v61, v23;
	v57 =	vmul.f32 v52, v58;
	v58 =	vmul.f32 v50, v63  }
0x14f: {  	v51 =	vld [tilespmem:s16+$0x100];
	v22 =	vadd.f32 v62, v22;
	v59 =	vmul.f32 v55, v63;
	v61 =	vbroadcast v5, $0xB  }
0x150: {  	v47 =	vld [tilespmem:s16+$0x120];
	v60 =	vmul.f32 v48, v63;
	v62 =	vmul.f32 v52, v63;
	v21 =	vadd.f32 v57, v21  }
0x151: {  	v54 =	vld [tilespmem:s16+$0x110];
	v20 =	vadd.f32 v58, v20;
	v19 =	vadd.f32 v59, v19;
	v63 =	vmul.f32 v50, v61  }
0x152: {  	v18 =	vadd.f32 v60, v18;
	v56 =	vmul.f32 v55, v61;
	v57 =	vmul.f32 v48, v61  }
0x153: {  	v50 =	vld [tilespmem:s16+$0x130];
	v17 =	vadd.f32 v62, v17;
	v58 =	vbroadcast v12, $0xC;
	v59 =	vmul.f32 v52, v61  }
0x154: {  	v16 =	vadd.f32 v63, v16;
	v15 =	vadd.f32 v56, v15;
	v63 =	vbroadcast v11, $0xC  }
0x155: {  	v14 =	vadd.f32 v57, v14;
	v60 =	vmul.f32 v51, v58;
	v62 =	vmul.f32 v47, v58  }
0x156: {  	v13 =	vadd.f32 v59, v13;
	v61 =	vmul.f32 v54, v58;
	v55 =	vmul.f32 v51, v63  }
0x157: {  	v44 =	vadd.f32 v60, v44;
	v56 =	vmul.f32 v54, v63;
	v57 =	vmul.f32 v47, v63  }
0x158: {  	v42 =	vadd.f32 v62, v42;
	v53 =	vmul.f32 v50, v58;
	v58 =	vbroadcast v10, $0xC  }
0x159: {  	v43 =	vadd.f32 v61, v43;
	v59 =	vmul.f32 v50, v63;
	v63 =	vbroadcast v9, $0xC  }
0x15a: {  	v40 =	vadd.f32 v55, v40;
	v39 =	vadd.f32 v56, v39;
	v60 =	vmul.f32 v51, v58  }
0x15b: {  	v38 =	vadd.f32 v57, v38;
	v61 =	vmul.f32 v54, v58;
	v62 =	vmul.f32 v47, v58  }
0x15c: {  	v41 =	vadd.f32 v53, v41;
	v53 =	vmul.f32 v50, v58;
	v55 =	vmul.f32 v51, v63  }
0x15d: {  	v37 =	vadd.f32 v59, v37;
	v56 =	vmul.f32 v54, v63;
	v57 =	vmul.f32 v47, v63  }
0x15e: {  	v58 =	vbroadcast v8, $0xC;
	v59 =	vmul.f32 v50, v63;
	v36 =	vadd.f32 v60, v36  }
0x15f: {  	v63 =	vbroadcast v7, $0xC;
	v35 =	vadd.f32 v61, v35;
	v34 =	vadd.f32 v62, v34  }
0x160: {  	v33 =	vadd.f32 v53, v33;
	v32 =	vadd.f32 v55, v32;
	v60 =	vmul.f32 v51, v58  }
0x161: {  	v31 =	vadd.f32 v56, v31;
	v61 =	vmul.f32 v54, v58;
	v62 =	vmul.f32 v47, v58  }
0x162: {  	v30 =	vadd.f32 v57, v30;
	v53 =	vmul.f32 v50, v58;
	v55 =	vmul.f32 v51, v63  }
0x163: {  	v29 =	vadd.f32 v59, v29;
	v56 =	vmul.f32 v54, v63;
	v57 =	vmul.f32 v47, v63  }
0x164: {  	v58 =	vbroadcast v6, $0xC;
	v59 =	vmul.f32 v50, v63;
	v28 =	vadd.f32 v60, v28  }
0x165: {  	v63 =	vbroadcast v5, $0xC;
	v27 =	vadd.f32 v61, v27;
	v26 =	vadd.f32 v62, v26  }
0x166: {  	v25 =	vadd.f32 v53, v25;
	v24 =	vadd.f32 v55, v24;
	v60 =	vmul.f32 v51, v58  }
0x167: {  	v52 =	vld [tilespmem:s16+$0x140];
	v23 =	vadd.f32 v56, v23;
	v61 =	vmul.f32 v54, v58;
	v62 =	vmul.f32 v47, v58  }
0x168: {  	v48 =	vld [tilespmem:s16+$0x160];
	v22 =	vadd.f32 v57, v22;
	v56 =	vmul.f32 v50, v58;
	v57 =	vmul.f32 v51, v63  }
0x169: {  	v21 =	vadd.f32 v59, v21;
	v55 =	vld [tilespmem:s16+$0x150];
	v58 =	vmul.f32 v54, v63;
	v59 =	vmul.f32 v47, v63  }
0x16a: {  	v51 =	vld [tilespmem:s16+$0x170];
	v54 =	vbroadcast v11, $0xD;
	v20 =	vadd.f32 v60, v20;
	v19 =	vadd.f32 v61, v19  }
0x16b: {  	v18 =	vadd.f32 v62, v18;
	v17 =	vadd.f32 v56, v17;
	v60 =	vbroadcast v12, $0xD  }
0x16c: {  	v16 =	vadd.f32 v57, v16;
	v15 =	vadd.f32 v58, v15;
	v61 =	vmul.f32 v50, v63  }
0x16d: {  	v14 =	vadd.f32 v59, v14;
	v57 =	vmul.f32 v52, v54;
	v59 =	vmul.f32 v48, v54  }
0x16e: {  	v62 =	vmul.f32 v52, v60;
	v13 =	vadd.f32 v61, v13;
	v53 =	vmul.f32 v48, v60  }
0x16f: {  	v40 =	vadd.f32 v57, v40;
	v63 =	vmul.f32 v55, v60;
	v56 =	vmul.f32 v51, v60  }
0x170: {  	v38 =	vadd.f32 v59, v38;
	v58 =	vmul.f32 v55, v54;
	v60 =	vbroadcast v10, $0xD  }
0x171: {  	v61 =	vmul.f32 v51, v54;
	v54 =	vbroadcast v9, $0xD;
	v44 =	vadd.f32 v62, v44  }
0x172: {  	v42 =	vadd.f32 v53, v42;
	v43 =	vadd.f32 v63, v43;
	v62 =	vmul.f32 v52, v60  }
0x173: {  	v41 =	vadd.f32 v56, v41;
	v63 =	vmul.f32 v55, v60;
	v53 =	vmul.f32 v48, v60  }
0x174: {  	v39 =	vadd.f32 v58, v39;
	v56 =	vmul.f32 v51, v60;
	v57 =	vmul.f32 v52, v54  }
0x175: {  	v37 =	vadd.f32 v61, v37;
	v58 =	vmul.f32 v55, v54;
	v59 =	vmul.f32 v48, v54  }
0x176: {  	v60 =	vbroadcast v8, $0xD;
	v61 =	vmul.f32 v51, v54;
	v36 =	vadd.f32 v62, v36  }
0x177: {  	v54 =	vbroadcast v7, $0xD;
	v35 =	vadd.f32 v63, v35;
	v34 =	vadd.f32 v53, v34  }
0x178: {  	v33 =	vadd.f32 v56, v33;
	v32 =	vadd.f32 v57, v32;
	v62 =	vmul.f32 v52, v60  }
0x179: {  	v31 =	vadd.f32 v58, v31;
	v63 =	vmul.f32 v55, v60;
	v53 =	vmul.f32 v48, v60  }
0x17a: {  	v30 =	vadd.f32 v59, v30;
	v56 =	vmul.f32 v51, v60;
	v57 =	vmul.f32 v52, v54  }
0x17b: {  	v29 =	vadd.f32 v61, v29;
	v58 =	vmul.f32 v55, v54;
	v59 =	vmul.f32 v48, v54  }
0x17c: {  	v60 =	vbroadcast v6, $0xD;
	v28 =	vadd.f32 v62, v28;
	v27 =	vadd.f32 v63, v27  }
0x17d: {  	v61 =	vmul.f32 v51, v54;
	v26 =	vadd.f32 v53, v26;
	v25 =	vadd.f32 v56, v25  }
0x17e: {  	v24 =	vadd.f32 v57, v24;
	v23 =	vadd.f32 v58, v23;
	v62 =	vmul.f32 v52, v60  }
0x17f: {  	v47 =	vld [tilespmem:s16+$0x1A0];
	v22 =	vadd.f32 v59, v22;
	v63 =	vmul.f32 v55, v60;
	v58 =	vbroadcast v5, $0xD  }
0x180: {  	v50 =	vld [tilespmem:s16+$0x180];
	v21 =	vadd.f32 v61, v21;
	v57 =	vmul.f32 v48, v60;
	v59 =	vmul.f32 v51, v60  }
0x181: {  	v54 =	vld [tilespmem:s16+$0x190];
	v20 =	vadd.f32 v62, v20;
	v60 =	vmul.f32 v52, v58;
	v61 =	vmul.f32 v55, v58  }
0x182: {  	v19 =	vadd.f32 v63, v19;
	v62 =	vmul.f32 v48, v58;
	v63 =	vbroadcast v12, $0xE  }
0x183: {  	v18 =	vadd.f32 v57, v18;
	v52 =	vld [tilespmem:s16+$0x1B0];
	v53 =	vmul.f32 v51, v58;
	v58 =	vbroadcast v11, $0xE  }
0x184: {  	v17 =	vadd.f32 v59, v17;
	v12 =	vbroadcast v12, $0xF;
	v11 =	vbroadcast v11, $0xF  }
0x185: {  	v16 =	vadd.f32 v60, v16;
	v15 =	vadd.f32 v61, v15;
	v55 =	vmul.f32 v50, v63  }
0x186: {  	v14 =	vadd.f32 v62, v14;
	v56 =	vmul.f32 v54, v63;
	v57 =	vmul.f32 v47, v63  }
0x187: {  	v13 =	vadd.f32 v53, v13;
	v60 =	vmul.f32 v50, v58;
	v61 =	vmul.f32 v54, v58  }
0x188: {  	v62 =	vmul.f32 v47, v58;
	v44 =	vadd.f32 v55, v44;
	v59 =	vmul.f32 v52, v63  }
0x189: {  	v43 =	vadd.f32 v56, v43;
	v63 =	vbroadcast v10, $0xE;
	v53 =	vmul.f32 v52, v58  }
0x18a: {  	v42 =	vadd.f32 v57, v42;
	v58 =	vbroadcast v9, $0xE;
	v10 =	vbroadcast v10, $0xF  }
0x18b: {  	v48 =	vld [tilespmem:s16+$0x1E0];
	v40 =	vadd.f32 v60, v40;
	v9 =	vbroadcast v9, $0xF;
	v55 =	vmul.f32 v50, v63  }
0x18c: {  	v39 =	vadd.f32 v61, v39;
	v56 =	vmul.f32 v54, v63;
	v57 =	vmul.f32 v47, v63  }
0x18d: {  	v41 =	vadd.f32 v59, v41;
	v59 =	vmul.f32 v52, v63;
	v60 =	vmul.f32 v50, v58  }
0x18e: {  	v38 =	vadd.f32 v62, v38;
	v61 =	vmul.f32 v54, v58;
	v62 =	vmul.f32 v47, v58  }
0x18f: {  	v37 =	vadd.f32 v53, v37;
	v63 =	vbroadcast v8, $0xE;
	v53 =	vmul.f32 v52, v58  }
0x190: {  	v58 =	vbroadcast v7, $0xE;
	v49 =	vmul.f32 v48, v10  }
0x191: {  	v8 =	vbroadcast v8, $0xF;
	v36 =	vadd.f32 v55, v36;
	v35 =	vadd.f32 v56, v35  }
0x192: {  	v7 =	vbroadcast v7, $0xF;
	v34 =	vadd.f32 v57, v34;
	v33 =	vadd.f32 v59, v33  }
0x193: {  	v32 =	vadd.f32 v60, v32;
	v55 =	vmul.f32 v50, v63;
	v56 =	vmul.f32 v54, v63  }
0x194: {  	v31 =	vadd.f32 v61, v31;
	v57 =	vmul.f32 v47, v63;
	v59 =	vmul.f32 v52, v63  }
0x195: {  	v30 =	vadd.f32 v62, v30;
	v60 =	vmul.f32 v50, v58;
	v61 =	vmul.f32 v54, v58  }
0x196: {  	v29 =	vadd.f32 v53, v29;
	v62 =	vmul.f32 v47, v58;
	v63 =	vbroadcast v6, $0xE  }
0x197: {  	v53 =	vmul.f32 v48, v9;
	v28 =	vadd.f32 v55, v28;
	v27 =	vadd.f32 v56, v27  }
0x198: {  	v6 =	vbroadcast v6, $0xF;
	v26 =	vadd.f32 v57, v26;
	v25 =	vadd.f32 v59, v25  }
0x199: {  	v24 =	vadd.f32 v60, v24;
	v23 =	vadd.f32 v61, v23;
	v57 =	vmul.f32 v52, v58  }
0x19a: {  	v22 =	vadd.f32 v62, v22;
	v58 =	vmul.f32 v50, v63;
	v59 =	vmul.f32 v54, v63  }
0x19b: {  	v51 =	vld [tilespmem:s16+$0x1C0];
	v60 =	vmul.f32 v47, v63;
	v61 =	vbroadcast v5, $0xE;
	v34 =	vadd.f32 v49, v34  }
0x19c: {  	v62 =	vmul.f32 v52, v63;
	v30 =	vadd.f32 v53, v30;
	v21 =	vadd.f32 v57, v21  }
0x19d: {  	v5 =	vbroadcast v5, $0xF;
	v20 =	vadd.f32 v58, v20;
	v19 =	vadd.f32 v59, v19  }
0x19e: {  	v18 =	vadd.f32 v60, v18;
	v63 =	vmul.f32 v50, v61;
	v54 =	vmul.f32 v54, v61  }
0x19f: {  	v17 =	vadd.f32 v62, v17;
	v56 =	vmul.f32 v47, v61;
	v57 =	vmul.f32 v52, v61  }
0x1a0: {  	v55 =	vld [tilespmem:s16+$0x1D0];
	v58 =	vmul.f32 v51, v12;
	v60 =	vmul.f32 v48, v12;
	v16 =	vadd.f32 v63, v16  }
0x1a1: {  	v61 =	vmul.f32 v51, v11;
	v15 =	vadd.f32 v54, v15;
	v14 =	vadd.f32 v56, v14  }
0x1a2: {  	v52 =	vmul.f32 v51, v9;
	v13 =	vadd.f32 v57, v13;
	v44 =	vadd.f32 v58, v44  }
0x1a3: {  	v42 =	vadd.f32 v60, v42;
	v54 =	vmul.f32 v51, v8;
	v57 =	vmul.f32 v48, v8  }
0x1a4: {  	v50 =	vld [tilespmem:s16+$0x1F0];
	v40 =	vadd.f32 v61, v40;
	v58 =	vmul.f32 v51, v7;
	v60 =	vmul.f32 v48, v7  }
0x1a5: {  	v32 =	vadd.f32 v52, v32;
	v61 =	vmul.f32 v51, v6;
	v59 =	vmul.f32 v55, v12  }
0x1a6: {  	v62 =	vmul.f32 v55, v11;
	v28 =	vadd.f32 v54, v28;
	v26 =	vadd.f32 v57, v26  }
0x1a7: {  	v63 =	vmul.f32 v55, v10;
	v24 =	vadd.f32 v58, v24;
	v22 =	vadd.f32 v60, v22  }
0x1a8: {  	v56 =	vmul.f32 v55, v8;
	v20 =	vadd.f32 v61, v20;
	v43 =	vadd.f32 v59, v43  }
0x1a9: {  	v12 =	vmul.f32 v50, v12;
	v39 =	vadd.f32 v62, v39;
	v8 =	vmul.f32 v50, v8  }
0x1aa: {  	v35 =	vadd.f32 v63, v35;
	v59 =	vmul.f32 v55, v7;
	v7 =	vmul.f32 v50, v7  }
0x1ab: {  	v27 =	vadd.f32 v56, v27;
	v62 =	vmul.f32 v55, v6;
	v63 =	vmul.f32 v55, v5  }
0x1ac: {  	v41 =	vadd.f32 v12, v41;
	v12 =	vmul.f32 v48, v11;
	v25 =	vadd.f32 v8, v25  }
0x1ad: {  	v11 =	vmul.f32 v50, v11;
	v23 =	vadd.f32 v59, v23;
	v21 =	vadd.f32 v7, v21  }
0x1ae: {  	v7 =	vmul.f32 v48, v6;
	v19 =	vadd.f32 v62, v19;
	v6 =	vmul.f32 v50, v6  }
0x1af: {  	v15 =	vadd.f32 v63, v15;
	v38 =	vadd.f32 v12, v38;
	v12 =	vmul.f32 v51, v10  }
0x1b0: {  	p1 =	sne.s32 s15, $0xF0;
	v37 =	vadd.f32 v11, v37;
	v10 =	vmul.f32 v50, v10;
	v18 =	vadd.f32 v7, v18  }
.Ltmp0:
0x1b1: {  	v7 =	vmul.f32 v51, v5;
	v17 =	vadd.f32 v6, v17;
	v6 =	vmul.f32 v48, v5;
	(pc) =	sbr.rel @p1 .LBB2_3-.Ltmp0, $4  }
0x1b2: {  	v5 =	vmul.f32 v50, v5;
	v36 =	vadd.f32 v12, v36;
	v12 =	vmul.f32 v55, v9  }
0x1b3: {  	v33 =	vadd.f32 v10, v33;
	v9 =	vmul.f32 v50, v9;
	v16 =	vadd.f32 v7, v16  }
0x1b4: {  	v14 =	vadd.f32 v6, v14;
	v13 =	vadd.f32 v5, v13  }
0x1b5: {  	s15 =	sadd.s32 $0x10, s15;
	s16 =	sadd.s32 $0x400, s16;
	v31 =	vadd.f32 v12, v31;
	v29 =	vadd.f32 v9, v29  }
0x1b6: {  	s14 =	sshll.u32 s14, $0x9  }
0x1b7: {  	s14 =	sand.u32 $0x3FFFFE00, s14  }
0x1b8: {  	[tilespmem:s14+$0x5080] =	vst v44  }
0x1b9: {  	[tilespmem:s14+$0x5090] =	vst v43  }
0x1ba: {  	[tilespmem:s14+$0x50A0] =	vst v42  }
0x1bb: {  	[tilespmem:s14+$0x50B0] =	vst v41  }
0x1bc: {  	[tilespmem:s14+$0x50C0] =	vst v40  }
0x1bd: {  	[tilespmem:s14+$0x50D0] =	vst v39  }
0x1be: {  	[tilespmem:s14+$0x50E0] =	vst v38  }
0x1bf: {  	[tilespmem:s14+$0x50F0] =	vst v37  }
0x1c0: {  	[tilespmem:s14+$0x5100] =	vst v36  }
0x1c1: {  	[tilespmem:s14+$0x5110] =	vst v35  }
0x1c2: {  	[tilespmem:s14+$0x5120] =	vst v34  }
0x1c3: {  	[tilespmem:s14+$0x5130] =	vst v33  }
0x1c4: {  	[tilespmem:s14+$0x5140] =	vst v32  }
0x1c5: {  	[tilespmem:s14+$0x5150] =	vst v31  }
0x1c6: {  	[tilespmem:s14+$0x5160] =	vst v30  }
0x1c7: {  	[tilespmem:s14+$0x5170] =	vst v29  }
0x1c8: {  	[tilespmem:s14+$0x5180] =	vst v28  }
0x1c9: {  	[tilespmem:s14+$0x5190] =	vst v27  }
0x1ca: {  	[tilespmem:s14+$0x51A0] =	vst v26  }
0x1cb: {  	[tilespmem:s14+$0x51B0] =	vst v25  }
0x1cc: {  	[tilespmem:s14+$0x51C0] =	vst v24  }
0x1cd: {  	[tilespmem:s14+$0x51D0] =	vst v23  }
0x1ce: {  	[tilespmem:s14+$0x51E0] =	vst v22  }
0x1cf: {  	[tilespmem:s14+$0x51F0] =	vst v21  }
0x1d0: {  	[tilespmem:s14+$0x5200] =	vst v20  }
0x1d1: {  	[tilespmem:s14+$0x5210] =	vst v19  }
0x1d2: {  	[tilespmem:s14+$0x5220] =	vst v18  }
.Ltmp1:
0x1d3: {  	[tilespmem:s14+$0x5230] =	vst v17;
	(pc) =	sbr.rel @p0 .LBB2_2-.Ltmp1, $4  }
0x1d4: {  	[tilespmem:s14+$0x5240] =	vst v16  }
0x1d5: {  	[tilespmem:s14+$0x5250] =	vst v15  }
0x1d6: {  	[tilespmem:s14+$0x5260] =	vst v14  }
0x1d7: {  	s15 =	simm.s32 $0x0;
	v5 =	vimm.f32 $0.0e+00;
	p1 =	por $0x0, $0x0;
	[tilespmem:s14+$0x5270] =	vst v13;
	s14 =	simm.s32 $0x1  }
0x1d8: {  	v1 =	vor.u32 s15, v0;
	_ =	sdelay $0x4  }
0x1d9: {  	s14 =	sadd.s32 $0x1, s15;
	v1 =	vld.idx.msk [tilespmem:v1+s11+$0x0], $0xffff  }
0x1da: {  	v2 =	vor.u32 s14, v0;
	_ =	sdelay $0x3  }
0x1db: {  	s14 =	sadd.s32 $0x1, s14;
	v1 =	vmul.f32 $1.442695020e+00, v1  }
0x1dc: {  	v3 =	vor.u32 s14, v0;
	v2 =	vld.idx.msk [tilespmem:v2+s11+$0x0], $0xffff  }
0x1dd: {  	(erf) = vpow2.f32 v1;
	_ =	sdelay $0x3  }
0x1de: {  	s14 =	sadd.s32 $0x1, s14;
	v2 =	vmul.f32 $1.442695020e+00, v2;
	v1 =	vld.idx.msk [tilespmem:v3+s11+$0x0], $0xffff  }
.LBB2_6:
0x1df: {  	v3 =	vor.u32 s14, v0;
	p0 =	sne.s32 s14, $0x3F;
	s14 =	sadd.s32 $0x1, s14  }
.Ltmp2:
0x1e0: {  	(erf) = vpow2.f32 v2;
	(pc) =	sbr.rel @p0 .LBB2_6-.Ltmp2, $3  }
0x1e1: {  	_ =	sdelay $0x1  }
0x1e2: {  	v4 =	vpop (erf)  }
0x1e3: {  	v2 =	vmul.f32 $1.442695020e+00, v1;
	v1 =	vld.idx.msk [tilespmem:v3+s11+$0x0], $0xffff;
	v5 =	vadd.f32 v4, v5  }
0x1e4: {  	_ =	sdelay $0x3  }
0x1e5: {  	(erf) = vpow2.f32 v2;
	v1 =	vmul.f32 $1.442695020e+00, v1;
	_ =	sdelay $0x1  }
0x1e6: {  	(erf) = vpow2.f32 v1;
	_ =	sdelay $0x4  }
0x1e7: {  	v1 =	vpop (erf)  }
0x1e8: {  	v1 =	vadd.f32 v1, v5  }
0x1e9: {  	v2 =	vpop (erf)  }
0x1ea: {  	v1 =	vadd.f32 v2, v1  }
0x1eb: {  	v2 =	vpop (erf)  }
0x1ec: {  	s13 =	sadd.s32 $0x1, s13;
	v1 =	vadd.f32 v2, v1  }
0x1ed: {  	p0 =	sne.s32 s13, s7  }
.Ltmp3:
0x1ee: {  	[tilespmem:$0x5480] =	vst v1;
	(pc) =	sbr.rel @p0 .LBB2_1-.Ltmp3, $4  }
0x1ef: {  	[hbm4b:s6+s3] =	stream.linear.scatter [tilespmem:s12], [sflag:$0x1], $0x10, $0x38;
	[tilespmem:$0x5500] =	vst v63  }
0x1f0: {  	_ =	swait.ge [sflag:s8], $0x10  }
0x1f1: {  	[sflag:s8] =	ssyncset.done $0x0  }
0x1f2: {  	[sflag:s8] =	ssyncadd.s32 $0xFFFFFFF0  }
0x1f3: {  	_ =	sfence.sel $0x180000  }
0x1f4: {  	[bflag:$0x0] =	sbarrier.arrive $0xFFFF  }
0x1f5: {  	p0 =	sne.s32 s1, $0x0;
	_ =	strace $0x90000047  }
0x1f6: {  	s0 =	sadd.s32 @!p0 $0x100000, s0;
	[bflag:$0x2] =	sbarrier.arrive $0xFFFF  }
0x1f7: {  	[sflag:s0] =	ssyncadd.tile.s32 @!p0 $0x1;
	_ =	shalt  }
.Lfunc_end2:
_tile_overlayer_lowered:
.L_overlay_start_2:
0x1f8: {  	(tag) =	ssettag $0x2  }
0x1f9: {  	s0 =	rddreg [dreg:$0x0];
	s2 =	stileid.u32  }
0x1fa: {  	s1 =	rddreg [dreg:$0x1];
	p0 =	sne.s32 s2, $0x0  }
0x1fb: {  	s3 =	rddreg [dreg:$0x2];
	[bflag:$0x3] =	sbarrier.arrive $0xFFFF;
	s2 =	simm.s32 @!p0 $0x1C01  }
0x1fc: {  	[timem:s3], [sflag:s2] =	dma.local @!p0 [hbm:s0], s1  }
0x1fd: {  	s0 =	simm.s32 @!p0 $0x1  }
0x1fe: {  	_ =	swait.ge @!p0 [sflag:s0], s1  }
0x1ff: {  	s1 =	ssub.s32 @!p0 $0x0, s1;
	[sflag:s0] =	ssyncset.done @!p0 $0x0  }
0x200: {  	[sflag:s0] =	ssyncadd.s32 @!p0 s1  }
0x201: {  	[bflag:$0x3] =	sbarrier.arrive $0xFFFF  }
0x202: {  	_ =	shalt  }

</sc_bundles>
